<compile_context>
chip_gen: v7x
topology: tpu7x:2x2x1
jax: 0.10.2.dev20260603
libtpu: 0.0.44.dev20260713+nightly
codegen_flags: <defaults>
</compile_context>

<pallas_src>
import functools

import jax
import jax.numpy as jnp
from jax import lax
from jax.experimental import pallas as pl
from jax.experimental.pallas import tpu as pltpu
from jax.experimental.pallas import tpu_sc as plsc

NUM_F = 2344
ACC = 32
A_SLOTS = 32
B_TOTAL = 16384
NC, NS, L = 2, 16, 16
NW = NC * NS
BPW = B_TOTAL // NW
NG = BPW // L


def _fq(x, scale, qmin, qmax):
    s = 1.0 / scale
    return jnp.clip(jnp.round(x / s), qmin, qmax) * s


def _splat(params_ref, off):
    return plsc.load_gather(params_ref, [jnp.full((L,), off, jnp.int32)])


def _nnue_body(table_hbm, bf_hbm, wf_hbm, stm_hbm, params_hbm, out_hbm,
               table_v, bf_v, wf_v, stm_v, params_v, out_v, accb_v, accw_v):
    wid = lax.axis_index("s") * NC + lax.axis_index("c")

    pltpu.sync_copy(table_hbm, table_v)
    pltpu.sync_copy(bf_hbm.at[wid], bf_v)
    pltpu.sync_copy(wf_hbm.at[wid], wf_v)
    pltpu.sync_copy(stm_hbm.at[wid], stm_v)
    pltpu.sync_copy(params_hbm, params_v)

    CH = 16

    def group_body(g, _):
        for idx_v, acc_v in ((bf_v, accb_v), (wf_v, accw_v)):
            for half in range(ACC // CH):
                def slot_body(a, carry, idx_v=idx_v, half=half):
                    idx = carry[0]
                    idx_next = idx_v[jnp.minimum(a + 1, A_SLOTS - 1),
                                     pl.ds(g * L, L)]
                    return (idx_next,) + tuple(
                        acc + plsc.load_gather(
                            table_v, [jnp.full((L,), half * CH + c, jnp.int32), idx])
                        for c, acc in enumerate(carry[1:]))

                init = (idx_v[0, pl.ds(g * L, L)],) + tuple(
                    _splat(params_v, 65 + half * CH + c) for c in range(CH))
                accs = lax.fori_loop(0, A_SLOTS, slot_body, init)[1:]
                for c in range(CH):
                    acc_v[half * CH + c, :] = accs[c]

        b_first = stm_v[pl.ds(g * L, L)] == 0
        out = _splat(params_v, 97)
        for c in range(ACC):
            hb = jnp.clip(accb_v[c, :], 0.0, 1.0)
            hw = jnp.clip(accw_v[c, :], 0.0, 1.0)
            first = jnp.where(b_first, hb, hw)
            second = jnp.where(b_first, hw, hb)
            out = out + first * _splat(params_v, 1 + c) + second * _splat(params_v, 33 + c)
        out_v[pl.ds(g * L, L)] = out
        return 0

    lax.fori_loop(0, NG, group_body, 0)
    pltpu.sync_copy(out_v, out_hbm.at[wid])


def kernel(black_features, white_features, stm, ft_weight, ft_bias,
           l1_weight, l1_bias):
    table_t = _fq(ft_weight, 127, -32768, 32767).T
    ftb_q = _fq(ft_bias, 127, -32768, 32767)
    l2w_q = _fq(l1_weight, 64, -128, 127).reshape(-1)
    params = jnp.concatenate(
        [jnp.zeros((1,), jnp.float32), l2w_q, ftb_q, l1_bias,
         jnp.zeros((30,), jnp.float32)])

    def to_tiles(f):
        return f.T.reshape(A_SLOTS, NW, BPW).transpose(1, 0, 2)

    bf = to_tiles(black_features)
    wf = to_tiles(white_features)
    stm_t = stm.reshape(NW, BPW)

    mesh = plsc.VectorSubcoreMesh(core_axis_name="c", subcore_axis_name="s")
    out = pl.kernel(
        _nnue_body,
        out_type=jax.ShapeDtypeStruct((NW, BPW), jnp.float32),
        mesh=mesh,
        compiler_params=pltpu.CompilerParams(
            needs_layout_passes=False, use_tc_tiling_on_sc=False),
        scratch_types=[
            pltpu.VMEM((ACC, NUM_F), jnp.float32),
            pltpu.VMEM((A_SLOTS, BPW), jnp.int32),
            pltpu.VMEM((A_SLOTS, BPW), jnp.int32),
            pltpu.VMEM((BPW,), jnp.int32),
            pltpu.VMEM((128,), jnp.float32),
            pltpu.VMEM((BPW,), jnp.float32),
            pltpu.VMEM((ACC, L), jnp.float32),
            pltpu.VMEM((ACC, L), jnp.float32),
        ],
    )(table_t, bf, wf, stm_t, params)
    return out.reshape(B_TOTAL, 1)

# --- scband reference (transcript-rebuilt; emitter-appended) ---
"""Pipeline reference for scband-nnuemodel-59030030516861 (READ-ONLY COPY).

The authoritative reference and input builder live on the scoring server;
editing this copy changes nothing except your own understanding.
"""

import jax, jax.numpy as jnp
import numpy as np

NUM_FEATURES = 2344
ACCUMULATOR_SIZE = 32


def fake_quantize(x, scale, qmin, qmax):
    # torch: scale = 1/scale; fake_quantize_per_tensor_affine(x, scale, 0, qmin, qmax)
    s = 1.0 / scale
    xq = jnp.round(x / s)
    q = jnp.clip(xq, qmin, qmax) * s
    mask = (xq >= qmin) & (xq <= qmax)
    # straight-through estimator matching torch fake_quantize backward
    return jnp.where(mask, x + jax.lax.stop_gradient(q - x), jax.lax.stop_gradient(q))


def setup_inputs(seed: int = 0):
    key = jax.random.key(seed)
    k1, k2, k3, k4, k5, k6, k7 = jax.random.split(key, 7)
    B = 16384
    A = 32
    black_features = jax.random.randint(k1, (B, A), 0, NUM_FEATURES, dtype=jnp.int32)
    white_features = jax.random.randint(k2, (B, A), 0, NUM_FEATURES, dtype=jnp.int32)
    stm = jax.random.randint(k3, (B,), 0, 2, dtype=jnp.int32)
    std = 1.0 / np.sqrt(NUM_FEATURES)
    ft_weight = jax.random.normal(k4, (NUM_FEATURES, ACCUMULATOR_SIZE), dtype=jnp.float32) * std
    ft_bias = jax.random.normal(k5, (ACCUMULATOR_SIZE,), dtype=jnp.float32) * std
    bound = 1.0 / np.sqrt(ACCUMULATOR_SIZE * 2)
    l1_weight = jax.random.uniform(k6, (1, ACCUMULATOR_SIZE * 2), dtype=jnp.float32, minval=-bound, maxval=bound)
    l1_bias = jax.random.uniform(k7, (1,), dtype=jnp.float32, minval=-bound, maxval=bound)
    return {"black_features": black_features, "white_features": white_features, "stm": stm,
            "ft_weight": ft_weight, "ft_bias": ft_bias, "l1_weight": l1_weight, "l1_bias": l1_bias}


def reference(black_features, white_features, stm, ft_weight, ft_bias, l1_weight, l1_bias):
    q_l1w = fake_quantize(ft_weight, 127, -32768, 32767)
    q_l1b = fake_quantize(ft_bias, 127, -32768, 32767)
    q_l2w = fake_quantize(l1_weight, 64, -128, 127)
    b_acc = jnp.take(q_l1w, black_features, axis=0).sum(axis=1) + q_l1b
    w_acc = jnp.take(q_l1w, white_features, axis=0).sum(axis=1) + q_l1b
    accumulator = jnp.where(stm[:, None] == 0,
                            jnp.concatenate([b_acc, w_acc], axis=1),
                            jnp.concatenate([w_acc, b_acc], axis=1))
    accumulator = jnp.clip(accumulator, 0.0, 1.0)
    return accumulator @ q_l2w.T + l1_bias

if __name__ == "__main__":
    import jax
    _d = setup_inputs()
    print(jax.jit(kernel)(*tuple(_d.values())))

</pallas_src>

<mosaic_0001>
#map = affine_map<(d0, d1) -> (0, 0)>
#map1 = affine_map<(d0, d1) -> (0, 0, 0)>
#map2 = affine_map<(d0, d1) -> (0)>
module attributes {stable_mosaic.version = 14 : i64} {
  func.func @_nnue_body(%arg0: i32, %arg1: i32, %arg2: memref<32x2344xf32, #tpu.memory_space<hbm>>, %arg3: memref<32x32x512xi32, #tpu.memory_space<hbm>>, %arg4: memref<32x32x512xi32, #tpu.memory_space<hbm>>, %arg5: memref<32x512xi32, #tpu.memory_space<hbm>>, %arg6: memref<128xf32, #tpu.memory_space<hbm>>, %arg7: memref<32x512xf32, #tpu.memory_space<hbm>>, %arg8: memref<32x2344xf32, #tpu.memory_space<vmem>>, %arg9: memref<32x512xi32, #tpu.memory_space<vmem>>, %arg10: memref<32x512xi32, #tpu.memory_space<vmem>>, %arg11: memref<512xi32, #tpu.memory_space<vmem>>, %arg12: memref<128xf32, #tpu.memory_space<vmem>>, %arg13: memref<512xf32, #tpu.memory_space<vmem>>, %arg14: memref<32x16xf32, #tpu.memory_space<vmem>>, %arg15: memref<32x16xf32, #tpu.memory_space<vmem>>) attributes {dimension_semantics = [#tpu.dimension_semantics<core_parallel>, #tpu.dimension_semantics<subcore_parallel>], iteration_bounds = array<i64: 2, 16>, scalar_prefetch = 0 : i64, scratch_operands = 8 : i64, tpu.core_type = #tpu.core_type<sc_vector_subcore>, window_params = [{transform_indices = #map}, {transform_indices = #map1}, {transform_indices = #map1}, {transform_indices = #map}, {transform_indices = #map2}, {transform_indices = #map}]} {
    %mul3A = arith.constant 2 : i32
    %mul3A_0 = arith.muli %arg1, %mul3A : i32
    %add3A = arith.addi %mul3A_0, %arg0 : i32
    "tpu.region"() ({
      %run_scoped3A = tpu.sem_alloc : memref<!tpu.dma_semaphore, #tpu.memory_space<semaphore_mem>>
      tpu.enqueue_dma source(%arg2 : memref<32x2344xf32, #tpu.memory_space<hbm>>) target(%arg8 : memref<32x2344xf32, #tpu.memory_space<vmem>>) target_semaphore(%run_scoped3A : memref<!tpu.dma_semaphore, #tpu.memory_space<semaphore_mem>>)
      tpu.wait_dma2 semaphore(%run_scoped3A : memref<!tpu.dma_semaphore, #tpu.memory_space<semaphore_mem>>) src(%arg2 : memref<32x2344xf32, #tpu.memory_space<hbm>>) dst(%arg8 : memref<32x2344xf32, #tpu.memory_space<vmem>>)
      tpu.yield
    }) : () -> ()
    "tpu.region"() ({
      %run_scoped3A = tpu.sem_alloc : memref<!tpu.dma_semaphore, #tpu.memory_space<semaphore_mem>>
      %dma_start3A = arith.constant 0 : i32
      %dma_start3A_7 = arith.constant 0 : i32
      %dma_start3A_8 = tpu.memref_slice %arg3[%add3A, %dma_start3A, %dma_start3A_7] : memref<32x32x512xi32, #tpu.memory_space<hbm>> -> memref<1x32x512xi32, #tpu.memory_space<hbm>>
      %dma_start3A_9 = tpu.memref_squeeze %dma_start3A_8 : memref<1x32x512xi32, #tpu.memory_space<hbm>> -> memref<32x512xi32, #tpu.memory_space<hbm>>
      %dma_start3A_10 = arith.constant 0 : i32
      %dma_start3A_11 = arith.constant 0 : i32
      %dma_start3A_12 = tpu.memref_slice %arg3[%add3A, %dma_start3A_10, %dma_start3A_11] : memref<32x32x512xi32, #tpu.memory_space<hbm>> -> memref<1x32x512xi32, #tpu.memory_space<hbm>>
      %dma_start3A_13 = tpu.memref_squeeze %dma_start3A_12 : memref<1x32x512xi32, #tpu.memory_space<hbm>> -> memref<32x512xi32, #tpu.memory_space<hbm>>
      tpu.enqueue_dma source(%dma_start3A_13 : memref<32x512xi32, #tpu.memory_space<hbm>>) target(%arg9 : memref<32x512xi32, #tpu.memory_space<vmem>>) target_semaphore(%run_scoped3A : memref<!tpu.dma_semaphore, #tpu.memory_space<semaphore_mem>>)
      %dma_wait3A = arith.constant 0 : i32
      %dma_wait3A_14 = arith.constant 0 : i32
      %dma_wait3A_15 = tpu.memref_slice %arg3[%add3A, %dma_wait3A, %dma_wait3A_14] : memref<32x32x512xi32, #tpu.memory_space<hbm>> -> memref<1x32x512xi32, #tpu.memory_space<hbm>>
      %dma_wait3A_16 = tpu.memref_squeeze %dma_wait3A_15 : memref<1x32x512xi32, #tpu.memory_space<hbm>> -> memref<32x512xi32, #tpu.memory_space<hbm>>
      %dma_wait3A_17 = arith.constant 0 : i32
      %dma_wait3A_18 = arith.constant 0 : i32
      %dma_wait3A_19 = tpu.memref_slice %arg3[%add3A, %dma_wait3A_17, %dma_wait3A_18] : memref<32x32x512xi32, #tpu.memory_space<hbm>> -> memref<1x32x512xi32, #tpu.memory_space<hbm>>
      %dma_wait3A_20 = tpu.memref_squeeze %dma_wait3A_19 : memref<1x32x512xi32, #tpu.memory_space<hbm>> -> memref<32x512xi32, #tpu.memory_space<hbm>>
      tpu.wait_dma2 semaphore(%run_scoped3A : memref<!tpu.dma_semaphore, #tpu.memory_space<semaphore_mem>>) src(%dma_wait3A_20 : memref<32x512xi32, #tpu.memory_space<hbm>>) dst(%arg9 : memref<32x512xi32, #tpu.memory_space<vmem>>)
      tpu.yield
    }) : () -> ()
    "tpu.region"() ({
      %run_scoped3A = tpu.sem_alloc : memref<!tpu.dma_semaphore, #tpu.memory_space<semaphore_mem>>
      %dma_start3A = arith.constant 0 : i32
      %dma_start3A_7 = arith.constant 0 : i32
      %dma_start3A_8 = tpu.memref_slice %arg4[%add3A, %dma_start3A, %dma_start3A_7] : memref<32x32x512xi32, #tpu.memory_space<hbm>> -> memref<1x32x512xi32, #tpu.memory_space<hbm>>
      %dma_start3A_9 = tpu.memref_squeeze %dma_start3A_8 : memref<1x32x512xi32, #tpu.memory_space<hbm>> -> memref<32x512xi32, #tpu.memory_space<hbm>>
      %dma_start3A_10 = arith.constant 0 : i32
      %dma_start3A_11 = arith.constant 0 : i32
      %dma_start3A_12 = tpu.memref_slice %arg4[%add3A, %dma_start3A_10, %dma_start3A_11] : memref<32x32x512xi32, #tpu.memory_space<hbm>> -> memref<1x32x512xi32, #tpu.memory_space<hbm>>
      %dma_start3A_13 = tpu.memref_squeeze %dma_start3A_12 : memref<1x32x512xi32, #tpu.memory_space<hbm>> -> memref<32x512xi32, #tpu.memory_space<hbm>>
      tpu.enqueue_dma source(%dma_start3A_13 : memref<32x512xi32, #tpu.memory_space<hbm>>) target(%arg10 : memref<32x512xi32, #tpu.memory_space<vmem>>) target_semaphore(%run_scoped3A : memref<!tpu.dma_semaphore, #tpu.memory_space<semaphore_mem>>)
      %dma_wait3A = arith.constant 0 : i32
      %dma_wait3A_14 = arith.constant 0 : i32
      %dma_wait3A_15 = tpu.memref_slice %arg4[%add3A, %dma_wait3A, %dma_wait3A_14] : memref<32x32x512xi32, #tpu.memory_space<hbm>> -> memref<1x32x512xi32, #tpu.memory_space<hbm>>
      %dma_wait3A_16 = tpu.memref_squeeze %dma_wait3A_15 : memref<1x32x512xi32, #tpu.memory_space<hbm>> -> memref<32x512xi32, #tpu.memory_space<hbm>>
      %dma_wait3A_17 = arith.constant 0 : i32
      %dma_wait3A_18 = arith.constant 0 : i32
      %dma_wait3A_19 = tpu.memref_slice %arg4[%add3A, %dma_wait3A_17, %dma_wait3A_18] : memref<32x32x512xi32, #tpu.memory_space<hbm>> -> memref<1x32x512xi32, #tpu.memory_space<hbm>>
      %dma_wait3A_20 = tpu.memref_squeeze %dma_wait3A_19 : memref<1x32x512xi32, #tpu.memory_space<hbm>> -> memref<32x512xi32, #tpu.memory_space<hbm>>
      tpu.wait_dma2 semaphore(%run_scoped3A : memref<!tpu.dma_semaphore, #tpu.memory_space<semaphore_mem>>) src(%dma_wait3A_20 : memref<32x512xi32, #tpu.memory_space<hbm>>) dst(%arg10 : memref<32x512xi32, #tpu.memory_space<vmem>>)
      tpu.yield
    }) : () -> ()
    "tpu.region"() ({
      %run_scoped3A = tpu.sem_alloc : memref<!tpu.dma_semaphore, #tpu.memory_space<semaphore_mem>>
      %dma_start3A = arith.constant 0 : i32
      %dma_start3A_7 = tpu.memref_slice %arg5[%add3A, %dma_start3A] : memref<32x512xi32, #tpu.memory_space<hbm>> -> memref<1x512xi32, #tpu.memory_space<hbm>>
      %dma_start3A_8 = tpu.memref_squeeze %dma_start3A_7 : memref<1x512xi32, #tpu.memory_space<hbm>> -> memref<512xi32, #tpu.memory_space<hbm>>
      %dma_start3A_9 = arith.constant 0 : i32
      %dma_start3A_10 = tpu.memref_slice %arg5[%add3A, %dma_start3A_9] : memref<32x512xi32, #tpu.memory_space<hbm>> -> memref<1x512xi32, #tpu.memory_space<hbm>>
      %dma_start3A_11 = tpu.memref_squeeze %dma_start3A_10 : memref<1x512xi32, #tpu.memory_space<hbm>> -> memref<512xi32, #tpu.memory_space<hbm>>
      tpu.enqueue_dma source(%dma_start3A_11 : memref<512xi32, #tpu.memory_space<hbm>>) target(%arg11 : memref<512xi32, #tpu.memory_space<vmem>>) target_semaphore(%run_scoped3A : memref<!tpu.dma_semaphore, #tpu.memory_space<semaphore_mem>>)
      %dma_wait3A = arith.constant 0 : i32
      %dma_wait3A_12 = tpu.memref_slice %arg5[%add3A, %dma_wait3A] : memref<32x512xi32, #tpu.memory_space<hbm>> -> memref<1x512xi32, #tpu.memory_space<hbm>>
      %dma_wait3A_13 = tpu.memref_squeeze %dma_wait3A_12 : memref<1x512xi32, #tpu.memory_space<hbm>> -> memref<512xi32, #tpu.memory_space<hbm>>
      %dma_wait3A_14 = arith.constant 0 : i32
      %dma_wait3A_15 = tpu.memref_slice %arg5[%add3A, %dma_wait3A_14] : memref<32x512xi32, #tpu.memory_space<hbm>> -> memref<1x512xi32, #tpu.memory_space<hbm>>
      %dma_wait3A_16 = tpu.memref_squeeze %dma_wait3A_15 : memref<1x512xi32, #tpu.memory_space<hbm>> -> memref<512xi32, #tpu.memory_space<hbm>>
      tpu.wait_dma2 semaphore(%run_scoped3A : memref<!tpu.dma_semaphore, #tpu.memory_space<semaphore_mem>>) src(%dma_wait3A_16 : memref<512xi32, #tpu.memory_space<hbm>>) dst(%arg11 : memref<512xi32, #tpu.memory_space<vmem>>)
      tpu.yield
    }) : () -> ()
    "tpu.region"() ({
      %run_scoped3A = tpu.sem_alloc : memref<!tpu.dma_semaphore, #tpu.memory_space<semaphore_mem>>
      tpu.enqueue_dma source(%arg6 : memref<128xf32, #tpu.memory_space<hbm>>) target(%arg12 : memref<128xf32, #tpu.memory_space<vmem>>) target_semaphore(%run_scoped3A : memref<!tpu.dma_semaphore, #tpu.memory_space<semaphore_mem>>)
      tpu.wait_dma2 semaphore(%run_scoped3A : memref<!tpu.dma_semaphore, #tpu.memory_space<semaphore_mem>>) src(%arg6 : memref<128xf32, #tpu.memory_space<hbm>>) dst(%arg12 : memref<128xf32, #tpu.memory_space<vmem>>)
      tpu.yield
    }) : () -> ()
    %scan3A = arith.constant 0 : i32
    %scan3A_1 = arith.constant 0 : i32
    %scan3A_2 = arith.constant 32 : i32
    %scan3A_3 = arith.addi %scan3A_1, %scan3A_2 : i32
    %scan3A_4 = arith.constant 1 : i32
    %scan3A_5 = scf.for %scan3A_7 = %scan3A_1 to %scan3A_3 step %scan3A_4 iter_args(%scan3A_8 = %scan3A) -> (i32)  : i32 {
      %mul3A_9 = arith.constant 16 : i32
      %mul3A_10 = arith.muli %scan3A_7, %mul3A_9 : i32
      %get3A = arith.constant 0 : i32
      %get3A_11 = arith.index_cast %get3A : i32 to index
      %get3A_12 = arith.index_cast %mul3A_10 : i32 to index
      %get3A_13 = tpu.vector_load %arg9[%get3A_11, %get3A_12] {strides = array<i32>} : memref<32x512xi32, #tpu.memory_space<vmem>>, vector<16xi32>,
      %broadcast_in_dim3A = arith.constant 65 : i32
      %broadcast_in_dim3A_14 = vector.broadcast %broadcast_in_dim3A : i32 to vector<16xi32>
      %gather3A = tpu.vector_load_idx %arg12[%broadcast_in_dim3A_14] : memref<128xf32, #tpu.memory_space<vmem>>[vector<16xi32>], vector<16xf32>,
      %broadcast_in_dim3A_15 = arith.constant 66 : i32
      %broadcast_in_dim3A_16 = vector.broadcast %broadcast_in_dim3A_15 : i32 to vector<16xi32>
      %gather3A_17 = tpu.vector_load_idx %arg12[%broadcast_in_dim3A_16] : memref<128xf32, #tpu.memory_space<vmem>>[vector<16xi32>], vector<16xf32>,
      %broadcast_in_dim3A_18 = arith.constant 67 : i32
      %broadcast_in_dim3A_19 = vector.broadcast %broadcast_in_dim3A_18 : i32 to vector<16xi32>
      %gather3A_20 = tpu.vector_load_idx %arg12[%broadcast_in_dim3A_19] : memref<128xf32, #tpu.memory_space<vmem>>[vector<16xi32>], vector<16xf32>,
      %broadcast_in_dim3A_21 = arith.constant 68 : i32
      %broadcast_in_dim3A_22 = vector.broadcast %broadcast_in_dim3A_21 : i32 to vector<16xi32>
      %gather3A_23 = tpu.vector_load_idx %arg12[%broadcast_in_dim3A_22] : memref<128xf32, #tpu.memory_space<vmem>>[vector<16xi32>], vector<16xf32>,
      %broadcast_in_dim3A_24 = arith.constant 69 : i32
      %broadcast_in_dim3A_25 = vector.broadcast %broadcast_in_dim3A_24 : i32 to vector<16xi32>
      %gather3A_26 = tpu.vector_load_idx %arg12[%broadcast_in_dim3A_25] : memref<128xf32, #tpu.memory_space<vmem>>[vector<16xi32>], vector<16xf32>,
      %broadcast_in_dim3A_27 = arith.constant 70 : i32
      %broadcast_in_dim3A_28 = vector.broadcast %broadcast_in_dim3A_27 : i32 to vector<16xi32>
      %gather3A_29 = tpu.vector_load_idx %arg12[%broadcast_in_dim3A_28] : memref<128xf32, #tpu.memory_space<vmem>>[vector<16xi32>], vector<16xf32>,
      %broadcast_in_dim3A_30 = arith.constant 71 : i32
      %broadcast_in_dim3A_31 = vector.broadcast %broadcast_in_dim3A_30 : i32 to vector<16xi32>
      %gather3A_32 = tpu.vector_load_idx %arg12[%broadcast_in_dim3A_31] : memref<128xf32, #tpu.memory_space<vmem>>[vector<16xi32>], vector<16xf32>,
      %broadcast_in_dim3A_33 = arith.constant 72 : i32
      %broadcast_in_dim3A_34 = vector.broadcast %broadcast_in_dim3A_33 : i32 to vector<16xi32>
      %gather3A_35 = tpu.vector_load_idx %arg12[%broadcast_in_dim3A_34] : memref<128xf32, #tpu.memory_space<vmem>>[vector<16xi32>], vector<16xf32>,
      %broadcast_in_dim3A_36 = arith.constant 73 : i32
      %broadcast_in_dim3A_37 = vector.broadcast %broadcast_in_dim3A_36 : i32 to vector<16xi32>
      %gather3A_38 = tpu.vector_load_idx %arg12[%broadcast_in_dim3A_37] : memref<128xf32, #tpu.memory_space<vmem>>[vector<16xi32>], vector<16xf32>,
      %broadcast_in_dim3A_39 = arith.constant 74 : i32
      %broadcast_in_dim3A_40 = vector.broadcast %broadcast_in_dim3A_39 : i32 to vector<16xi32>
      %gather3A_41 = tpu.vector_load_idx %arg12[%broadcast_in_dim3A_40] : memref<128xf32, #tpu.memory_space<vmem>>[vector<16xi32>], vector<16xf32>,
      %broadcast_in_dim3A_42 = arith.constant 75 : i32
      %broadcast_in_dim3A_43 = vector.broadcast %broadcast_in_dim3A_42 : i32 to vector<16xi32>
      %gather3A_44 = tpu.vector_load_idx %arg12[%broadcast_in_dim3A_43] : memref<128xf32, #tpu.memory_space<vmem>>[vector<16xi32>], vector<16xf32>,
      %broadcast_in_dim3A_45 = arith.constant 76 : i32
      %broadcast_in_dim3A_46 = vector.broadcast %broadcast_in_dim3A_45 : i32 to vector<16xi32>
      %gather3A_47 = tpu.vector_load_idx %arg12[%broadcast_in_dim3A_46] : memref<128xf32, #tpu.memory_space<vmem>>[vector<16xi32>], vector<16xf32>,
      %broadcast_in_dim3A_48 = arith.constant 77 : i32
      %broadcast_in_dim3A_49 = vector.broadcast %broadcast_in_dim3A_48 : i32 to vector<16xi32>
      %gather3A_50 = tpu.vector_load_idx %arg12[%broadcast_in_dim3A_49] : memref<128xf32, #tpu.memory_space<vmem>>[vector<16xi32>], vector<16xf32>,
      %broadcast_in_dim3A_51 = arith.constant 78 : i32
      %broadcast_in_dim3A_52 = vector.broadcast %broadcast_in_dim3A_51 : i32 to vector<16xi32>
      %gather3A_53 = tpu.vector_load_idx %arg12[%broadcast_in_dim3A_52] : memref<128xf32, #tpu.memory_space<vmem>>[vector<16xi32>], vector<16xf32>,
      %broadcast_in_dim3A_54 = arith.constant 79 : i32
      %broadcast_in_dim3A_55 = vector.broadcast %broadcast_in_dim3A_54 : i32 to vector<16xi32>
      %gather3A_56 = tpu.vector_load_idx %arg12[%broadcast_in_dim3A_55] : memref<128xf32, #tpu.memory_space<vmem>>[vector<16xi32>], vector<16xf32>,
      %broadcast_in_dim3A_57 = arith.constant 80 : i32
      %broadcast_in_dim3A_58 = vector.broadcast %broadcast_in_dim3A_57 : i32 to vector<16xi32>
      %gather3A_59 = tpu.vector_load_idx %arg12[%broadcast_in_dim3A_58] : memref<128xf32, #tpu.memory_space<vmem>>[vector<16xi32>], vector<16xf32>,
      %scan3A_60 = arith.constant 0 : i32
      %scan3A_61 = arith.constant 32 : i32
      %scan3A_62 = arith.addi %scan3A_60, %scan3A_61 : i32
      %scan3A_63 = arith.constant 1 : i32
      %scan3A_64:17 = scf.for %scan3A_1535 = %scan3A_60 to %scan3A_62 step %scan3A_63 iter_args(%scan3A_1536 = %get3A_13, %scan3A_1537 = %gather3A, %scan3A_1538 = %gather3A_17, %scan3A_1539 = %gather3A_20, %scan3A_1540 = %gather3A_23, %scan3A_1541 = %gather3A_26, %scan3A_1542 = %gather3A_29, %scan3A_1543 = %gather3A_32, %scan3A_1544 = %gather3A_35, %scan3A_1545 = %gather3A_38, %scan3A_1546 = %gather3A_41, %scan3A_1547 = %gather3A_44, %scan3A_1548 = %gather3A_47, %scan3A_1549 = %gather3A_50, %scan3A_1550 = %gather3A_53, %scan3A_1551 = %gather3A_56, %scan3A_1552 = %gather3A_59) -> (vector<16xi32>, vector<16xf32>, vector<16xf32>, vector<16xf32>, vector<16xf32>, vector<16xf32>, vector<16xf32>, vector<16xf32>, vector<16xf32>, vector<16xf32>, vector<16xf32>, vector<16xf32>, vector<16xf32>, vector<16xf32>, vector<16xf32>, vector<16xf32>, vector<16xf32>)  : i32 {
        %add3A_1553 = arith.constant 1 : i32
        %add3A_1554 = arith.addi %scan3A_1535, %add3A_1553 : i32
        %min3A_1555 = arith.constant 31 : i32
        %min3A_1556 = arith.minsi %add3A_1554, %min3A_1555 : i32
        %mul3A_1557 = arith.constant 16 : i32
        %mul3A_1558 = arith.muli %scan3A_7, %mul3A_1557 : i32
        %get3A_1559 = arith.index_cast %min3A_1556 : i32 to index
        %get3A_1560 = arith.index_cast %mul3A_1558 : i32 to index
        %get3A_1561 = tpu.vector_load %arg9[%get3A_1559, %get3A_1560] {strides = array<i32>} : memref<32x512xi32, #tpu.memory_space<vmem>>, vector<16xi32>,
        %broadcast_in_dim3A_1562 = arith.constant 0 : i32
        %broadcast_in_dim3A_1563 = vector.broadcast %broadcast_in_dim3A_1562 : i32 to vector<16xi32>
        %gather3A_1564 = tpu.vector_load_idx %arg8[%broadcast_in_dim3A_1563, %scan3A_1536] : memref<32x2344xf32, #tpu.memory_space<vmem>>[vector<16xi32>, vector<16xi32>], vector<16xf32>,
        %add3A_1565 = arith.addf %scan3A_1537, %gather3A_1564 : vector<16xf32>
        %broadcast_in_dim3A_1566 = arith.constant 1 : i32
        %broadcast_in_dim3A_1567 = vector.broadcast %broadcast_in_dim3A_1566 : i32 to vector<16xi32>
        %gather3A_1568 = tpu.vector_load_idx %arg8[%broadcast_in_dim3A_1567, %scan3A_1536] : memref<32x2344xf32, #tpu.memory_space<vmem>>[vector<16xi32>, vector<16xi32>], vector<16xf32>,
        %add3A_1569 = arith.addf %scan3A_1538, %gather3A_1568 : vector<16xf32>
        %broadcast_in_dim3A_1570 = arith.constant 2 : i32
        %broadcast_in_dim3A_1571 = vector.broadcast %broadcast_in_dim3A_1570 : i32 to vector<16xi32>
        %gather3A_1572 = tpu.vector_load_idx %arg8[%broadcast_in_dim3A_1571, %scan3A_1536] : memref<32x2344xf32, #tpu.memory_space<vmem>>[vector<16xi32>, vector<16xi32>], vector<16xf32>,
        %add3A_1573 = arith.addf %scan3A_1539, %gather3A_1572 : vector<16xf32>
        %broadcast_in_dim3A_1574 = arith.constant 3 : i32
        %broadcast_in_dim3A_1575 = vector.broadcast %broadcast_in_dim3A_1574 : i32 to vector<16xi32>
        %gather3A_1576 = tpu.vector_load_idx %arg8[%broadcast_in_dim3A_1575, %scan3A_1536] : memref<32x2344xf32, #tpu.memory_space<vmem>>[vector<16xi32>, vector<16xi32>], vector<16xf32>,
        %add3A_1577 = arith.addf %scan3A_1540, %gather3A_1576 : vector<16xf32>
        %broadcast_in_dim3A_1578 = arith.constant 4 : i32
        %broadcast_in_dim3A_1579 = vector.broadcast %broadcast_in_dim3A_1578 : i32 to vector<16xi32>
        %gather3A_1580 = tpu.vector_load_idx %arg8[%broadcast_in_dim3A_1579, %scan3A_1536] : memref<32x2344xf32, #tpu.memory_space<vmem>>[vector<16xi32>, vector<16xi32>], vector<16xf32>,
        %add3A_1581 = arith.addf %scan3A_1541, %gather3A_1580 : vector<16xf32>
        %broadcast_in_dim3A_1582 = arith.constant 5 : i32
        %broadcast_in_dim3A_1583 = vector.broadcast %broadcast_in_dim3A_1582 : i32 to vector<16xi32>
        %gather3A_1584 = tpu.vector_load_idx %arg8[%broadcast_in_dim3A_1583, %scan3A_1536] : memref<32x2344xf32, #tpu.memory_space<vmem>>[vector<16xi32>, vector<16xi32>], vector<16xf32>,
        %add3A_1585 = arith.addf %scan3A_1542, %gather3A_1584 : vector<16xf32>
        %broadcast_in_dim3A_1586 = arith.constant 6 : i32
        %broadcast_in_dim3A_1587 = vector.broadcast %broadcast_in_dim3A_1586 : i32 to vector<16xi32>
        %gather3A_1588 = tpu.vector_load_idx %arg8[%broadcast_in_dim3A_1587, %scan3A_1536] : memref<32x2344xf32, #tpu.memory_space<vmem>>[vector<16xi32>, vector<16xi32>], vector<16xf32>,
        %add3A_1589 = arith.addf %scan3A_1543, %gather3A_1588 : vector<16xf32>
        %broadcast_in_dim3A_1590 = arith.constant 7 : i32
        %broadcast_in_dim3A_1591 = vector.broadcast %broadcast_in_dim3A_1590 : i32 to vector<16xi32>
        %gather3A_1592 = tpu.vector_load_idx %arg8[%broadcast_in_dim3A_1591, %scan3A_1536] : memref<32x2344xf32, #tpu.memory_space<vmem>>[vector<16xi32>, vector<16xi32>], vector<16xf32>,
        %add3A_1593 = arith.addf %scan3A_1544, %gather3A_1592 : vector<16xf32>
        %broadcast_in_dim3A_1594 = arith.constant 8 : i32
        %broadcast_in_dim3A_1595 = vector.broadcast %broadcast_in_dim3A_1594 : i32 to vector<16xi32>
        %gather3A_1596 = tpu.vector_load_idx %arg8[%broadcast_in_dim3A_1595, %scan3A_1536] : memref<32x2344xf32, #tpu.memory_space<vmem>>[vector<16xi32>, vector<16xi32>], vector<16xf32>,
        %add3A_1597 = arith.addf %scan3A_1545, %gather3A_1596 : vector<16xf32>
        %broadcast_in_dim3A_1598 = arith.constant 9 : i32
        %broadcast_in_dim3A_1599 = vector.broadcast %broadcast_in_dim3A_1598 : i32 to vector<16xi32>
        %gather3A_1600 = tpu.vector_load_idx %arg8[%broadcast_in_dim3A_1599, %scan3A_1536] : memref<32x2344xf32, #tpu.memory_space<vmem>>[vector<16xi32>, vector<16xi32>], vector<16xf32>,
        %add3A_1601 = arith.addf %scan3A_1546, %gather3A_1600 : vector<16xf32>
        %broadcast_in_dim3A_1602 = arith.constant 10 : i32
        %broadcast_in_dim3A_1603 = vector.broadcast %broadcast_in_dim3A_1602 : i32 to vector<16xi32>
        %gather3A_1604 = tpu.vector_load_idx %arg8[%broadcast_in_dim3A_1603, %scan3A_1536] : memref<32x2344xf32, #tpu.memory_space<vmem>>[vector<16xi32>, vector<16xi32>], vector<16xf32>,
        %add3A_1605 = arith.addf %scan3A_1547, %gather3A_1604 : vector<16xf32>
        %broadcast_in_dim3A_1606 = arith.constant 11 : i32
        %broadcast_in_dim3A_1607 = vector.broadcast %broadcast_in_dim3A_1606 : i32 to vector<16xi32>
        %gather3A_1608 = tpu.vector_load_idx %arg8[%broadcast_in_dim3A_1607, %scan3A_1536] : memref<32x2344xf32, #tpu.memory_space<vmem>>[vector<16xi32>, vector<16xi32>], vector<16xf32>,
        %add3A_1609 = arith.addf %scan3A_1548, %gather3A_1608 : vector<16xf32>
        %broadcast_in_dim3A_1610 = arith.constant 12 : i32
        %broadcast_in_dim3A_1611 = vector.broadcast %broadcast_in_dim3A_1610 : i32 to vector<16xi32>
        %gather3A_1612 = tpu.vector_load_idx %arg8[%broadcast_in_dim3A_1611, %scan3A_1536] : memref<32x2344xf32, #tpu.memory_space<vmem>>[vector<16xi32>, vector<16xi32>], vector<16xf32>,
        %add3A_1613 = arith.addf %scan3A_1549, %gather3A_1612 : vector<16xf32>
        %broadcast_in_dim3A_1614 = arith.constant 13 : i32
        %broadcast_in_dim3A_1615 = vector.broadcast %broadcast_in_dim3A_1614 : i32 to vector<16xi32>
        %gather3A_1616 = tpu.vector_load_idx %arg8[%broadcast_in_dim3A_1615, %scan3A_1536] : memref<32x2344xf32, #tpu.memory_space<vmem>>[vector<16xi32>, vector<16xi32>], vector<16xf32>,
        %add3A_1617 = arith.addf %scan3A_1550, %gather3A_1616 : vector<16xf32>
        %broadcast_in_dim3A_1618 = arith.constant 14 : i32
        %broadcast_in_dim3A_1619 = vector.broadcast %broadcast_in_dim3A_1618 : i32 to vector<16xi32>
        %gather3A_1620 = tpu.vector_load_idx %arg8[%broadcast_in_dim3A_1619, %scan3A_1536] : memref<32x2344xf32, #tpu.memory_space<vmem>>[vector<16xi32>, vector<16xi32>], vector<16xf32>,
        %add3A_1621 = arith.addf %scan3A_1551, %gather3A_1620 : vector<16xf32>
        %broadcast_in_dim3A_1622 = arith.constant 15 : i32
        %broadcast_in_dim3A_1623 = vector.broadcast %broadcast_in_dim3A_1622 : i32 to vector<16xi32>
        %gather3A_1624 = tpu.vector_load_idx %arg8[%broadcast_in_dim3A_1623, %scan3A_1536] : memref<32x2344xf32, #tpu.memory_space<vmem>>[vector<16xi32>, vector<16xi32>], vector<16xf32>,
        %add3A_1625 = arith.addf %scan3A_1552, %gather3A_1624 : vector<16xf32>
        scf.yield %get3A_1561, %add3A_1565, %add3A_1569, %add3A_1573, %add3A_1577, %add3A_1581, %add3A_1585, %add3A_1589, %add3A_1593, %add3A_1597, %add3A_1601, %add3A_1605, %add3A_1609, %add3A_1613, %add3A_1617, %add3A_1621, %add3A_1625 : vector<16xi32>, vector<16xf32>, vector<16xf32>, vector<16xf32>, vector<16xf32>, vector<16xf32>, vector<16xf32>, vector<16xf32>, vector<16xf32>, vector<16xf32>, vector<16xf32>, vector<16xf32>, vector<16xf32>, vector<16xf32>, vector<16xf32>, vector<16xf32>, vector<16xf32>
      }
      %scan3A_65 = arith.constant 32 : i32
      %swap3A = arith.constant 0 : i32
      %swap3A_66 = arith.index_cast %swap3A : i32 to index
      %swap3A_67 = arith.constant 0 : index
      %swap3A_68 = tpu.vector_load %arg14[%swap3A_66, %swap3A_67] {strides = array<i32>} : memref<32x16xf32, #tpu.memory_space<vmem>>, vector<16xf32>,
      tpu.vector_store %arg14[%swap3A_66, %swap3A_67], %scan3A_64#1 {strides = array<i32>} : memref<32x16xf32, #tpu.memory_space<vmem>>, vector<16xf32>,
      %swap3A_69 = arith.constant 1 : i32
      %swap3A_70 = arith.index_cast %swap3A_69 : i32 to index
      %swap3A_71 = arith.constant 0 : index
      %swap3A_72 = tpu.vector_load %arg14[%swap3A_70, %swap3A_71] {strides = array<i32>} : memref<32x16xf32, #tpu.memory_space<vmem>>, vector<16xf32>,
      tpu.vector_store %arg14[%swap3A_70, %swap3A_71], %scan3A_64#2 {strides = array<i32>} : memref<32x16xf32, #tpu.memory_space<vmem>>, vector<16xf32>,
      %swap3A_73 = arith.constant 2 : i32
      %swap3A_74 = arith.index_cast %swap3A_73 : i32 to index
      %swap3A_75 = arith.constant 0 : index
      %swap3A_76 = tpu.vector_load %arg14[%swap3A_74, %swap3A_75] {strides = array<i32>} : memref<32x16xf32, #tpu.memory_space<vmem>>, vector<16xf32>,
      tpu.vector_store %arg14[%swap3A_74, %swap3A_75], %scan3A_64#3 {strides = array<i32>} : memref<32x16xf32, #tpu.memory_space<vmem>>, vector<16xf32>,
      %swap3A_77 = arith.constant 3 : i32
      %swap3A_78 = arith.index_cast %swap3A_77 : i32 to index
      %swap3A_79 = arith.constant 0 : index
      %swap3A_80 = tpu.vector_load %arg14[%swap3A_78, %swap3A_79] {strides = array<i32>} : memref<32x16xf32, #tpu.memory_space<vmem>>, vector<16xf32>,
      tpu.vector_store %arg14[%swap3A_78, %swap3A_79], %scan3A_64#4 {strides = array<i32>} : memref<32x16xf32, #tpu.memory_space<vmem>>, vector<16xf32>,
      %swap3A_81 = arith.constant 4 : i32
      %swap3A_82 = arith.index_cast %swap3A_81 : i32 to index
      %swap3A_83 = arith.constant 0 : index
      %swap3A_84 = tpu.vector_load %arg14[%swap3A_82, %swap3A_83] {strides = array<i32>} : memref<32x16xf32, #tpu.memory_space<vmem>>, vector<16xf32>,
      tpu.vector_store %arg14[%swap3A_82, %swap3A_83], %scan3A_64#5 {strides = array<i32>} : memref<32x16xf32, #tpu.memory_space<vmem>>, vector<16xf32>,
      %swap3A_85 = arith.constant 5 : i32
      %swap3A_86 = arith.index_cast %swap3A_85 : i32 to index
      %swap3A_87 = arith.constant 0 : index
      %swap3A_88 = tpu.vector_load %arg14[%swap3A_86, %swap3A_87] {strides = array<i32>} : memref<32x16xf32, #tpu.memory_space<vmem>>, vector<16xf32>,
      tpu.vector_store %arg14[%swap3A_86, %swap3A_87], %scan3A_64#6 {strides = array<i32>} : memref<32x16xf32, #tpu.memory_space<vmem>>, vector<16xf32>,
      %swap3A_89 = arith.constant 6 : i32
      %swap3A_90 = arith.index_cast %swap3A_89 : i32 to index
      %swap3A_91 = arith.constant 0 : index
      %swap3A_92 = tpu.vector_load %arg14[%swap3A_90, %swap3A_91] {strides = array<i32>} : memref<32x16xf32, #tpu.memory_space<vmem>>, vector<16xf32>,
      tpu.vector_store %arg14[%swap3A_90, %swap3A_91], %scan3A_64#7 {strides = array<i32>} : memref<32x16xf32, #tpu.memory_space<vmem>>, vector<16xf32>,
      %swap3A_93 = arith.constant 7 : i32
      %swap3A_94 = arith.index_cast %swap3A_93 : i32 to index
      %swap3A_95 = arith.constant 0 : index
      %swap3A_96 = tpu.vector_load %arg14[%swap3A_94, %swap3A_95] {strides = array<i32>} : memref<32x16xf32, #tpu.memory_space<vmem>>, vector<16xf32>,
      tpu.vector_store %arg14[%swap3A_94, %swap3A_95], %scan3A_64#8 {strides = array<i32>} : memref<32x16xf32, #tpu.memory_space<vmem>>, vector<16xf32>,
      %swap3A_97 = arith.constant 8 : i32
      %swap3A_98 = arith.index_cast %swap3A_97 : i32 to index
      %swap3A_99 = arith.constant 0 : index
      %swap3A_100 = tpu.vector_load %arg14[%swap3A_98, %swap3A_99] {strides = array<i32>} : memref<32x16xf32, #tpu.memory_space<vmem>>, vector<16xf32>,
      tpu.vector_store %arg14[%swap3A_98, %swap3A_99], %scan3A_64#9 {strides = array<i32>} : memref<32x16xf32, #tpu.memory_space<vmem>>, vector<16xf32>,
      %swap3A_101 = arith.constant 9 : i32
      %swap3A_102 = arith.index_cast %swap3A_101 : i32 to index
      %swap3A_103 = arith.constant 0 : index
      %swap3A_104 = tpu.vector_load %arg14[%swap3A_102, %swap3A_103] {strides = array<i32>} : memref<32x16xf32, #tpu.memory_space<vmem>>, vector<16xf32>,
      tpu.vector_store %arg14[%swap3A_102, %swap3A_103], %scan3A_64#10 {strides = array<i32>} : memref<32x16xf32, #tpu.memory_space<vmem>>, vector<16xf32>,
      %swap3A_105 = arith.constant 10 : i32
      %swap3A_106 = arith.index_cast %swap3A_105 : i32 to index
      %swap3A_107 = arith.constant 0 : index
      %swap3A_108 = tpu.vector_load %arg14[%swap3A_106, %swap3A_107] {strides = array<i32>} : memref<32x16xf32, #tpu.memory_space<vmem>>, vector<16xf32>,
      tpu.vector_store %arg14[%swap3A_106, %swap3A_107], %scan3A_64#11 {strides = array<i32>} : memref<32x16xf32, #tpu.memory_space<vmem>>, vector<16xf32>,
      %swap3A_109 = arith.constant 11 : i32
      %swap3A_110 = arith.index_cast %swap3A_109 : i32 to index
      %swap3A_111 = arith.constant 0 : index
      %swap3A_112 = tpu.vector_load %arg14[%swap3A_110, %swap3A_111] {strides = array<i32>} : memref<32x16xf32, #tpu.memory_space<vmem>>, vector<16xf32>,
      tpu.vector_store %arg14[%swap3A_110, %swap3A_111], %scan3A_64#12 {strides = array<i32>} : memref<32x16xf32, #tpu.memory_space<vmem>>, vector<16xf32>,
      %swap3A_113 = arith.constant 12 : i32
      %swap3A_114 = arith.index_cast %swap3A_113 : i32 to index
      %swap3A_115 = arith.constant 0 : index
      %swap3A_116 = tpu.vector_load %arg14[%swap3A_114, %swap3A_115] {strides = array<i32>} : memref<32x16xf32, #tpu.memory_space<vmem>>, vector<16xf32>,
      tpu.vector_store %arg14[%swap3A_114, %swap3A_115], %scan3A_64#13 {strides = array<i32>} : memref<32x16xf32, #tpu.memory_space<vmem>>, vector<16xf32>,
      %swap3A_117 = arith.constant 13 : i32
      %swap3A_118 = arith.index_cast %swap3A_117 : i32 to index
      %swap3A_119 = arith.constant 0 : index
      %swap3A_120 = tpu.vector_load %arg14[%swap3A_118, %swap3A_119] {strides = array<i32>} : memref<32x16xf32, #tpu.memory_space<vmem>>, vector<16xf32>,
      tpu.vector_store %arg14[%swap3A_118, %swap3A_119], %scan3A_64#14 {strides = array<i32>} : memref<32x16xf32, #tpu.memory_space<vmem>>, vector<16xf32>,
      %swap3A_121 = arith.constant 14 : i32
      %swap3A_122 = arith.index_cast %swap3A_121 : i32 to index
      %swap3A_123 = arith.constant 0 : index
      %swap3A_124 = tpu.vector_load %arg14[%swap3A_122, %swap3A_123] {strides = array<i32>} : memref<32x16xf32, #tpu.memory_space<vmem>>, vector<16xf32>,
      tpu.vector_store %arg14[%swap3A_122, %swap3A_123], %scan3A_64#15 {strides = array<i32>} : memref<32x16xf32, #tpu.memory_space<vmem>>, vector<16xf32>,
      %swap3A_125 = arith.constant 15 : i32
      %swap3A_126 = arith.index_cast %swap3A_125 : i32 to index
      %swap3A_127 = arith.constant 0 : index
      %swap3A_128 = tpu.vector_load %arg14[%swap3A_126, %swap3A_127] {strides = array<i32>} : memref<32x16xf32, #tpu.memory_space<vmem>>, vector<16xf32>,
      tpu.vector_store %arg14[%swap3A_126, %swap3A_127], %scan3A_64#16 {strides = array<i32>} : memref<32x16xf32, #tpu.memory_space<vmem>>, vector<16xf32>,
      %mul3A_129 = arith.constant 16 : i32
      %mul3A_130 = arith.muli %scan3A_7, %mul3A_129 : i32
      %get3A_131 = arith.constant 0 : i32
      %get3A_132 = arith.index_cast %get3A_131 : i32 to index
      %get3A_133 = arith.index_cast %mul3A_130 : i32 to index
      %get3A_134 = tpu.vector_load %arg9[%get3A_132, %get3A_133] {strides = array<i32>} : memref<32x512xi32, #tpu.memory_space<vmem>>, vector<16xi32>,
      %broadcast_in_dim3A_135 = arith.constant 81 : i32
      %broadcast_in_dim3A_136 = vector.broadcast %broadcast_in_dim3A_135 : i32 to vector<16xi32>
      %gather3A_137 = tpu.vector_load_idx %arg12[%broadcast_in_dim3A_136] : memref<128xf32, #tpu.memory_space<vmem>>[vector<16xi32>], vector<16xf32>,
      %broadcast_in_dim3A_138 = arith.constant 82 : i32
      %broadcast_in_dim3A_139 = vector.broadcast %broadcast_in_dim3A_138 : i32 to vector<16xi32>
      %gather3A_140 = tpu.vector_load_idx %arg12[%broadcast_in_dim3A_139] : memref<128xf32, #tpu.memory_space<vmem>>[vector<16xi32>], vector<16xf32>,
      %broadcast_in_dim3A_141 = arith.constant 83 : i32
      %broadcast_in_dim3A_142 = vector.broadcast %broadcast_in_dim3A_141 : i32 to vector<16xi32>
      %gather3A_143 = tpu.vector_load_idx %arg12[%broadcast_in_dim3A_142] : memref<128xf32, #tpu.memory_space<vmem>>[vector<16xi32>], vector<16xf32>,
      %broadcast_in_dim3A_144 = arith.constant 84 : i32
      %broadcast_in_dim3A_145 = vector.broadcast %broadcast_in_dim3A_144 : i32 to vector<16xi32>
      %gather3A_146 = tpu.vector_load_idx %arg12[%broadcast_in_dim3A_145] : memref<128xf32, #tpu.memory_space<vmem>>[vector<16xi32>], vector<16xf32>,
      %broadcast_in_dim3A_147 = arith.constant 85 : i32
      %broadcast_in_dim3A_148 = vector.broadcast %broadcast_in_dim3A_147 : i32 to vector<16xi32>
      %gather3A_149 = tpu.vector_load_idx %arg12[%broadcast_in_dim3A_148] : memref<128xf32, #tpu.memory_space<vmem>>[vector<16xi32>], vector<16xf32>,
      %broadcast_in_dim3A_150 = arith.constant 86 : i32
      %broadcast_in_dim3A_151 = vector.broadcast %broadcast_in_dim3A_150 : i32 to vector<16xi32>
      %gather3A_152 = tpu.vector_load_idx %arg12[%broadcast_in_dim3A_151] : memref<128xf32, #tpu.memory_space<vmem>>[vector<16xi32>], vector<16xf32>,
      %broadcast_in_dim3A_153 = arith.constant 87 : i32
      %broadcast_in_dim3A_154 = vector.broadcast %broadcast_in_dim3A_153 : i32 to vector<16xi32>
      %gather3A_155 = tpu.vector_load_idx %arg12[%broadcast_in_dim3A_154] : memref<128xf32, #tpu.memory_space<vmem>>[vector<16xi32>], vector<16xf32>,
      %broadcast_in_dim3A_156 = arith.constant 88 : i32
      %broadcast_in_dim3A_157 = vector.broadcast %broadcast_in_dim3A_156 : i32 to vector<16xi32>
      %gather3A_158 = tpu.vector_load_idx %arg12[%broadcast_in_dim3A_157] : memref<128xf32, #tpu.memory_space<vmem>>[vector<16xi32>], vector<16xf32>,
      %broadcast_in_dim3A_159 = arith.constant 89 : i32
      %broadcast_in_dim3A_160 = vector.broadcast %broadcast_in_dim3A_159 : i32 to vector<16xi32>
      %gather3A_161 = tpu.vector_load_idx %arg12[%broadcast_in_dim3A_160] : memref<128xf32, #tpu.memory_space<vmem>>[vector<16xi32>], vector<16xf32>,
      %broadcast_in_dim3A_162 = arith.constant 90 : i32
      %broadcast_in_dim3A_163 = vector.broadcast %broadcast_in_dim3A_162 : i32 to vector<16xi32>
      %gather3A_164 = tpu.vector_load_idx %arg12[%broadcast_in_dim3A_163] : memref<128xf32, #tpu.memory_space<vmem>>[vector<16xi32>], vector<16xf32>,
      %broadcast_in_dim3A_165 = arith.constant 91 : i32
      %broadcast_in_dim3A_166 = vector.broadcast %broadcast_in_dim3A_165 : i32 to vector<16xi32>
      %gather3A_167 = tpu.vector_load_idx %arg12[%broadcast_in_dim3A_166] : memref<128xf32, #tpu.memory_space<vmem>>[vector<16xi32>], vector<16xf32>,
      %broadcast_in_dim3A_168 = arith.constant 92 : i32
      %broadcast_in_dim3A_169 = vector.broadcast %broadcast_in_dim3A_168 : i32 to vector<16xi32>
      %gather3A_170 = tpu.vector_load_idx %arg12[%broadcast_in_dim3A_169] : memref<128xf32, #tpu.memory_space<vmem>>[vector<16xi32>], vector<16xf32>,
      %broadcast_in_dim3A_171 = arith.constant 93 : i32
      %broadcast_in_dim3A_172 = vector.broadcast %broadcast_in_dim3A_171 : i32 to vector<16xi32>
      %gather3A_173 = tpu.vector_load_idx %arg12[%broadcast_in_dim3A_172] : memref<128xf32, #tpu.memory_space<vmem>>[vector<16xi32>], vector<16xf32>,
      %broadcast_in_dim3A_174 = arith.constant 94 : i32
      %broadcast_in_dim3A_175 = vector.broadcast %broadcast_in_dim3A_174 : i32 to vector<16xi32>
      %gather3A_176 = tpu.vector_load_idx %arg12[%broadcast_in_dim3A_175] : memref<128xf32, #tpu.memory_space<vmem>>[vector<16xi32>], vector<16xf32>,
      %broadcast_in_dim3A_177 = arith.constant 95 : i32
      %broadcast_in_dim3A_178 = vector.broadcast %broadcast_in_dim3A_177 : i32 to vector<16xi32>
      %gather3A_179 = tpu.vector_load_idx %arg12[%broadcast_in_dim3A_178] : memref<128xf32, #tpu.memory_space<vmem>>[vector<16xi32>], vector<16xf32>,
      %broadcast_in_dim3A_180 = arith.constant 96 : i32
      %broadcast_in_dim3A_181 = vector.broadcast %broadcast_in_dim3A_180 : i32 to vector<16xi32>
      %gather3A_182 = tpu.vector_load_idx %arg12[%broadcast_in_dim3A_181] : memref<128xf32, #tpu.memory_space<vmem>>[vector<16xi32>], vector<16xf32>,
      %scan3A_183 = arith.constant 0 : i32
      %scan3A_184 = arith.constant 32 : i32
      %scan3A_185 = arith.addi %scan3A_183, %scan3A_184 : i32
      %scan3A_186 = arith.constant 1 : i32
      %scan3A_187:17 = scf.for %scan3A_1535 = %scan3A_183 to %scan3A_185 step %scan3A_186 iter_args(%scan3A_1536 = %get3A_134, %scan3A_1537 = %gather3A_137, %scan3A_1538 = %gather3A_140, %scan3A_1539 = %gather3A_143, %scan3A_1540 = %gather3A_146, %scan3A_1541 = %gather3A_149, %scan3A_1542 = %gather3A_152, %scan3A_1543 = %gather3A_155, %scan3A_1544 = %gather3A_158, %scan3A_1545 = %gather3A_161, %scan3A_1546 = %gather3A_164, %scan3A_1547 = %gather3A_167, %scan3A_1548 = %gather3A_170, %scan3A_1549 = %gather3A_173, %scan3A_1550 = %gather3A_176, %scan3A_1551 = %gather3A_179, %scan3A_1552 = %gather3A_182) -> (vector<16xi32>, vector<16xf32>, vector<16xf32>, vector<16xf32>, vector<16xf32>, vector<16xf32>, vector<16xf32>, vector<16xf32>, vector<16xf32>, vector<16xf32>, vector<16xf32>, vector<16xf32>, vector<16xf32>, vector<16xf32>, vector<16xf32>, vector<16xf32>, vector<16xf32>)  : i32 {
        %add3A_1553 = arith.constant 1 : i32
        %add3A_1554 = arith.addi %scan3A_1535, %add3A_1553 : i32
        %min3A_1555 = arith.constant 31 : i32
        %min3A_1556 = arith.minsi %add3A_1554, %min3A_1555 : i32
        %mul3A_1557 = arith.constant 16 : i32
        %mul3A_1558 = arith.muli %scan3A_7, %mul3A_1557 : i32
        %get3A_1559 = arith.index_cast %min3A_1556 : i32 to index
        %get3A_1560 = arith.index_cast %mul3A_1558 : i32 to index
        %get3A_1561 = tpu.vector_load %arg9[%get3A_1559, %get3A_1560] {strides = array<i32>} : memref<32x512xi32, #tpu.memory_space<vmem>>, vector<16xi32>,
        %broadcast_in_dim3A_1562 = arith.constant 16 : i32
        %broadcast_in_dim3A_1563 = vector.broadcast %broadcast_in_dim3A_1562 : i32 to vector<16xi32>
        %gather3A_1564 = tpu.vector_load_idx %arg8[%broadcast_in_dim3A_1563, %scan3A_1536] : memref<32x2344xf32, #tpu.memory_space<vmem>>[vector<16xi32>, vector<16xi32>], vector<16xf32>,
        %add3A_1565 = arith.addf %scan3A_1537, %gather3A_1564 : vector<16xf32>
        %broadcast_in_dim3A_1566 = arith.constant 17 : i32
        %broadcast_in_dim3A_1567 = vector.broadcast %broadcast_in_dim3A_1566 : i32 to vector<16xi32>
        %gather3A_1568 = tpu.vector_load_idx %arg8[%broadcast_in_dim3A_1567, %scan3A_1536] : memref<32x2344xf32, #tpu.memory_space<vmem>>[vector<16xi32>, vector<16xi32>], vector<16xf32>,
        %add3A_1569 = arith.addf %scan3A_1538, %gather3A_1568 : vector<16xf32>
        %broadcast_in_dim3A_1570 = arith.constant 18 : i32
        %broadcast_in_dim3A_1571 = vector.broadcast %broadcast_in_dim3A_1570 : i32 to vector<16xi32>
        %gather3A_1572 = tpu.vector_load_idx %arg8[%broadcast_in_dim3A_1571, %scan3A_1536] : memref<32x2344xf32, #tpu.memory_space<vmem>>[vector<16xi32>, vector<16xi32>], vector<16xf32>,
        %add3A_1573 = arith.addf %scan3A_1539, %gather3A_1572 : vector<16xf32>
        %broadcast_in_dim3A_1574 = arith.constant 19 : i32
        %broadcast_in_dim3A_1575 = vector.broadcast %broadcast_in_dim3A_1574 : i32 to vector<16xi32>
        %gather3A_1576 = tpu.vector_load_idx %arg8[%broadcast_in_dim3A_1575, %scan3A_1536] : memref<32x2344xf32, #tpu.memory_space<vmem>>[vector<16xi32>, vector<16xi32>], vector<16xf32>,
        %add3A_1577 = arith.addf %scan3A_1540, %gather3A_1576 : vector<16xf32>
        %broadcast_in_dim3A_1578 = arith.constant 20 : i32
        %broadcast_in_dim3A_1579 = vector.broadcast %broadcast_in_dim3A_1578 : i32 to vector<16xi32>
        %gather3A_1580 = tpu.vector_load_idx %arg8[%broadcast_in_dim3A_1579, %scan3A_1536] : memref<32x2344xf32, #tpu.memory_space<vmem>>[vector<16xi32>, vector<16xi32>], vector<16xf32>,
        %add3A_1581 = arith.addf %scan3A_1541, %gather3A_1580 : vector<16xf32>
        %broadcast_in_dim3A_1582 = arith.constant 21 : i32
        %broadcast_in_dim3A_1583 = vector.broadcast %broadcast_in_dim3A_1582 : i32 to vector<16xi32>
        %gather3A_1584 = tpu.vector_load_idx %arg8[%broadcast_in_dim3A_1583, %scan3A_1536] : memref<32x2344xf32, #tpu.memory_space<vmem>>[vector<16xi32>, vector<16xi32>], vector<16xf32>,
        %add3A_1585 = arith.addf %scan3A_1542, %gather3A_1584 : vector<16xf32>
        %broadcast_in_dim3A_1586 = arith.constant 22 : i32
        %broadcast_in_dim3A_1587 = vector.broadcast %broadcast_in_dim3A_1586 : i32 to vector<16xi32>
        %gather3A_1588 = tpu.vector_load_idx %arg8[%broadcast_in_dim3A_1587, %scan3A_1536] : memref<32x2344xf32, #tpu.memory_space<vmem>>[vector<16xi32>, vector<16xi32>], vector<16xf32>,
        %add3A_1589 = arith.addf %scan3A_1543, %gather3A_1588 : vector<16xf32>
        %broadcast_in_dim3A_1590 = arith.constant 23 : i32
        %broadcast_in_dim3A_1591 = vector.broadcast %broadcast_in_dim3A_1590 : i32 to vector<16xi32>
        %gather3A_1592 = tpu.vector_load_idx %arg8[%broadcast_in_dim3A_1591, %scan3A_1536] : memref<32x2344xf32, #tpu.memory_space<vmem>>[vector<16xi32>, vector<16xi32>], vector<16xf32>,
        %add3A_1593 = arith.addf %scan3A_1544, %gather3A_1592 : vector<16xf32>
        %broadcast_in_dim3A_1594 = arith.constant 24 : i32
        %broadcast_in_dim3A_1595 = vector.broadcast %broadcast_in_dim3A_1594 : i32 to vector<16xi32>
        %gather3A_1596 = tpu.vector_load_idx %arg8[%broadcast_in_dim3A_1595, %scan3A_1536] : memref<32x2344xf32, #tpu.memory_space<vmem>>[vector<16xi32>, vector<16xi32>], vector<16xf32>,
        %add3A_1597 = arith.addf %scan3A_1545, %gather3A_1596 : vector<16xf32>
        %broadcast_in_dim3A_1598 = arith.constant 25 : i32
        %broadcast_in_dim3A_1599 = vector.broadcast %broadcast_in_dim3A_1598 : i32 to vector<16xi32>
        %gather3A_1600 = tpu.vector_load_idx %arg8[%broadcast_in_dim3A_1599, %scan3A_1536] : memref<32x2344xf32, #tpu.memory_space<vmem>>[vector<16xi32>, vector<16xi32>], vector<16xf32>,
        %add3A_1601 = arith.addf %scan3A_1546, %gather3A_1600 : vector<16xf32>
        %broadcast_in_dim3A_1602 = arith.constant 26 : i32
        %broadcast_in_dim3A_1603 = vector.broadcast %broadcast_in_dim3A_1602 : i32 to vector<16xi32>
        %gather3A_1604 = tpu.vector_load_idx %arg8[%broadcast_in_dim3A_1603, %scan3A_1536] : memref<32x2344xf32, #tpu.memory_space<vmem>>[vector<16xi32>, vector<16xi32>], vector<16xf32>,
        %add3A_1605 = arith.addf %scan3A_1547, %gather3A_1604 : vector<16xf32>
        %broadcast_in_dim3A_1606 = arith.constant 27 : i32
        %broadcast_in_dim3A_1607 = vector.broadcast %broadcast_in_dim3A_1606 : i32 to vector<16xi32>
        %gather3A_1608 = tpu.vector_load_idx %arg8[%broadcast_in_dim3A_1607, %scan3A_1536] : memref<32x2344xf32, #tpu.memory_space<vmem>>[vector<16xi32>, vector<16xi32>], vector<16xf32>,
        %add3A_1609 = arith.addf %scan3A_1548, %gather3A_1608 : vector<16xf32>
        %broadcast_in_dim3A_1610 = arith.constant 28 : i32
        %broadcast_in_dim3A_1611 = vector.broadcast %broadcast_in_dim3A_1610 : i32 to vector<16xi32>
        %gather3A_1612 = tpu.vector_load_idx %arg8[%broadcast_in_dim3A_1611, %scan3A_1536] : memref<32x2344xf32, #tpu.memory_space<vmem>>[vector<16xi32>, vector<16xi32>], vector<16xf32>,
        %add3A_1613 = arith.addf %scan3A_1549, %gather3A_1612 : vector<16xf32>
        %broadcast_in_dim3A_1614 = arith.constant 29 : i32
        %broadcast_in_dim3A_1615 = vector.broadcast %broadcast_in_dim3A_1614 : i32 to vector<16xi32>
        %gather3A_1616 = tpu.vector_load_idx %arg8[%broadcast_in_dim3A_1615, %scan3A_1536] : memref<32x2344xf32, #tpu.memory_space<vmem>>[vector<16xi32>, vector<16xi32>], vector<16xf32>,
        %add3A_1617 = arith.addf %scan3A_1550, %gather3A_1616 : vector<16xf32>
        %broadcast_in_dim3A_1618 = arith.constant 30 : i32
        %broadcast_in_dim3A_1619 = vector.broadcast %broadcast_in_dim3A_1618 : i32 to vector<16xi32>
        %gather3A_1620 = tpu.vector_load_idx %arg8[%broadcast_in_dim3A_1619, %scan3A_1536] : memref<32x2344xf32, #tpu.memory_space<vmem>>[vector<16xi32>, vector<16xi32>], vector<16xf32>,
        %add3A_1621 = arith.addf %scan3A_1551, %gather3A_1620 : vector<16xf32>
        %broadcast_in_dim3A_1622 = arith.constant 31 : i32
        %broadcast_in_dim3A_1623 = vector.broadcast %broadcast_in_dim3A_1622 : i32 to vector<16xi32>
        %gather3A_1624 = tpu.vector_load_idx %arg8[%broadcast_in_dim3A_1623, %scan3A_1536] : memref<32x2344xf32, #tpu.memory_space<vmem>>[vector<16xi32>, vector<16xi32>], vector<16xf32>,
        %add3A_1625 = arith.addf %scan3A_1552, %gather3A_1624 : vector<16xf32>
        scf.yield %get3A_1561, %add3A_1565, %add3A_1569, %add3A_1573, %add3A_1577, %add3A_1581, %add3A_1585, %add3A_1589, %add3A_1593, %add3A_1597, %add3A_1601, %add3A_1605, %add3A_1609, %add3A_1613, %add3A_1617, %add3A_1621, %add3A_1625 : vector<16xi32>, vector<16xf32>, vector<16xf32>, vector<16xf32>, vector<16xf32>, vector<16xf32>, vector<16xf32>, vector<16xf32>, vector<16xf32>, vector<16xf32>, vector<16xf32>, vector<16xf32>, vector<16xf32>, vector<16xf32>, vector<16xf32>, vector<16xf32>, vector<16xf32>
      }
      %scan3A_188 = arith.constant 32 : i32
      %swap3A_189 = arith.constant 16 : i32
      %swap3A_190 = arith.index_cast %swap3A_189 : i32 to index
      %swap3A_191 = arith.constant 0 : index
      %swap3A_192 = tpu.vector_load %arg14[%swap3A_190, %swap3A_191] {strides = array<i32>} : memref<32x16xf32, #tpu.memory_space<vmem>>, vector<16xf32>,
      tpu.vector_store %arg14[%swap3A_190, %swap3A_191], %scan3A_187#1 {strides = array<i32>} : memref<32x16xf32, #tpu.memory_space<vmem>>, vector<16xf32>,
      %swap3A_193 = arith.constant 17 : i32
      %swap3A_194 = arith.index_cast %swap3A_193 : i32 to index
      %swap3A_195 = arith.constant 0 : index
      %swap3A_196 = tpu.vector_load %arg14[%swap3A_194, %swap3A_195] {strides = array<i32>} : memref<32x16xf32, #tpu.memory_space<vmem>>, vector<16xf32>,
      tpu.vector_store %arg14[%swap3A_194, %swap3A_195], %scan3A_187#2 {strides = array<i32>} : memref<32x16xf32, #tpu.memory_space<vmem>>, vector<16xf32>,
      %swap3A_197 = arith.constant 18 : i32
      %swap3A_198 = arith.index_cast %swap3A_197 : i32 to index
      %swap3A_199 = arith.constant 0 : index
      %swap3A_200 = tpu.vector_load %arg14[%swap3A_198, %swap3A_199] {strides = array<i32>} : memref<32x16xf32, #tpu.memory_space<vmem>>, vector<16xf32>,
      tpu.vector_store %arg14[%swap3A_198, %swap3A_199], %scan3A_187#3 {strides = array<i32>} : memref<32x16xf32, #tpu.memory_space<vmem>>, vector<16xf32>,
      %swap3A_201 = arith.constant 19 : i32
      %swap3A_202 = arith.index_cast %swap3A_201 : i32 to index
      %swap3A_203 = arith.constant 0 : index
      %swap3A_204 = tpu.vector_load %arg14[%swap3A_202, %swap3A_203] {strides = array<i32>} : memref<32x16xf32, #tpu.memory_space<vmem>>, vector<16xf32>,
      tpu.vector_store %arg14[%swap3A_202, %swap3A_203], %scan3A_187#4 {strides = array<i32>} : memref<32x16xf32, #tpu.memory_space<vmem>>, vector<16xf32>,
      %swap3A_205 = arith.constant 20 : i32
      %swap3A_206 = arith.index_cast %swap3A_205 : i32 to index
      %swap3A_207 = arith.constant 0 : index
      %swap3A_208 = tpu.vector_load %arg14[%swap3A_206, %swap3A_207] {strides = array<i32>} : memref<32x16xf32, #tpu.memory_space<vmem>>, vector<16xf32>,
      tpu.vector_store %arg14[%swap3A_206, %swap3A_207], %scan3A_187#5 {strides = array<i32>} : memref<32x16xf32, #tpu.memory_space<vmem>>, vector<16xf32>,
      %swap3A_209 = arith.constant 21 : i32
      %swap3A_210 = arith.index_cast %swap3A_209 : i32 to index
      %swap3A_211 = arith.constant 0 : index
      %swap3A_212 = tpu.vector_load %arg14[%swap3A_210, %swap3A_211] {strides = array<i32>} : memref<32x16xf32, #tpu.memory_space<vmem>>, vector<16xf32>,
      tpu.vector_store %arg14[%swap3A_210, %swap3A_211], %scan3A_187#6 {strides = array<i32>} : memref<32x16xf32, #tpu.memory_space<vmem>>, vector<16xf32>,
      %swap3A_213 = arith.constant 22 : i32
      %swap3A_214 = arith.index_cast %swap3A_213 : i32 to index
      %swap3A_215 = arith.constant 0 : index
      %swap3A_216 = tpu.vector_load %arg14[%swap3A_214, %swap3A_215] {strides = array<i32>} : memref<32x16xf32, #tpu.memory_space<vmem>>, vector<16xf32>,
      tpu.vector_store %arg14[%swap3A_214, %swap3A_215], %scan3A_187#7 {strides = array<i32>} : memref<32x16xf32, #tpu.memory_space<vmem>>, vector<16xf32>,
      %swap3A_217 = arith.constant 23 : i32
      %swap3A_218 = arith.index_cast %swap3A_217 : i32 to index
      %swap3A_219 = arith.constant 0 : index
      %swap3A_220 = tpu.vector_load %arg14[%swap3A_218, %swap3A_219] {strides = array<i32>} : memref<32x16xf32, #tpu.memory_space<vmem>>, vector<16xf32>,
      tpu.vector_store %arg14[%swap3A_218, %swap3A_219], %scan3A_187#8 {strides = array<i32>} : memref<32x16xf32, #tpu.memory_space<vmem>>, vector<16xf32>,
      %swap3A_221 = arith.constant 24 : i32
      %swap3A_222 = arith.index_cast %swap3A_221 : i32 to index
      %swap3A_223 = arith.constant 0 : index
      %swap3A_224 = tpu.vector_load %arg14[%swap3A_222, %swap3A_223] {strides = array<i32>} : memref<32x16xf32, #tpu.memory_space<vmem>>, vector<16xf32>,
      tpu.vector_store %arg14[%swap3A_222, %swap3A_223], %scan3A_187#9 {strides = array<i32>} : memref<32x16xf32, #tpu.memory_space<vmem>>, vector<16xf32>,
      %swap3A_225 = arith.constant 25 : i32
      %swap3A_226 = arith.index_cast %swap3A_225 : i32 to index
      %swap3A_227 = arith.constant 0 : index
      %swap3A_228 = tpu.vector_load %arg14[%swap3A_226, %swap3A_227] {strides = array<i32>} : memref<32x16xf32, #tpu.memory_space<vmem>>, vector<16xf32>,
      tpu.vector_store %arg14[%swap3A_226, %swap3A_227], %scan3A_187#10 {strides = array<i32>} : memref<32x16xf32, #tpu.memory_space<vmem>>, vector<16xf32>,
      %swap3A_229 = arith.constant 26 : i32
      %swap3A_230 = arith.index_cast %swap3A_229 : i32 to index
      %swap3A_231 = arith.constant 0 : index
      %swap3A_232 = tpu.vector_load %arg14[%swap3A_230, %swap3A_231] {strides = array<i32>} : memref<32x16xf32, #tpu.memory_space<vmem>>, vector<16xf32>,
      tpu.vector_store %arg14[%swap3A_230, %swap3A_231], %scan3A_187#11 {strides = array<i32>} : memref<32x16xf32, #tpu.memory_space<vmem>>, vector<16xf32>,
      %swap3A_233 = arith.constant 27 : i32
      %swap3A_234 = arith.index_cast %swap3A_233 : i32 to index
      %swap3A_235 = arith.constant 0 : index
      %swap3A_236 = tpu.vector_load %arg14[%swap3A_234, %swap3A_235] {strides = array<i32>} : memref<32x16xf32, #tpu.memory_space<vmem>>, vector<16xf32>,
      tpu.vector_store %arg14[%swap3A_234, %swap3A_235], %scan3A_187#12 {strides = array<i32>} : memref<32x16xf32, #tpu.memory_space<vmem>>, vector<16xf32>,
      %swap3A_237 = arith.constant 28 : i32
      %swap3A_238 = arith.index_cast %swap3A_237 : i32 to index
      %swap3A_239 = arith.constant 0 : index
      %swap3A_240 = tpu.vector_load %arg14[%swap3A_238, %swap3A_239] {strides = array<i32>} : memref<32x16xf32, #tpu.memory_space<vmem>>, vector<16xf32>,
      tpu.vector_store %arg14[%swap3A_238, %swap3A_239], %scan3A_187#13 {strides = array<i32>} : memref<32x16xf32, #tpu.memory_space<vmem>>, vector<16xf32>,
      %swap3A_241 = arith.constant 29 : i32
      %swap3A_242 = arith.index_cast %swap3A_241 : i32 to index
      %swap3A_243 = arith.constant 0 : index
      %swap3A_244 = tpu.vector_load %arg14[%swap3A_242, %swap3A_243] {strides = array<i32>} : memref<32x16xf32, #tpu.memory_space<vmem>>, vector<16xf32>,
      tpu.vector_store %arg14[%swap3A_242, %swap3A_243], %scan3A_187#14 {strides = array<i32>} : memref<32x16xf32, #tpu.memory_space<vmem>>, vector<16xf32>,
      %swap3A_245 = arith.constant 30 : i32
      %swap3A_246 = arith.index_cast %swap3A_245 : i32 to index
      %swap3A_247 = arith.constant 0 : index
      %swap3A_248 = tpu.vector_load %arg14[%swap3A_246, %swap3A_247] {strides = array<i32>} : memref<32x16xf32, #tpu.memory_space<vmem>>, vector<16xf32>,
      tpu.vector_store %arg14[%swap3A_246, %swap3A_247], %scan3A_187#15 {strides = array<i32>} : memref<32x16xf32, #tpu.memory_space<vmem>>, vector<16xf32>,
      %swap3A_249 = arith.constant 31 : i32
      %swap3A_250 = arith.index_cast %swap3A_249 : i32 to index
      %swap3A_251 = arith.constant 0 : index
      %swap3A_252 = tpu.vector_load %arg14[%swap3A_250, %swap3A_251] {strides = array<i32>} : memref<32x16xf32, #tpu.memory_space<vmem>>, vector<16xf32>,
      tpu.vector_store %arg14[%swap3A_250, %swap3A_251], %scan3A_187#16 {strides = array<i32>} : memref<32x16xf32, #tpu.memory_space<vmem>>, vector<16xf32>,
      %mul3A_253 = arith.constant 16 : i32
      %mul3A_254 = arith.muli %scan3A_7, %mul3A_253 : i32
      %get3A_255 = arith.constant 0 : i32
      %get3A_256 = arith.index_cast %get3A_255 : i32 to index
      %get3A_257 = arith.index_cast %mul3A_254 : i32 to index
      %get3A_258 = tpu.vector_load %arg10[%get3A_256, %get3A_257] {strides = array<i32>} : memref<32x512xi32, #tpu.memory_space<vmem>>, vector<16xi32>,
      %broadcast_in_dim3A_259 = arith.constant 65 : i32
      %broadcast_in_dim3A_260 = vector.broadcast %broadcast_in_dim3A_259 : i32 to vector<16xi32>
      %gather3A_261 = tpu.vector_load_idx %arg12[%broadcast_in_dim3A_260] : memref<128xf32, #tpu.memory_space<vmem>>[vector<16xi32>], vector<16xf32>,
      %broadcast_in_dim3A_262 = arith.constant 66 : i32
      %broadcast_in_dim3A_263 = vector.broadcast %broadcast_in_dim3A_262 : i32 to vector<16xi32>
      %gather3A_264 = tpu.vector_load_idx %arg12[%broadcast_in_dim3A_263] : memref<128xf32, #tpu.memory_space<vmem>>[vector<16xi32>], vector<16xf32>,
      %broadcast_in_dim3A_265 = arith.constant 67 : i32
      %broadcast_in_dim3A_266 = vector.broadcast %broadcast_in_dim3A_265 : i32 to vector<16xi32>
      %gather3A_267 = tpu.vector_load_idx %arg12[%broadcast_in_dim3A_266] : memref<128xf32, #tpu.memory_space<vmem>>[vector<16xi32>], vector<16xf32>,
      %broadcast_in_dim3A_268 = arith.constant 68 : i32
      %broadcast_in_dim3A_269 = vector.broadcast %broadcast_in_dim3A_268 : i32 to vector<16xi32>
      %gather3A_270 = tpu.vector_load_idx %arg12[%broadcast_in_dim3A_269] : memref<128xf32, #tpu.memory_space<vmem>>[vector<16xi32>], vector<16xf32>,
      %broadcast_in_dim3A_271 = arith.constant 69 : i32
      %broadcast_in_dim3A_272 = vector.broadcast %broadcast_in_dim3A_271 : i32 to vector<16xi32>
      %gather3A_273 = tpu.vector_load_idx %arg12[%broadcast_in_dim3A_272] : memref<128xf32, #tpu.memory_space<vmem>>[vector<16xi32>], vector<16xf32>,
      %broadcast_in_dim3A_274 = arith.constant 70 : i32
      %broadcast_in_dim3A_275 = vector.broadcast %broadcast_in_dim3A_274 : i32 to vector<16xi32>
      %gather3A_276 = tpu.vector_load_idx %arg12[%broadcast_in_dim3A_275] : memref<128xf32, #tpu.memory_space<vmem>>[vector<16xi32>], vector<16xf32>,
      %broadcast_in_dim3A_277 = arith.constant 71 : i32
      %broadcast_in_dim3A_278 = vector.broadcast %broadcast_in_dim3A_277 : i32 to vector<16xi32>
      %gather3A_279 = tpu.vector_load_idx %arg12[%broadcast_in_dim3A_278] : memref<128xf32, #tpu.memory_space<vmem>>[vector<16xi32>], vector<16xf32>,
      %broadcast_in_dim3A_280 = arith.constant 72 : i32
      %broadcast_in_dim3A_281 = vector.broadcast %broadcast_in_dim3A_280 : i32 to vector<16xi32>
      %gather3A_282 = tpu.vector_load_idx %arg12[%broadcast_in_dim3A_281] : memref<128xf32, #tpu.memory_space<vmem>>[vector<16xi32>], vector<16xf32>,
      %broadcast_in_dim3A_283 = arith.constant 73 : i32
      %broadcast_in_dim3A_284 = vector.broadcast %broadcast_in_dim3A_283 : i32 to vector<16xi32>
      %gather3A_285 = tpu.vector_load_idx %arg12[%broadcast_in_dim3A_284] : memref<128xf32, #tpu.memory_space<vmem>>[vector<16xi32>], vector<16xf32>,
      %broadcast_in_dim3A_286 = arith.constant 74 : i32
      %broadcast_in_dim3A_287 = vector.broadcast %broadcast_in_dim3A_286 : i32 to vector<16xi32>
      %gather3A_288 = tpu.vector_load_idx %arg12[%broadcast_in_dim3A_287] : memref<128xf32, #tpu.memory_space<vmem>>[vector<16xi32>], vector<16xf32>,
      %broadcast_in_dim3A_289 = arith.constant 75 : i32
      %broadcast_in_dim3A_290 = vector.broadcast %broadcast_in_dim3A_289 : i32 to vector<16xi32>
      %gather3A_291 = tpu.vector_load_idx %arg12[%broadcast_in_dim3A_290] : memref<128xf32, #tpu.memory_space<vmem>>[vector<16xi32>], vector<16xf32>,
      %broadcast_in_dim3A_292 = arith.constant 76 : i32
      %broadcast_in_dim3A_293 = vector.broadcast %broadcast_in_dim3A_292 : i32 to vector<16xi32>
      %gather3A_294 = tpu.vector_load_idx %arg12[%broadcast_in_dim3A_293] : memref<128xf32, #tpu.memory_space<vmem>>[vector<16xi32>], vector<16xf32>,
      %broadcast_in_dim3A_295 = arith.constant 77 : i32
      %broadcast_in_dim3A_296 = vector.broadcast %broadcast_in_dim3A_295 : i32 to vector<16xi32>
      %gather3A_297 = tpu.vector_load_idx %arg12[%broadcast_in_dim3A_296] : memref<128xf32, #tpu.memory_space<vmem>>[vector<16xi32>], vector<16xf32>,
      %broadcast_in_dim3A_298 = arith.constant 78 : i32
      %broadcast_in_dim3A_299 = vector.broadcast %broadcast_in_dim3A_298 : i32 to vector<16xi32>
      %gather3A_300 = tpu.vector_load_idx %arg12[%broadcast_in_dim3A_299] : memref<128xf32, #tpu.memory_space<vmem>>[vector<16xi32>], vector<16xf32>,
      %broadcast_in_dim3A_301 = arith.constant 79 : i32
      %broadcast_in_dim3A_302 = vector.broadcast %broadcast_in_dim3A_301 : i32 to vector<16xi32>
      %gather3A_303 = tpu.vector_load_idx %arg12[%broadcast_in_dim3A_302] : memref<128xf32, #tpu.memory_space<vmem>>[vector<16xi32>], vector<16xf32>,
      %broadcast_in_dim3A_304 = arith.constant 80 : i32
      %broadcast_in_dim3A_305 = vector.broadcast %broadcast_in_dim3A_304 : i32 to vector<16xi32>
      %gather3A_306 = tpu.vector_load_idx %arg12[%broadcast_in_dim3A_305] : memref<128xf32, #tpu.memory_space<vmem>>[vector<16xi32>], vector<16xf32>,
      %scan3A_307 = arith.constant 0 : i32
      %scan3A_308 = arith.constant 32 : i32
      %scan3A_309 = arith.addi %scan3A_307, %scan3A_308 : i32
      %scan3A_310 = arith.constant 1 : i32
      %scan3A_311:17 = scf.for %scan3A_1535 = %scan3A_307 to %scan3A_309 step %scan3A_310 iter_args(%scan3A_1536 = %get3A_258, %scan3A_1537 = %gather3A_261, %scan3A_1538 = %gather3A_264, %scan3A_1539 = %gather3A_267, %scan3A_1540 = %gather3A_270, %scan3A_1541 = %gather3A_273, %scan3A_1542 = %gather3A_276, %scan3A_1543 = %gather3A_279, %scan3A_1544 = %gather3A_282, %scan3A_1545 = %gather3A_285, %scan3A_1546 = %gather3A_288, %scan3A_1547 = %gather3A_291, %scan3A_1548 = %gather3A_294, %scan3A_1549 = %gather3A_297, %scan3A_1550 = %gather3A_300, %scan3A_1551 = %gather3A_303, %scan3A_1552 = %gather3A_306) -> (vector<16xi32>, vector<16xf32>, vector<16xf32>, vector<16xf32>, vector<16xf32>, vector<16xf32>, vector<16xf32>, vector<16xf32>, vector<16xf32>, vector<16xf32>, vector<16xf32>, vector<16xf32>, vector<16xf32>, vector<16xf32>, vector<16xf32>, vector<16xf32>, vector<16xf32>)  : i32 {
        %add3A_1553 = arith.constant 1 : i32
        %add3A_1554 = arith.addi %scan3A_1535, %add3A_1553 : i32
        %min3A_1555 = arith.constant 31 : i32
        %min3A_1556 = arith.minsi %add3A_1554, %min3A_1555 : i32
        %mul3A_1557 = arith.constant 16 : i32
        %mul3A_1558 = arith.muli %scan3A_7, %mul3A_1557 : i32
        %get3A_1559 = arith.index_cast %min3A_1556 : i32 to index
        %get3A_1560 = arith.index_cast %mul3A_1558 : i32 to index
        %get3A_1561 = tpu.vector_load %arg10[%get3A_1559, %get3A_1560] {strides = array<i32>} : memref<32x512xi32, #tpu.memory_space<vmem>>, vector<16xi32>,
        %broadcast_in_dim3A_1562 = arith.constant 0 : i32
        %broadcast_in_dim3A_1563 = vector.broadcast %broadcast_in_dim3A_1562 : i32 to vector<16xi32>
        %gather3A_1564 = tpu.vector_load_idx %arg8[%broadcast_in_dim3A_1563, %scan3A_1536] : memref<32x2344xf32, #tpu.memory_space<vmem>>[vector<16xi32>, vector<16xi32>], vector<16xf32>,
        %add3A_1565 = arith.addf %scan3A_1537, %gather3A_1564 : vector<16xf32>
        %broadcast_in_dim3A_1566 = arith.constant 1 : i32
        %broadcast_in_dim3A_1567 = vector.broadcast %broadcast_in_dim3A_1566 : i32 to vector<16xi32>
        %gather3A_1568 = tpu.vector_load_idx %arg8[%broadcast_in_dim3A_1567, %scan3A_1536] : memref<32x2344xf32, #tpu.memory_space<vmem>>[vector<16xi32>, vector<16xi32>], vector<16xf32>,
        %add3A_1569 = arith.addf %scan3A_1538, %gather3A_1568 : vector<16xf32>
        %broadcast_in_dim3A_1570 = arith.constant 2 : i32
        %broadcast_in_dim3A_1571 = vector.broadcast %broadcast_in_dim3A_1570 : i32 to vector<16xi32>
        %gather3A_1572 = tpu.vector_load_idx %arg8[%broadcast_in_dim3A_1571, %scan3A_1536] : memref<32x2344xf32, #tpu.memory_space<vmem>>[vector<16xi32>, vector<16xi32>], vector<16xf32>,
        %add3A_1573 = arith.addf %scan3A_1539, %gather3A_1572 : vector<16xf32>
        %broadcast_in_dim3A_1574 = arith.constant 3 : i32
        %broadcast_in_dim3A_1575 = vector.broadcast %broadcast_in_dim3A_1574 : i32 to vector<16xi32>
        %gather3A_1576 = tpu.vector_load_idx %arg8[%broadcast_in_dim3A_1575, %scan3A_1536] : memref<32x2344xf32, #tpu.memory_space<vmem>>[vector<16xi32>, vector<16xi32>], vector<16xf32>,
        %add3A_1577 = arith.addf %scan3A_1540, %gather3A_1576 : vector<16xf32>
        %broadcast_in_dim3A_1578 = arith.constant 4 : i32
        %broadcast_in_dim3A_1579 = vector.broadcast %broadcast_in_dim3A_1578 : i32 to vector<16xi32>
        %gather3A_1580 = tpu.vector_load_idx %arg8[%broadcast_in_dim3A_1579, %scan3A_1536] : memref<32x2344xf32, #tpu.memory_space<vmem>>[vector<16xi32>, vector<16xi32>], vector<16xf32>,
        %add3A_1581 = arith.addf %scan3A_1541, %gather3A_1580 : vector<16xf32>
        %broadcast_in_dim3A_1582 = arith.constant 5 : i32
        %broadcast_in_dim3A_1583 = vector.broadcast %broadcast_in_dim3A_1582 : i32 to vector<16xi32>
        %gather3A_1584 = tpu.vector_load_idx %arg8[%broadcast_in_dim3A_1583, %scan3A_1536] : memref<32x2344xf32, #tpu.memory_space<vmem>>[vector<16xi32>, vector<16xi32>], vector<16xf32>,
        %add3A_1585 = arith.addf %scan3A_1542, %gather3A_1584 : vector<16xf32>
        %broadcast_in_dim3A_1586 = arith.constant 6 : i32
        %broadcast_in_dim3A_1587 = vector.broadcast %broadcast_in_dim3A_1586 : i32 to vector<16xi32>
        %gather3A_1588 = tpu.vector_load_idx %arg8[%broadcast_in_dim3A_1587, %scan3A_1536] : memref<32x2344xf32, #tpu.memory_space<vmem>>[vector<16xi32>, vector<16xi32>], vector<16xf32>,
        %add3A_1589 = arith.addf %scan3A_1543, %gather3A_1588 : vector<16xf32>
        %broadcast_in_dim3A_1590 = arith.constant 7 : i32
        %broadcast_in_dim3A_1591 = vector.broadcast %broadcast_in_dim3A_1590 : i32 to vector<16xi32>
        %gather3A_1592 = tpu.vector_load_idx %arg8[%broadcast_in_dim3A_1591, %scan3A_1536] : memref<32x2344xf32, #tpu.memory_space<vmem>>[vector<16xi32>, vector<16xi32>], vector<16xf32>,
        %add3A_1593 = arith.addf %scan3A_1544, %gather3A_1592 : vector<16xf32>
        %broadcast_in_dim3A_1594 = arith.constant 8 : i32
        %broadcast_in_dim3A_1595 = vector.broadcast %broadcast_in_dim3A_1594 : i32 to vector<16xi32>
        %gather3A_1596 = tpu.vector_load_idx %arg8[%broadcast_in_dim3A_1595, %scan3A_1536] : memref<32x2344xf32, #tpu.memory_space<vmem>>[vector<16xi32>, vector<16xi32>], vector<16xf32>,
        %add3A_1597 = arith.addf %scan3A_1545, %gather3A_1596 : vector<16xf32>
        %broadcast_in_dim3A_1598 = arith.constant 9 : i32
        %broadcast_in_dim3A_1599 = vector.broadcast %broadcast_in_dim3A_1598 : i32 to vector<16xi32>
        %gather3A_1600 = tpu.vector_load_idx %arg8[%broadcast_in_dim3A_1599, %scan3A_1536] : memref<32x2344xf32, #tpu.memory_space<vmem>>[vector<16xi32>, vector<16xi32>], vector<16xf32>,
        %add3A_1601 = arith.addf %scan3A_1546, %gather3A_1600 : vector<16xf32>
        %broadcast_in_dim3A_1602 = arith.constant 10 : i32
        %broadcast_in_dim3A_1603 = vector.broadcast %broadcast_in_dim3A_1602 : i32 to vector<16xi32>
        %gather3A_1604 = tpu.vector_load_idx %arg8[%broadcast_in_dim3A_1603, %scan3A_1536] : memref<32x2344xf32, #tpu.memory_space<vmem>>[vector<16xi32>, vector<16xi32>], vector<16xf32>,
        %add3A_1605 = arith.addf %scan3A_1547, %gather3A_1604 : vector<16xf32>
        %broadcast_in_dim3A_1606 = arith.constant 11 : i32
        %broadcast_in_dim3A_1607 = vector.broadcast %broadcast_in_dim3A_1606 : i32 to vector<16xi32>
        %gather3A_1608 = tpu.vector_load_idx %arg8[%broadcast_in_dim3A_1607, %scan3A_1536] : memref<32x2344xf32, #tpu.memory_space<vmem>>[vector<16xi32>, vector<16xi32>], vector<16xf32>,
        %add3A_1609 = arith.addf %scan3A_1548, %gather3A_1608 : vector<16xf32>
        %broadcast_in_dim3A_1610 = arith.constant 12 : i32
        %broadcast_in_dim3A_1611 = vector.broadcast %broadcast_in_dim3A_1610 : i32 to vector<16xi32>
        %gather3A_1612 = tpu.vector_load_idx %arg8[%broadcast_in_dim3A_1611, %scan3A_1536] : memref<32x2344xf32, #tpu.memory_space<vmem>>[vector<16xi32>, vector<16xi32>], vector<16xf32>,
        %add3A_1613 = arith.addf %scan3A_1549, %gather3A_1612 : vector<16xf32>
        %broadcast_in_dim3A_1614 = arith.constant 13 : i32
        %broadcast_in_dim3A_1615 = vector.broadcast %broadcast_in_dim3A_1614 : i32 to vector<16xi32>
        %gather3A_1616 = tpu.vector_load_idx %arg8[%broadcast_in_dim3A_1615, %scan3A_1536] : memref<32x2344xf32, #tpu.memory_space<vmem>>[vector<16xi32>, vector<16xi32>], vector<16xf32>,
        %add3A_1617 = arith.addf %scan3A_1550, %gather3A_1616 : vector<16xf32>
        %broadcast_in_dim3A_1618 = arith.constant 14 : i32
        %broadcast_in_dim3A_1619 = vector.broadcast %broadcast_in_dim3A_1618 : i32 to vector<16xi32>
        %gather3A_1620 = tpu.vector_load_idx %arg8[%broadcast_in_dim3A_1619, %scan3A_1536] : memref<32x2344xf32, #tpu.memory_space<vmem>>[vector<16xi32>, vector<16xi32>], vector<16xf32>,
        %add3A_1621 = arith.addf %scan3A_1551, %gather3A_1620 : vector<16xf32>
        %broadcast_in_dim3A_1622 = arith.constant 15 : i32
        %broadcast_in_dim3A_1623 = vector.broadcast %broadcast_in_dim3A_1622 : i32 to vector<16xi32>
        %gather3A_1624 = tpu.vector_load_idx %arg8[%broadcast_in_dim3A_1623, %scan3A_1536] : memref<32x2344xf32, #tpu.memory_space<vmem>>[vector<16xi32>, vector<16xi32>], vector<16xf32>,
        %add3A_1625 = arith.addf %scan3A_1552, %gather3A_1624 : vector<16xf32>
        scf.yield %get3A_1561, %add3A_1565, %add3A_1569, %add3A_1573, %add3A_1577, %add3A_1581, %add3A_1585, %add3A_1589, %add3A_1593, %add3A_1597, %add3A_1601, %add3A_1605, %add3A_1609, %add3A_1613, %add3A_1617, %add3A_1621, %add3A_1625 : vector<16xi32>, vector<16xf32>, vector<16xf32>, vector<16xf32>, vector<16xf32>, vector<16xf32>, vector<16xf32>, vector<16xf32>, vector<16xf32>, vector<16xf32>, vector<16xf32>, vector<16xf32>, vector<16xf32>, vector<16xf32>, vector<16xf32>, vector<16xf32>, vector<16xf32>
      }
      %scan3A_312 = arith.constant 32 : i32
      %swap3A_313 = arith.constant 0 : i32
      %swap3A_314 = arith.index_cast %swap3A_313 : i32 to index
      %swap3A_315 = arith.constant 0 : index
      %swap3A_316 = tpu.vector_load %arg15[%swap3A_314, %swap3A_315] {strides = array<i32>} : memref<32x16xf32, #tpu.memory_space<vmem>>, vector<16xf32>,
      tpu.vector_store %arg15[%swap3A_314, %swap3A_315], %scan3A_311#1 {strides = array<i32>} : memref<32x16xf32, #tpu.memory_space<vmem>>, vector<16xf32>,
      %swap3A_317 = arith.constant 1 : i32
      %swap3A_318 = arith.index_cast %swap3A_317 : i32 to index
      %swap3A_319 = arith.constant 0 : index
      %swap3A_320 = tpu.vector_load %arg15[%swap3A_318, %swap3A_319] {strides = array<i32>} : memref<32x16xf32, #tpu.memory_space<vmem>>, vector<16xf32>,
      tpu.vector_store %arg15[%swap3A_318, %swap3A_319], %scan3A_311#2 {strides = array<i32>} : memref<32x16xf32, #tpu.memory_space<vmem>>, vector<16xf32>,
      %swap3A_321 = arith.constant 2 : i32
      %swap3A_322 = arith.index_cast %swap3A_321 : i32 to index
      %swap3A_323 = arith.constant 0 : index
      %swap3A_324 = tpu.vector_load %arg15[%swap3A_322, %swap3A_323] {strides = array<i32>} : memref<32x16xf32, #tpu.memory_space<vmem>>, vector<16xf32>,
      tpu.vector_store %arg15[%swap3A_322, %swap3A_323], %scan3A_311#3 {strides = array<i32>} : memref<32x16xf32, #tpu.memory_space<vmem>>, vector<16xf32>,
      %swap3A_325 = arith.constant 3 : i32
      %swap3A_326 = arith.index_cast %swap3A_325 : i32 to index
      %swap3A_327 = arith.constant 0 : index
      %swap3A_328 = tpu.vector_load %arg15[%swap3A_326, %swap3A_327] {strides = array<i32>} : memref<32x16xf32, #tpu.memory_space<vmem>>, vector<16xf32>,
      tpu.vector_store %arg15[%swap3A_326, %swap3A_327], %scan3A_311#4 {strides = array<i32>} : memref<32x16xf32, #tpu.memory_space<vmem>>, vector<16xf32>,
      %swap3A_329 = arith.constant 4 : i32
      %swap3A_330 = arith.index_cast %swap3A_329 : i32 to index
      %swap3A_331 = arith.constant 0 : index
      %swap3A_332 = tpu.vector_load %arg15[%swap3A_330, %swap3A_331] {strides = array<i32>} : memref<32x16xf32, #tpu.memory_space<vmem>>, vector<16xf32>,
      tpu.vector_store %arg15[%swap3A_330, %swap3A_331], %scan3A_311#5 {strides = array<i32>} : memref<32x16xf32, #tpu.memory_space<vmem>>, vector<16xf32>,
      %swap3A_333 = arith.constant 5 : i32
      %swap3A_334 = arith.index_cast %swap3A_333 : i32 to index
      %swap3A_335 = arith.constant 0 : index
      %swap3A_336 = tpu.vector_load %arg15[%swap3A_334, %swap3A_335] {strides = array<i32>} : memref<32x16xf32, #tpu.memory_space<vmem>>, vector<16xf32>,
      tpu.vector_store %arg15[%swap3A_334, %swap3A_335], %scan3A_311#6 {strides = array<i32>} : memref<32x16xf32, #tpu.memory_space<vmem>>, vector<16xf32>,
      %swap3A_337 = arith.constant 6 : i32
      %swap3A_338 = arith.index_cast %swap3A_337 : i32 to index
      %swap3A_339 = arith.constant 0 : index
      %swap3A_340 = tpu.vector_load %arg15[%swap3A_338, %swap3A_339] {strides = array<i32>} : memref<32x16xf32, #tpu.memory_space<vmem>>, vector<16xf32>,
      tpu.vector_store %arg15[%swap3A_338, %swap3A_339], %scan3A_311#7 {strides = array<i32>} : memref<32x16xf32, #tpu.memory_space<vmem>>, vector<16xf32>,
      %swap3A_341 = arith.constant 7 : i32
      %swap3A_342 = arith.index_cast %swap3A_341 : i32 to index
      %swap3A_343 = arith.constant 0 : index
      %swap3A_344 = tpu.vector_load %arg15[%swap3A_342, %swap3A_343] {strides = array<i32>} : memref<32x16xf32, #tpu.memory_space<vmem>>, vector<16xf32>,
      tpu.vector_store %arg15[%swap3A_342, %swap3A_343], %scan3A_311#8 {strides = array<i32>} : memref<32x16xf32, #tpu.memory_space<vmem>>, vector<16xf32>,
      %swap3A_345 = arith.constant 8 : i32
      %swap3A_346 = arith.index_cast %swap3A_345 : i32 to index
      %swap3A_347 = arith.constant 0 : index
      %swap3A_348 = tpu.vector_load %arg15[%swap3A_346, %swap3A_347] {strides = array<i32>} : memref<32x16xf32, #tpu.memory_space<vmem>>, vector<16xf32>,
      tpu.vector_store %arg15[%swap3A_346, %swap3A_347], %scan3A_311#9 {strides = array<i32>} : memref<32x16xf32, #tpu.memory_space<vmem>>, vector<16xf32>,
      %swap3A_349 = arith.constant 9 : i32
      %swap3A_350 = arith.index_cast %swap3A_349 : i32 to index
      %swap3A_351 = arith.constant 0 : index
      %swap3A_352 = tpu.vector_load %arg15[%swap3A_350, %swap3A_351] {strides = array<i32>} : memref<32x16xf32, #tpu.memory_space<vmem>>, vector<16xf32>,
      tpu.vector_store %arg15[%swap3A_350, %swap3A_351], %scan3A_311#10 {strides = array<i32>} : memref<32x16xf32, #tpu.memory_space<vmem>>, vector<16xf32>,
      %swap3A_353 = arith.constant 10 : i32
      %swap3A_354 = arith.index_cast %swap3A_353 : i32 to index
      %swap3A_355 = arith.constant 0 : index
      %swap3A_356 = tpu.vector_load %arg15[%swap3A_354, %swap3A_355] {strides = array<i32>} : memref<32x16xf32, #tpu.memory_space<vmem>>, vector<16xf32>,
      tpu.vector_store %arg15[%swap3A_354, %swap3A_355], %scan3A_311#11 {strides = array<i32>} : memref<32x16xf32, #tpu.memory_space<vmem>>, vector<16xf32>,
      %swap3A_357 = arith.constant 11 : i32
      %swap3A_358 = arith.index_cast %swap3A_357 : i32 to index
      %swap3A_359 = arith.constant 0 : index
      %swap3A_360 = tpu.vector_load %arg15[%swap3A_358, %swap3A_359] {strides = array<i32>} : memref<32x16xf32, #tpu.memory_space<vmem>>, vector<16xf32>,
      tpu.vector_store %arg15[%swap3A_358, %swap3A_359], %scan3A_311#12 {strides = array<i32>} : memref<32x16xf32, #tpu.memory_space<vmem>>, vector<16xf32>,
      %swap3A_361 = arith.constant 12 : i32
      %swap3A_362 = arith.index_cast %swap3A_361 : i32 to index
      %swap3A_363 = arith.constant 0 : index
      %swap3A_364 = tpu.vector_load %arg15[%swap3A_362, %swap3A_363] {strides = array<i32>} : memref<32x16xf32, #tpu.memory_space<vmem>>, vector<16xf32>,
      tpu.vector_store %arg15[%swap3A_362, %swap3A_363], %scan3A_311#13 {strides = array<i32>} : memref<32x16xf32, #tpu.memory_space<vmem>>, vector<16xf32>,
      %swap3A_365 = arith.constant 13 : i32
      %swap3A_366 = arith.index_cast %swap3A_365 : i32 to index
      %swap3A_367 = arith.constant 0 : index
      %swap3A_368 = tpu.vector_load %arg15[%swap3A_366, %swap3A_367] {strides = array<i32>} : memref<32x16xf32, #tpu.memory_space<vmem>>, vector<16xf32>,
      tpu.vector_store %arg15[%swap3A_366, %swap3A_367], %scan3A_311#14 {strides = array<i32>} : memref<32x16xf32, #tpu.memory_space<vmem>>, vector<16xf32>,
      %swap3A_369 = arith.constant 14 : i32
      %swap3A_370 = arith.index_cast %swap3A_369 : i32 to index
      %swap3A_371 = arith.constant 0 : index
      %swap3A_372 = tpu.vector_load %arg15[%swap3A_370, %swap3A_371] {strides = array<i32>} : memref<32x16xf32, #tpu.memory_space<vmem>>, vector<16xf32>,
      tpu.vector_store %arg15[%swap3A_370, %swap3A_371], %scan3A_311#15 {strides = array<i32>} : memref<32x16xf32, #tpu.memory_space<vmem>>, vector<16xf32>,
      %swap3A_373 = arith.constant 15 : i32
      %swap3A_374 = arith.index_cast %swap3A_373 : i32 to index
      %swap3A_375 = arith.constant 0 : index
      %swap3A_376 = tpu.vector_load %arg15[%swap3A_374, %swap3A_375] {strides = array<i32>} : memref<32x16xf32, #tpu.memory_space<vmem>>, vector<16xf32>,
      tpu.vector_store %arg15[%swap3A_374, %swap3A_375], %scan3A_311#16 {strides = array<i32>} : memref<32x16xf32, #tpu.memory_space<vmem>>, vector<16xf32>,
      %mul3A_377 = arith.constant 16 : i32
      %mul3A_378 = arith.muli %scan3A_7, %mul3A_377 : i32
      %get3A_379 = arith.constant 0 : i32
      %get3A_380 = arith.index_cast %get3A_379 : i32 to index
      %get3A_381 = arith.index_cast %mul3A_378 : i32 to index
      %get3A_382 = tpu.vector_load %arg10[%get3A_380, %get3A_381] {strides = array<i32>} : memref<32x512xi32, #tpu.memory_space<vmem>>, vector<16xi32>,
      %broadcast_in_dim3A_383 = arith.constant 81 : i32
      %broadcast_in_dim3A_384 = vector.broadcast %broadcast_in_dim3A_383 : i32 to vector<16xi32>
      %gather3A_385 = tpu.vector_load_idx %arg12[%broadcast_in_dim3A_384] : memref<128xf32, #tpu.memory_space<vmem>>[vector<16xi32>], vector<16xf32>,
      %broadcast_in_dim3A_386 = arith.constant 82 : i32
      %broadcast_in_dim3A_387 = vector.broadcast %broadcast_in_dim3A_386 : i32 to vector<16xi32>
      %gather3A_388 = tpu.vector_load_idx %arg12[%broadcast_in_dim3A_387] : memref<128xf32, #tpu.memory_space<vmem>>[vector<16xi32>], vector<16xf32>,
      %broadcast_in_dim3A_389 = arith.constant 83 : i32
      %broadcast_in_dim3A_390 = vector.broadcast %broadcast_in_dim3A_389 : i32 to vector<16xi32>
      %gather3A_391 = tpu.vector_load_idx %arg12[%broadcast_in_dim3A_390] : memref<128xf32, #tpu.memory_space<vmem>>[vector<16xi32>], vector<16xf32>,
      %broadcast_in_dim3A_392 = arith.constant 84 : i32
      %broadcast_in_dim3A_393 = vector.broadcast %broadcast_in_dim3A_392 : i32 to vector<16xi32>
      %gather3A_394 = tpu.vector_load_idx %arg12[%broadcast_in_dim3A_393] : memref<128xf32, #tpu.memory_space<vmem>>[vector<16xi32>], vector<16xf32>,
      %broadcast_in_dim3A_395 = arith.constant 85 : i32
      %broadcast_in_dim3A_396 = vector.broadcast %broadcast_in_dim3A_395 : i32 to vector<16xi32>
      %gather3A_397 = tpu.vector_load_idx %arg12[%broadcast_in_dim3A_396] : memref<128xf32, #tpu.memory_space<vmem>>[vector<16xi32>], vector<16xf32>,
      %broadcast_in_dim3A_398 = arith.constant 86 : i32
      %broadcast_in_dim3A_399 = vector.broadcast %broadcast_in_dim3A_398 : i32 to vector<16xi32>
      %gather3A_400 = tpu.vector_load_idx %arg12[%broadcast_in_dim3A_399] : memref<128xf32, #tpu.memory_space<vmem>>[vector<16xi32>], vector<16xf32>,
      %broadcast_in_dim3A_401 = arith.constant 87 : i32
      %broadcast_in_dim3A_402 = vector.broadcast %broadcast_in_dim3A_401 : i32 to vector<16xi32>
      %gather3A_403 = tpu.vector_load_idx %arg12[%broadcast_in_dim3A_402] : memref<128xf32, #tpu.memory_space<vmem>>[vector<16xi32>], vector<16xf32>,
      %broadcast_in_dim3A_404 = arith.constant 88 : i32
      %broadcast_in_dim3A_405 = vector.broadcast %broadcast_in_dim3A_404 : i32 to vector<16xi32>
      %gather3A_406 = tpu.vector_load_idx %arg12[%broadcast_in_dim3A_405] : memref<128xf32, #tpu.memory_space<vmem>>[vector<16xi32>], vector<16xf32>,
      %broadcast_in_dim3A_407 = arith.constant 89 : i32
      %broadcast_in_dim3A_408 = vector.broadcast %broadcast_in_dim3A_407 : i32 to vector<16xi32>
      %gather3A_409 = tpu.vector_load_idx %arg12[%broadcast_in_dim3A_408] : memref<128xf32, #tpu.memory_space<vmem>>[vector<16xi32>], vector<16xf32>,
      %broadcast_in_dim3A_410 = arith.constant 90 : i32
      %broadcast_in_dim3A_411 = vector.broadcast %broadcast_in_dim3A_410 : i32 to vector<16xi32>
      %gather3A_412 = tpu.vector_load_idx %arg12[%broadcast_in_dim3A_411] : memref<128xf32, #tpu.memory_space<vmem>>[vector<16xi32>], vector<16xf32>,
      %broadcast_in_dim3A_413 = arith.constant 91 : i32
      %broadcast_in_dim3A_414 = vector.broadcast %broadcast_in_dim3A_413 : i32 to vector<16xi32>
      %gather3A_415 = tpu.vector_load_idx %arg12[%broadcast_in_dim3A_414] : memref<128xf32, #tpu.memory_space<vmem>>[vector<16xi32>], vector<16xf32>,
      %broadcast_in_dim3A_416 = arith.constant 92 : i32
      %broadcast_in_dim3A_417 = vector.broadcast %broadcast_in_dim3A_416 : i32 to vector<16xi32>
      %gather3A_418 = tpu.vector_load_idx %arg12[%broadcast_in_dim3A_417] : memref<128xf32, #tpu.memory_space<vmem>>[vector<16xi32>], vector<16xf32>,
      %broadcast_in_dim3A_419 = arith.constant 93 : i32
      %broadcast_in_dim3A_420 = vector.broadcast %broadcast_in_dim3A_419 : i32 to vector<16xi32>
      %gather3A_421 = tpu.vector_load_idx %arg12[%broadcast_in_dim3A_420] : memref<128xf32, #tpu.memory_space<vmem>>[vector<16xi32>], vector<16xf32>,
      %broadcast_in_dim3A_422 = arith.constant 94 : i32
      %broadcast_in_dim3A_423 = vector.broadcast %broadcast_in_dim3A_422 : i32 to vector<16xi32>
      %gather3A_424 = tpu.vector_load_idx %arg12[%broadcast_in_dim3A_423] : memref<128xf32, #tpu.memory_space<vmem>>[vector<16xi32>], vector<16xf32>,
      %broadcast_in_dim3A_425 = arith.constant 95 : i32
      %broadcast_in_dim3A_426 = vector.broadcast %broadcast_in_dim3A_425 : i32 to vector<16xi32>
      %gather3A_427 = tpu.vector_load_idx %arg12[%broadcast_in_dim3A_426] : memref<128xf32, #tpu.memory_space<vmem>>[vector<16xi32>], vector<16xf32>,
      %broadcast_in_dim3A_428 = arith.constant 96 : i32
      %broadcast_in_dim3A_429 = vector.broadcast %broadcast_in_dim3A_428 : i32 to vector<16xi32>
      %gather3A_430 = tpu.vector_load_idx %arg12[%broadcast_in_dim3A_429] : memref<128xf32, #tpu.memory_space<vmem>>[vector<16xi32>], vector<16xf32>,
      %scan3A_431 = arith.constant 0 : i32
      %scan3A_432 = arith.constant 32 : i32
      %scan3A_433 = arith.addi %scan3A_431, %scan3A_432 : i32
      %scan3A_434 = arith.constant 1 : i32
      %scan3A_435:17 = scf.for %scan3A_1535 = %scan3A_431 to %scan3A_433 step %scan3A_434 iter_args(%scan3A_1536 = %get3A_382, %scan3A_1537 = %gather3A_385, %scan3A_1538 = %gather3A_388, %scan3A_1539 = %gather3A_391, %scan3A_1540 = %gather3A_394, %scan3A_1541 = %gather3A_397, %scan3A_1542 = %gather3A_400, %scan3A_1543 = %gather3A_403, %scan3A_1544 = %gather3A_406, %scan3A_1545 = %gather3A_409, %scan3A_1546 = %gather3A_412, %scan3A_1547 = %gather3A_415, %scan3A_1548 = %gather3A_418, %scan3A_1549 = %gather3A_421, %scan3A_1550 = %gather3A_424, %scan3A_1551 = %gather3A_427, %scan3A_1552 = %gather3A_430) -> (vector<16xi32>, vector<16xf32>, vector<16xf32>, vector<16xf32>, vector<16xf32>, vector<16xf32>, vector<16xf32>, vector<16xf32>, vector<16xf32>, vector<16xf32>, vector<16xf32>, vector<16xf32>, vector<16xf32>, vector<16xf32>, vector<16xf32>, vector<16xf32>, vector<16xf32>)  : i32 {
        %add3A_1553 = arith.constant 1 : i32
        %add3A_1554 = arith.addi %scan3A_1535, %add3A_1553 : i32
        %min3A_1555 = arith.constant 31 : i32
        %min3A_1556 = arith.minsi %add3A_1554, %min3A_1555 : i32
        %mul3A_1557 = arith.constant 16 : i32
        %mul3A_1558 = arith.muli %scan3A_7, %mul3A_1557 : i32
        %get3A_1559 = arith.index_cast %min3A_1556 : i32 to index
        %get3A_1560 = arith.index_cast %mul3A_1558 : i32 to index
        %get3A_1561 = tpu.vector_load %arg10[%get3A_1559, %get3A_1560] {strides = array<i32>} : memref<32x512xi32, #tpu.memory_space<vmem>>, vector<16xi32>,
        %broadcast_in_dim3A_1562 = arith.constant 16 : i32
        %broadcast_in_dim3A_1563 = vector.broadcast %broadcast_in_dim3A_1562 : i32 to vector<16xi32>
        %gather3A_1564 = tpu.vector_load_idx %arg8[%broadcast_in_dim3A_1563, %scan3A_1536] : memref<32x2344xf32, #tpu.memory_space<vmem>>[vector<16xi32>, vector<16xi32>], vector<16xf32>,
        %add3A_1565 = arith.addf %scan3A_1537, %gather3A_1564 : vector<16xf32>
        %broadcast_in_dim3A_1566 = arith.constant 17 : i32
        %broadcast_in_dim3A_1567 = vector.broadcast %broadcast_in_dim3A_1566 : i32 to vector<16xi32>
        %gather3A_1568 = tpu.vector_load_idx %arg8[%broadcast_in_dim3A_1567, %scan3A_1536] : memref<32x2344xf32, #tpu.memory_space<vmem>>[vector<16xi32>, vector<16xi32>], vector<16xf32>,
        %add3A_1569 = arith.addf %scan3A_1538, %gather3A_1568 : vector<16xf32>
        %broadcast_in_dim3A_1570 = arith.constant 18 : i32
        %broadcast_in_dim3A_1571 = vector.broadcast %broadcast_in_dim3A_1570 : i32 to vector<16xi32>
        %gather3A_1572 = tpu.vector_load_idx %arg8[%broadcast_in_dim3A_1571, %scan3A_1536] : memref<32x2344xf32, #tpu.memory_space<vmem>>[vector<16xi32>, vector<16xi32>], vector<16xf32>,
        %add3A_1573 = arith.addf %scan3A_1539, %gather3A_1572 : vector<16xf32>
        %broadcast_in_dim3A_1574 = arith.constant 19 : i32
        %broadcast_in_dim3A_1575 = vector.broadcast %broadcast_in_dim3A_1574 : i32 to vector<16xi32>
        %gather3A_1576 = tpu.vector_load_idx %arg8[%broadcast_in_dim3A_1575, %scan3A_1536] : memref<32x2344xf32, #tpu.memory_space<vmem>>[vector<16xi32>, vector<16xi32>], vector<16xf32>,
        %add3A_1577 = arith.addf %scan3A_1540, %gather3A_1576 : vector<16xf32>
        %broadcast_in_dim3A_1578 = arith.constant 20 : i32
        %broadcast_in_dim3A_1579 = vector.broadcast %broadcast_in_dim3A_1578 : i32 to vector<16xi32>
        %gather3A_1580 = tpu.vector_load_idx %arg8[%broadcast_in_dim3A_1579, %scan3A_1536] : memref<32x2344xf32, #tpu.memory_space<vmem>>[vector<16xi32>, vector<16xi32>], vector<16xf32>,
        %add3A_1581 = arith.addf %scan3A_1541, %gather3A_1580 : vector<16xf32>
        %broadcast_in_dim3A_1582 = arith.constant 21 : i32
        %broadcast_in_dim3A_1583 = vector.broadcast %broadcast_in_dim3A_1582 : i32 to vector<16xi32>
        %gather3A_1584 = tpu.vector_load_idx %arg8[%broadcast_in_dim3A_1583, %scan3A_1536] : memref<32x2344xf32, #tpu.memory_space<vmem>>[vector<16xi32>, vector<16xi32>], vector<16xf32>,
        %add3A_1585 = arith.addf %scan3A_1542, %gather3A_1584 : vector<16xf32>
        %broadcast_in_dim3A_1586 = arith.constant 22 : i32
        %broadcast_in_dim3A_1587 = vector.broadcast %broadcast_in_dim3A_1586 : i32 to vector<16xi32>
        %gather3A_1588 = tpu.vector_load_idx %arg8[%broadcast_in_dim3A_1587, %scan3A_1536] : memref<32x2344xf32, #tpu.memory_space<vmem>>[vector<16xi32>, vector<16xi32>], vector<16xf32>,
        %add3A_1589 = arith.addf %scan3A_1543, %gather3A_1588 : vector<16xf32>
        %broadcast_in_dim3A_1590 = arith.constant 23 : i32
        %broadcast_in_dim3A_1591 = vector.broadcast %broadcast_in_dim3A_1590 : i32 to vector<16xi32>
        %gather3A_1592 = tpu.vector_load_idx %arg8[%broadcast_in_dim3A_1591, %scan3A_1536] : memref<32x2344xf32, #tpu.memory_space<vmem>>[vector<16xi32>, vector<16xi32>], vector<16xf32>,
        %add3A_1593 = arith.addf %scan3A_1544, %gather3A_1592 : vector<16xf32>
        %broadcast_in_dim3A_1594 = arith.constant 24 : i32
        %broadcast_in_dim3A_1595 = vector.broadcast %broadcast_in_dim3A_1594 : i32 to vector<16xi32>
        %gather3A_1596 = tpu.vector_load_idx %arg8[%broadcast_in_dim3A_1595, %scan3A_1536] : memref<32x2344xf32, #tpu.memory_space<vmem>>[vector<16xi32>, vector<16xi32>], vector<16xf32>,
        %add3A_1597 = arith.addf %scan3A_1545, %gather3A_1596 : vector<16xf32>
        %broadcast_in_dim3A_1598 = arith.constant 25 : i32
        %broadcast_in_dim3A_1599 = vector.broadcast %broadcast_in_dim3A_1598 : i32 to vector<16xi32>
        %gather3A_1600 = tpu.vector_load_idx %arg8[%broadcast_in_dim3A_1599, %scan3A_1536] : memref<32x2344xf32, #tpu.memory_space<vmem>>[vector<16xi32>, vector<16xi32>], vector<16xf32>,
        %add3A_1601 = arith.addf %scan3A_1546, %gather3A_1600 : vector<16xf32>
        %broadcast_in_dim3A_1602 = arith.constant 26 : i32
        %broadcast_in_dim3A_1603 = vector.broadcast %broadcast_in_dim3A_1602 : i32 to vector<16xi32>
        %gather3A_1604 = tpu.vector_load_idx %arg8[%broadcast_in_dim3A_1603, %scan3A_1536] : memref<32x2344xf32, #tpu.memory_space<vmem>>[vector<16xi32>, vector<16xi32>], vector<16xf32>,
        %add3A_1605 = arith.addf %scan3A_1547, %gather3A_1604 : vector<16xf32>
        %broadcast_in_dim3A_1606 = arith.constant 27 : i32
        %broadcast_in_dim3A_1607 = vector.broadcast %broadcast_in_dim3A_1606 : i32 to vector<16xi32>
        %gather3A_1608 = tpu.vector_load_idx %arg8[%broadcast_in_dim3A_1607, %scan3A_1536] : memref<32x2344xf32, #tpu.memory_space<vmem>>[vector<16xi32>, vector<16xi32>], vector<16xf32>,
        %add3A_1609 = arith.addf %scan3A_1548, %gather3A_1608 : vector<16xf32>
        %broadcast_in_dim3A_1610 = arith.constant 28 : i32
        %broadcast_in_dim3A_1611 = vector.broadcast %broadcast_in_dim3A_1610 : i32 to vector<16xi32>
        %gather3A_1612 = tpu.vector_load_idx %arg8[%broadcast_in_dim3A_1611, %scan3A_1536] : memref<32x2344xf32, #tpu.memory_space<vmem>>[vector<16xi32>, vector<16xi32>], vector<16xf32>,
        %add3A_1613 = arith.addf %scan3A_1549, %gather3A_1612 : vector<16xf32>
        %broadcast_in_dim3A_1614 = arith.constant 29 : i32
        %broadcast_in_dim3A_1615 = vector.broadcast %broadcast_in_dim3A_1614 : i32 to vector<16xi32>
        %gather3A_1616 = tpu.vector_load_idx %arg8[%broadcast_in_dim3A_1615, %scan3A_1536] : memref<32x2344xf32, #tpu.memory_space<vmem>>[vector<16xi32>, vector<16xi32>], vector<16xf32>,
        %add3A_1617 = arith.addf %scan3A_1550, %gather3A_1616 : vector<16xf32>
        %broadcast_in_dim3A_1618 = arith.constant 30 : i32
        %broadcast_in_dim3A_1619 = vector.broadcast %broadcast_in_dim3A_1618 : i32 to vector<16xi32>
        %gather3A_1620 = tpu.vector_load_idx %arg8[%broadcast_in_dim3A_1619, %scan3A_1536] : memref<32x2344xf32, #tpu.memory_space<vmem>>[vector<16xi32>, vector<16xi32>], vector<16xf32>,
        %add3A_1621 = arith.addf %scan3A_1551, %gather3A_1620 : vector<16xf32>
        %broadcast_in_dim3A_1622 = arith.constant 31 : i32
        %broadcast_in_dim3A_1623 = vector.broadcast %broadcast_in_dim3A_1622 : i32 to vector<16xi32>
        %gather3A_1624 = tpu.vector_load_idx %arg8[%broadcast_in_dim3A_1623, %scan3A_1536] : memref<32x2344xf32, #tpu.memory_space<vmem>>[vector<16xi32>, vector<16xi32>], vector<16xf32>,
        %add3A_1625 = arith.addf %scan3A_1552, %gather3A_1624 : vector<16xf32>
        scf.yield %get3A_1561, %add3A_1565, %add3A_1569, %add3A_1573, %add3A_1577, %add3A_1581, %add3A_1585, %add3A_1589, %add3A_1593, %add3A_1597, %add3A_1601, %add3A_1605, %add3A_1609, %add3A_1613, %add3A_1617, %add3A_1621, %add3A_1625 : vector<16xi32>, vector<16xf32>, vector<16xf32>, vector<16xf32>, vector<16xf32>, vector<16xf32>, vector<16xf32>, vector<16xf32>, vector<16xf32>, vector<16xf32>, vector<16xf32>, vector<16xf32>, vector<16xf32>, vector<16xf32>, vector<16xf32>, vector<16xf32>, vector<16xf32>
      }
      %scan3A_436 = arith.constant 32 : i32
      %swap3A_437 = arith.constant 16 : i32
      %swap3A_438 = arith.index_cast %swap3A_437 : i32 to index
      %swap3A_439 = arith.constant 0 : index
      %swap3A_440 = tpu.vector_load %arg15[%swap3A_438, %swap3A_439] {strides = array<i32>} : memref<32x16xf32, #tpu.memory_space<vmem>>, vector<16xf32>,
      tpu.vector_store %arg15[%swap3A_438, %swap3A_439], %scan3A_435#1 {strides = array<i32>} : memref<32x16xf32, #tpu.memory_space<vmem>>, vector<16xf32>,
      %swap3A_441 = arith.constant 17 : i32
      %swap3A_442 = arith.index_cast %swap3A_441 : i32 to index
      %swap3A_443 = arith.constant 0 : index
      %swap3A_444 = tpu.vector_load %arg15[%swap3A_442, %swap3A_443] {strides = array<i32>} : memref<32x16xf32, #tpu.memory_space<vmem>>, vector<16xf32>,
      tpu.vector_store %arg15[%swap3A_442, %swap3A_443], %scan3A_435#2 {strides = array<i32>} : memref<32x16xf32, #tpu.memory_space<vmem>>, vector<16xf32>,
      %swap3A_445 = arith.constant 18 : i32
      %swap3A_446 = arith.index_cast %swap3A_445 : i32 to index
      %swap3A_447 = arith.constant 0 : index
      %swap3A_448 = tpu.vector_load %arg15[%swap3A_446, %swap3A_447] {strides = array<i32>} : memref<32x16xf32, #tpu.memory_space<vmem>>, vector<16xf32>,
      tpu.vector_store %arg15[%swap3A_446, %swap3A_447], %scan3A_435#3 {strides = array<i32>} : memref<32x16xf32, #tpu.memory_space<vmem>>, vector<16xf32>,
      %swap3A_449 = arith.constant 19 : i32
      %swap3A_450 = arith.index_cast %swap3A_449 : i32 to index
      %swap3A_451 = arith.constant 0 : index
      %swap3A_452 = tpu.vector_load %arg15[%swap3A_450, %swap3A_451] {strides = array<i32>} : memref<32x16xf32, #tpu.memory_space<vmem>>, vector<16xf32>,
      tpu.vector_store %arg15[%swap3A_450, %swap3A_451], %scan3A_435#4 {strides = array<i32>} : memref<32x16xf32, #tpu.memory_space<vmem>>, vector<16xf32>,
      %swap3A_453 = arith.constant 20 : i32
      %swap3A_454 = arith.index_cast %swap3A_453 : i32 to index
      %swap3A_455 = arith.constant 0 : index
      %swap3A_456 = tpu.vector_load %arg15[%swap3A_454, %swap3A_455] {strides = array<i32>} : memref<32x16xf32, #tpu.memory_space<vmem>>, vector<16xf32>,
      tpu.vector_store %arg15[%swap3A_454, %swap3A_455], %scan3A_435#5 {strides = array<i32>} : memref<32x16xf32, #tpu.memory_space<vmem>>, vector<16xf32>,
      %swap3A_457 = arith.constant 21 : i32
      %swap3A_458 = arith.index_cast %swap3A_457 : i32 to index
      %swap3A_459 = arith.constant 0 : index
      %swap3A_460 = tpu.vector_load %arg15[%swap3A_458, %swap3A_459] {strides = array<i32>} : memref<32x16xf32, #tpu.memory_space<vmem>>, vector<16xf32>,
      tpu.vector_store %arg15[%swap3A_458, %swap3A_459], %scan3A_435#6 {strides = array<i32>} : memref<32x16xf32, #tpu.memory_space<vmem>>, vector<16xf32>,
      %swap3A_461 = arith.constant 22 : i32
      %swap3A_462 = arith.index_cast %swap3A_461 : i32 to index
      %swap3A_463 = arith.constant 0 : index
      %swap3A_464 = tpu.vector_load %arg15[%swap3A_462, %swap3A_463] {strides = array<i32>} : memref<32x16xf32, #tpu.memory_space<vmem>>, vector<16xf32>,
      tpu.vector_store %arg15[%swap3A_462, %swap3A_463], %scan3A_435#7 {strides = array<i32>} : memref<32x16xf32, #tpu.memory_space<vmem>>, vector<16xf32>,
      %swap3A_465 = arith.constant 23 : i32
      %swap3A_466 = arith.index_cast %swap3A_465 : i32 to index
      %swap3A_467 = arith.constant 0 : index
      %swap3A_468 = tpu.vector_load %arg15[%swap3A_466, %swap3A_467] {strides = array<i32>} : memref<32x16xf32, #tpu.memory_space<vmem>>, vector<16xf32>,
      tpu.vector_store %arg15[%swap3A_466, %swap3A_467], %scan3A_435#8 {strides = array<i32>} : memref<32x16xf32, #tpu.memory_space<vmem>>, vector<16xf32>,
      %swap3A_469 = arith.constant 24 : i32
      %swap3A_470 = arith.index_cast %swap3A_469 : i32 to index
      %swap3A_471 = arith.constant 0 : index
      %swap3A_472 = tpu.vector_load %arg15[%swap3A_470, %swap3A_471] {strides = array<i32>} : memref<32x16xf32, #tpu.memory_space<vmem>>, vector<16xf32>,
      tpu.vector_store %arg15[%swap3A_470, %swap3A_471], %scan3A_435#9 {strides = array<i32>} : memref<32x16xf32, #tpu.memory_space<vmem>>, vector<16xf32>,
      %swap3A_473 = arith.constant 25 : i32
      %swap3A_474 = arith.index_cast %swap3A_473 : i32 to index
      %swap3A_475 = arith.constant 0 : index
      %swap3A_476 = tpu.vector_load %arg15[%swap3A_474, %swap3A_475] {strides = array<i32>} : memref<32x16xf32, #tpu.memory_space<vmem>>, vector<16xf32>,
      tpu.vector_store %arg15[%swap3A_474, %swap3A_475], %scan3A_435#10 {strides = array<i32>} : memref<32x16xf32, #tpu.memory_space<vmem>>, vector<16xf32>,
      %swap3A_477 = arith.constant 26 : i32
      %swap3A_478 = arith.index_cast %swap3A_477 : i32 to index
      %swap3A_479 = arith.constant 0 : index
      %swap3A_480 = tpu.vector_load %arg15[%swap3A_478, %swap3A_479] {strides = array<i32>} : memref<32x16xf32, #tpu.memory_space<vmem>>, vector<16xf32>,
      tpu.vector_store %arg15[%swap3A_478, %swap3A_479], %scan3A_435#11 {strides = array<i32>} : memref<32x16xf32, #tpu.memory_space<vmem>>, vector<16xf32>,
      %swap3A_481 = arith.constant 27 : i32
      %swap3A_482 = arith.index_cast %swap3A_481 : i32 to index
      %swap3A_483 = arith.constant 0 : index
      %swap3A_484 = tpu.vector_load %arg15[%swap3A_482, %swap3A_483] {strides = array<i32>} : memref<32x16xf32, #tpu.memory_space<vmem>>, vector<16xf32>,
      tpu.vector_store %arg15[%swap3A_482, %swap3A_483], %scan3A_435#12 {strides = array<i32>} : memref<32x16xf32, #tpu.memory_space<vmem>>, vector<16xf32>,
      %swap3A_485 = arith.constant 28 : i32
      %swap3A_486 = arith.index_cast %swap3A_485 : i32 to index
      %swap3A_487 = arith.constant 0 : index
      %swap3A_488 = tpu.vector_load %arg15[%swap3A_486, %swap3A_487] {strides = array<i32>} : memref<32x16xf32, #tpu.memory_space<vmem>>, vector<16xf32>,
      tpu.vector_store %arg15[%swap3A_486, %swap3A_487], %scan3A_435#13 {strides = array<i32>} : memref<32x16xf32, #tpu.memory_space<vmem>>, vector<16xf32>,
      %swap3A_489 = arith.constant 29 : i32
      %swap3A_490 = arith.index_cast %swap3A_489 : i32 to index
      %swap3A_491 = arith.constant 0 : index
      %swap3A_492 = tpu.vector_load %arg15[%swap3A_490, %swap3A_491] {strides = array<i32>} : memref<32x16xf32, #tpu.memory_space<vmem>>, vector<16xf32>,
      tpu.vector_store %arg15[%swap3A_490, %swap3A_491], %scan3A_435#14 {strides = array<i32>} : memref<32x16xf32, #tpu.memory_space<vmem>>, vector<16xf32>,
      %swap3A_493 = arith.constant 30 : i32
      %swap3A_494 = arith.index_cast %swap3A_493 : i32 to index
      %swap3A_495 = arith.constant 0 : index
      %swap3A_496 = tpu.vector_load %arg15[%swap3A_494, %swap3A_495] {strides = array<i32>} : memref<32x16xf32, #tpu.memory_space<vmem>>, vector<16xf32>,
      tpu.vector_store %arg15[%swap3A_494, %swap3A_495], %scan3A_435#15 {strides = array<i32>} : memref<32x16xf32, #tpu.memory_space<vmem>>, vector<16xf32>,
      %swap3A_497 = arith.constant 31 : i32
      %swap3A_498 = arith.index_cast %swap3A_497 : i32 to index
      %swap3A_499 = arith.constant 0 : index
      %swap3A_500 = tpu.vector_load %arg15[%swap3A_498, %swap3A_499] {strides = array<i32>} : memref<32x16xf32, #tpu.memory_space<vmem>>, vector<16xf32>,
      tpu.vector_store %arg15[%swap3A_498, %swap3A_499], %scan3A_435#16 {strides = array<i32>} : memref<32x16xf32, #tpu.memory_space<vmem>>, vector<16xf32>,
      %mul3A_501 = arith.constant 16 : i32
      %mul3A_502 = arith.muli %scan3A_7, %mul3A_501 : i32
      %get3A_503 = arith.index_cast %mul3A_502 : i32 to index
      %get3A_504 = tpu.vector_load %arg11[%get3A_503] {strides = array<i32>} : memref<512xi32, #tpu.memory_space<vmem>>, vector<16xi32>,
      %eq3A = arith.constant 0 : i32
      %eq3A_505 = vector.broadcast %eq3A : i32 to vector<16xi32>
      %eq3A_506 = arith.cmpi eq, %get3A_504, %eq3A_505 : vector<16xi32>
      %broadcast_in_dim3A_507 = arith.constant 97 : i32
      %broadcast_in_dim3A_508 = vector.broadcast %broadcast_in_dim3A_507 : i32 to vector<16xi32>
      %gather3A_509 = tpu.vector_load_idx %arg12[%broadcast_in_dim3A_508] : memref<128xf32, #tpu.memory_space<vmem>>[vector<16xi32>], vector<16xf32>,
      %get3A_510 = arith.constant 0 : i32
      %get3A_511 = arith.index_cast %get3A_510 : i32 to index
      %get3A_512 = arith.constant 0 : index
      %get3A_513 = tpu.vector_load %arg14[%get3A_511, %get3A_512] {strides = array<i32>} : memref<32x16xf32, #tpu.memory_space<vmem>>, vector<16xf32>,
      %jit3A = arith.constant 0.000000e+00 : f32
      %jit3A_514 = arith.constant 1.000000e+00 : f32
      %max3A = vector.broadcast %jit3A : f32 to vector<16xf32>
      %max3A_515 = arith.maximumf %max3A, %get3A_513 : vector<16xf32>
      %min3A = vector.broadcast %jit3A_514 : f32 to vector<16xf32>
      %min3A_516 = arith.minimumf %min3A, %max3A_515 : vector<16xf32>
      %get3A_517 = arith.constant 0 : i32
      %get3A_518 = arith.index_cast %get3A_517 : i32 to index
      %get3A_519 = arith.constant 0 : index
      %get3A_520 = tpu.vector_load %arg15[%get3A_518, %get3A_519] {strides = array<i32>} : memref<32x16xf32, #tpu.memory_space<vmem>>, vector<16xf32>,
      %jit3A_521 = arith.constant 0.000000e+00 : f32
      %jit3A_522 = arith.constant 1.000000e+00 : f32
      %max3A_523 = vector.broadcast %jit3A_521 : f32 to vector<16xf32>
      %max3A_524 = arith.maximumf %max3A_523, %get3A_520 : vector<16xf32>
      %min3A_525 = vector.broadcast %jit3A_522 : f32 to vector<16xf32>
      %min3A_526 = arith.minimumf %min3A_525, %max3A_524 : vector<16xf32>
      %select_n3A = arith.select %eq3A_506, %min3A_516, %min3A_526 : vector<16xi1>, vector<16xf32>
      %select_n3A_527 = arith.select %eq3A_506, %min3A_526, %min3A_516 : vector<16xi1>, vector<16xf32>
      %broadcast_in_dim3A_528 = arith.constant 1 : i32
      %broadcast_in_dim3A_529 = vector.broadcast %broadcast_in_dim3A_528 : i32 to vector<16xi32>
      %gather3A_530 = tpu.vector_load_idx %arg12[%broadcast_in_dim3A_529] : memref<128xf32, #tpu.memory_space<vmem>>[vector<16xi32>], vector<16xf32>,
      %mul3A_531 = arith.mulf %select_n3A, %gather3A_530 : vector<16xf32>
      %add3A_532 = arith.addf %gather3A_509, %mul3A_531 : vector<16xf32>
      %broadcast_in_dim3A_533 = arith.constant 33 : i32
      %broadcast_in_dim3A_534 = vector.broadcast %broadcast_in_dim3A_533 : i32 to vector<16xi32>
      %gather3A_535 = tpu.vector_load_idx %arg12[%broadcast_in_dim3A_534] : memref<128xf32, #tpu.memory_space<vmem>>[vector<16xi32>], vector<16xf32>,
      %mul3A_536 = arith.mulf %select_n3A_527, %gather3A_535 : vector<16xf32>
      %add3A_537 = arith.addf %add3A_532, %mul3A_536 : vector<16xf32>
      %get3A_538 = arith.constant 1 : i32
      %get3A_539 = arith.index_cast %get3A_538 : i32 to index
      %get3A_540 = arith.constant 0 : index
      %get3A_541 = tpu.vector_load %arg14[%get3A_539, %get3A_540] {strides = array<i32>} : memref<32x16xf32, #tpu.memory_space<vmem>>, vector<16xf32>,
      %jit3A_542 = arith.constant 0.000000e+00 : f32
      %jit3A_543 = arith.constant 1.000000e+00 : f32
      %max3A_544 = vector.broadcast %jit3A_542 : f32 to vector<16xf32>
      %max3A_545 = arith.maximumf %max3A_544, %get3A_541 : vector<16xf32>
      %min3A_546 = vector.broadcast %jit3A_543 : f32 to vector<16xf32>
      %min3A_547 = arith.minimumf %min3A_546, %max3A_545 : vector<16xf32>
      %get3A_548 = arith.constant 1 : i32
      %get3A_549 = arith.index_cast %get3A_548 : i32 to index
      %get3A_550 = arith.constant 0 : index
      %get3A_551 = tpu.vector_load %arg15[%get3A_549, %get3A_550] {strides = array<i32>} : memref<32x16xf32, #tpu.memory_space<vmem>>, vector<16xf32>,
      %jit3A_552 = arith.constant 0.000000e+00 : f32
      %jit3A_553 = arith.constant 1.000000e+00 : f32
      %max3A_554 = vector.broadcast %jit3A_552 : f32 to vector<16xf32>
      %max3A_555 = arith.maximumf %max3A_554, %get3A_551 : vector<16xf32>
      %min3A_556 = vector.broadcast %jit3A_553 : f32 to vector<16xf32>
      %min3A_557 = arith.minimumf %min3A_556, %max3A_555 : vector<16xf32>
      %select_n3A_558 = arith.select %eq3A_506, %min3A_547, %min3A_557 : vector<16xi1>, vector<16xf32>
      %select_n3A_559 = arith.select %eq3A_506, %min3A_557, %min3A_547 : vector<16xi1>, vector<16xf32>
      %broadcast_in_dim3A_560 = arith.constant 2 : i32
      %broadcast_in_dim3A_561 = vector.broadcast %broadcast_in_dim3A_560 : i32 to vector<16xi32>
      %gather3A_562 = tpu.vector_load_idx %arg12[%broadcast_in_dim3A_561] : memref<128xf32, #tpu.memory_space<vmem>>[vector<16xi32>], vector<16xf32>,
      %mul3A_563 = arith.mulf %select_n3A_558, %gather3A_562 : vector<16xf32>
      %add3A_564 = arith.addf %add3A_537, %mul3A_563 : vector<16xf32>
      %broadcast_in_dim3A_565 = arith.constant 34 : i32
      %broadcast_in_dim3A_566 = vector.broadcast %broadcast_in_dim3A_565 : i32 to vector<16xi32>
      %gather3A_567 = tpu.vector_load_idx %arg12[%broadcast_in_dim3A_566] : memref<128xf32, #tpu.memory_space<vmem>>[vector<16xi32>], vector<16xf32>,
      %mul3A_568 = arith.mulf %select_n3A_559, %gather3A_567 : vector<16xf32>
      %add3A_569 = arith.addf %add3A_564, %mul3A_568 : vector<16xf32>
      %get3A_570 = arith.constant 2 : i32
      %get3A_571 = arith.index_cast %get3A_570 : i32 to index
      %get3A_572 = arith.constant 0 : index
      %get3A_573 = tpu.vector_load %arg14[%get3A_571, %get3A_572] {strides = array<i32>} : memref<32x16xf32, #tpu.memory_space<vmem>>, vector<16xf32>,
      %jit3A_574 = arith.constant 0.000000e+00 : f32
      %jit3A_575 = arith.constant 1.000000e+00 : f32
      %max3A_576 = vector.broadcast %jit3A_574 : f32 to vector<16xf32>
      %max3A_577 = arith.maximumf %max3A_576, %get3A_573 : vector<16xf32>
      %min3A_578 = vector.broadcast %jit3A_575 : f32 to vector<16xf32>
      %min3A_579 = arith.minimumf %min3A_578, %max3A_577 : vector<16xf32>
      %get3A_580 = arith.constant 2 : i32
      %get3A_581 = arith.index_cast %get3A_580 : i32 to index
      %get3A_582 = arith.constant 0 : index
      %get3A_583 = tpu.vector_load %arg15[%get3A_581, %get3A_582] {strides = array<i32>} : memref<32x16xf32, #tpu.memory_space<vmem>>, vector<16xf32>,
      %jit3A_584 = arith.constant 0.000000e+00 : f32
      %jit3A_585 = arith.constant 1.000000e+00 : f32
      %max3A_586 = vector.broadcast %jit3A_584 : f32 to vector<16xf32>
      %max3A_587 = arith.maximumf %max3A_586, %get3A_583 : vector<16xf32>
      %min3A_588 = vector.broadcast %jit3A_585 : f32 to vector<16xf32>
      %min3A_589 = arith.minimumf %min3A_588, %max3A_587 : vector<16xf32>
      %select_n3A_590 = arith.select %eq3A_506, %min3A_579, %min3A_589 : vector<16xi1>, vector<16xf32>
      %select_n3A_591 = arith.select %eq3A_506, %min3A_589, %min3A_579 : vector<16xi1>, vector<16xf32>
      %broadcast_in_dim3A_592 = arith.constant 3 : i32
      %broadcast_in_dim3A_593 = vector.broadcast %broadcast_in_dim3A_592 : i32 to vector<16xi32>
      %gather3A_594 = tpu.vector_load_idx %arg12[%broadcast_in_dim3A_593] : memref<128xf32, #tpu.memory_space<vmem>>[vector<16xi32>], vector<16xf32>,
      %mul3A_595 = arith.mulf %select_n3A_590, %gather3A_594 : vector<16xf32>
      %add3A_596 = arith.addf %add3A_569, %mul3A_595 : vector<16xf32>
      %broadcast_in_dim3A_597 = arith.constant 35 : i32
      %broadcast_in_dim3A_598 = vector.broadcast %broadcast_in_dim3A_597 : i32 to vector<16xi32>
      %gather3A_599 = tpu.vector_load_idx %arg12[%broadcast_in_dim3A_598] : memref<128xf32, #tpu.memory_space<vmem>>[vector<16xi32>], vector<16xf32>,
      %mul3A_600 = arith.mulf %select_n3A_591, %gather3A_599 : vector<16xf32>
      %add3A_601 = arith.addf %add3A_596, %mul3A_600 : vector<16xf32>
      %get3A_602 = arith.constant 3 : i32
      %get3A_603 = arith.index_cast %get3A_602 : i32 to index
      %get3A_604 = arith.constant 0 : index
      %get3A_605 = tpu.vector_load %arg14[%get3A_603, %get3A_604] {strides = array<i32>} : memref<32x16xf32, #tpu.memory_space<vmem>>, vector<16xf32>,
      %jit3A_606 = arith.constant 0.000000e+00 : f32
      %jit3A_607 = arith.constant 1.000000e+00 : f32
      %max3A_608 = vector.broadcast %jit3A_606 : f32 to vector<16xf32>
      %max3A_609 = arith.maximumf %max3A_608, %get3A_605 : vector<16xf32>
      %min3A_610 = vector.broadcast %jit3A_607 : f32 to vector<16xf32>
      %min3A_611 = arith.minimumf %min3A_610, %max3A_609 : vector<16xf32>
      %get3A_612 = arith.constant 3 : i32
      %get3A_613 = arith.index_cast %get3A_612 : i32 to index
      %get3A_614 = arith.constant 0 : index
      %get3A_615 = tpu.vector_load %arg15[%get3A_613, %get3A_614] {strides = array<i32>} : memref<32x16xf32, #tpu.memory_space<vmem>>, vector<16xf32>,
      %jit3A_616 = arith.constant 0.000000e+00 : f32
      %jit3A_617 = arith.constant 1.000000e+00 : f32
      %max3A_618 = vector.broadcast %jit3A_616 : f32 to vector<16xf32>
      %max3A_619 = arith.maximumf %max3A_618, %get3A_615 : vector<16xf32>
      %min3A_620 = vector.broadcast %jit3A_617 : f32 to vector<16xf32>
      %min3A_621 = arith.minimumf %min3A_620, %max3A_619 : vector<16xf32>
      %select_n3A_622 = arith.select %eq3A_506, %min3A_611, %min3A_621 : vector<16xi1>, vector<16xf32>
      %select_n3A_623 = arith.select %eq3A_506, %min3A_621, %min3A_611 : vector<16xi1>, vector<16xf32>
      %broadcast_in_dim3A_624 = arith.constant 4 : i32
      %broadcast_in_dim3A_625 = vector.broadcast %broadcast_in_dim3A_624 : i32 to vector<16xi32>
      %gather3A_626 = tpu.vector_load_idx %arg12[%broadcast_in_dim3A_625] : memref<128xf32, #tpu.memory_space<vmem>>[vector<16xi32>], vector<16xf32>,
      %mul3A_627 = arith.mulf %select_n3A_622, %gather3A_626 : vector<16xf32>
      %add3A_628 = arith.addf %add3A_601, %mul3A_627 : vector<16xf32>
      %broadcast_in_dim3A_629 = arith.constant 36 : i32
      %broadcast_in_dim3A_630 = vector.broadcast %broadcast_in_dim3A_629 : i32 to vector<16xi32>
      %gather3A_631 = tpu.vector_load_idx %arg12[%broadcast_in_dim3A_630] : memref<128xf32, #tpu.memory_space<vmem>>[vector<16xi32>], vector<16xf32>,
      %mul3A_632 = arith.mulf %select_n3A_623, %gather3A_631 : vector<16xf32>
      %add3A_633 = arith.addf %add3A_628, %mul3A_632 : vector<16xf32>
      %get3A_634 = arith.constant 4 : i32
      %get3A_635 = arith.index_cast %get3A_634 : i32 to index
      %get3A_636 = arith.constant 0 : index
      %get3A_637 = tpu.vector_load %arg14[%get3A_635, %get3A_636] {strides = array<i32>} : memref<32x16xf32, #tpu.memory_space<vmem>>, vector<16xf32>,
      %jit3A_638 = arith.constant 0.000000e+00 : f32
      %jit3A_639 = arith.constant 1.000000e+00 : f32
      %max3A_640 = vector.broadcast %jit3A_638 : f32 to vector<16xf32>
      %max3A_641 = arith.maximumf %max3A_640, %get3A_637 : vector<16xf32>
      %min3A_642 = vector.broadcast %jit3A_639 : f32 to vector<16xf32>
      %min3A_643 = arith.minimumf %min3A_642, %max3A_641 : vector<16xf32>
      %get3A_644 = arith.constant 4 : i32
      %get3A_645 = arith.index_cast %get3A_644 : i32 to index
      %get3A_646 = arith.constant 0 : index
      %get3A_647 = tpu.vector_load %arg15[%get3A_645, %get3A_646] {strides = array<i32>} : memref<32x16xf32, #tpu.memory_space<vmem>>, vector<16xf32>,
      %jit3A_648 = arith.constant 0.000000e+00 : f32
      %jit3A_649 = arith.constant 1.000000e+00 : f32
      %max3A_650 = vector.broadcast %jit3A_648 : f32 to vector<16xf32>
      %max3A_651 = arith.maximumf %max3A_650, %get3A_647 : vector<16xf32>
      %min3A_652 = vector.broadcast %jit3A_649 : f32 to vector<16xf32>
      %min3A_653 = arith.minimumf %min3A_652, %max3A_651 : vector<16xf32>
      %select_n3A_654 = arith.select %eq3A_506, %min3A_643, %min3A_653 : vector<16xi1>, vector<16xf32>
      %select_n3A_655 = arith.select %eq3A_506, %min3A_653, %min3A_643 : vector<16xi1>, vector<16xf32>
      %broadcast_in_dim3A_656 = arith.constant 5 : i32
      %broadcast_in_dim3A_657 = vector.broadcast %broadcast_in_dim3A_656 : i32 to vector<16xi32>
      %gather3A_658 = tpu.vector_load_idx %arg12[%broadcast_in_dim3A_657] : memref<128xf32, #tpu.memory_space<vmem>>[vector<16xi32>], vector<16xf32>,
      %mul3A_659 = arith.mulf %select_n3A_654, %gather3A_658 : vector<16xf32>
      %add3A_660 = arith.addf %add3A_633, %mul3A_659 : vector<16xf32>
      %broadcast_in_dim3A_661 = arith.constant 37 : i32
      %broadcast_in_dim3A_662 = vector.broadcast %broadcast_in_dim3A_661 : i32 to vector<16xi32>
      %gather3A_663 = tpu.vector_load_idx %arg12[%broadcast_in_dim3A_662] : memref<128xf32, #tpu.memory_space<vmem>>[vector<16xi32>], vector<16xf32>,
      %mul3A_664 = arith.mulf %select_n3A_655, %gather3A_663 : vector<16xf32>
      %add3A_665 = arith.addf %add3A_660, %mul3A_664 : vector<16xf32>
      %get3A_666 = arith.constant 5 : i32
      %get3A_667 = arith.index_cast %get3A_666 : i32 to index
      %get3A_668 = arith.constant 0 : index
      %get3A_669 = tpu.vector_load %arg14[%get3A_667, %get3A_668] {strides = array<i32>} : memref<32x16xf32, #tpu.memory_space<vmem>>, vector<16xf32>,
      %jit3A_670 = arith.constant 0.000000e+00 : f32
      %jit3A_671 = arith.constant 1.000000e+00 : f32
      %max3A_672 = vector.broadcast %jit3A_670 : f32 to vector<16xf32>
      %max3A_673 = arith.maximumf %max3A_672, %get3A_669 : vector<16xf32>
      %min3A_674 = vector.broadcast %jit3A_671 : f32 to vector<16xf32>
      %min3A_675 = arith.minimumf %min3A_674, %max3A_673 : vector<16xf32>
      %get3A_676 = arith.constant 5 : i32
      %get3A_677 = arith.index_cast %get3A_676 : i32 to index
      %get3A_678 = arith.constant 0 : index
      %get3A_679 = tpu.vector_load %arg15[%get3A_677, %get3A_678] {strides = array<i32>} : memref<32x16xf32, #tpu.memory_space<vmem>>, vector<16xf32>,
      %jit3A_680 = arith.constant 0.000000e+00 : f32
      %jit3A_681 = arith.constant 1.000000e+00 : f32
      %max3A_682 = vector.broadcast %jit3A_680 : f32 to vector<16xf32>
      %max3A_683 = arith.maximumf %max3A_682, %get3A_679 : vector<16xf32>
      %min3A_684 = vector.broadcast %jit3A_681 : f32 to vector<16xf32>
      %min3A_685 = arith.minimumf %min3A_684, %max3A_683 : vector<16xf32>
      %select_n3A_686 = arith.select %eq3A_506, %min3A_675, %min3A_685 : vector<16xi1>, vector<16xf32>
      %select_n3A_687 = arith.select %eq3A_506, %min3A_685, %min3A_675 : vector<16xi1>, vector<16xf32>
      %broadcast_in_dim3A_688 = arith.constant 6 : i32
      %broadcast_in_dim3A_689 = vector.broadcast %broadcast_in_dim3A_688 : i32 to vector<16xi32>
      %gather3A_690 = tpu.vector_load_idx %arg12[%broadcast_in_dim3A_689] : memref<128xf32, #tpu.memory_space<vmem>>[vector<16xi32>], vector<16xf32>,
      %mul3A_691 = arith.mulf %select_n3A_686, %gather3A_690 : vector<16xf32>
      %add3A_692 = arith.addf %add3A_665, %mul3A_691 : vector<16xf32>
      %broadcast_in_dim3A_693 = arith.constant 38 : i32
      %broadcast_in_dim3A_694 = vector.broadcast %broadcast_in_dim3A_693 : i32 to vector<16xi32>
      %gather3A_695 = tpu.vector_load_idx %arg12[%broadcast_in_dim3A_694] : memref<128xf32, #tpu.memory_space<vmem>>[vector<16xi32>], vector<16xf32>,
      %mul3A_696 = arith.mulf %select_n3A_687, %gather3A_695 : vector<16xf32>
      %add3A_697 = arith.addf %add3A_692, %mul3A_696 : vector<16xf32>
      %get3A_698 = arith.constant 6 : i32
      %get3A_699 = arith.index_cast %get3A_698 : i32 to index
      %get3A_700 = arith.constant 0 : index
      %get3A_701 = tpu.vector_load %arg14[%get3A_699, %get3A_700] {strides = array<i32>} : memref<32x16xf32, #tpu.memory_space<vmem>>, vector<16xf32>,
      %jit3A_702 = arith.constant 0.000000e+00 : f32
      %jit3A_703 = arith.constant 1.000000e+00 : f32
      %max3A_704 = vector.broadcast %jit3A_702 : f32 to vector<16xf32>
      %max3A_705 = arith.maximumf %max3A_704, %get3A_701 : vector<16xf32>
      %min3A_706 = vector.broadcast %jit3A_703 : f32 to vector<16xf32>
      %min3A_707 = arith.minimumf %min3A_706, %max3A_705 : vector<16xf32>
      %get3A_708 = arith.constant 6 : i32
      %get3A_709 = arith.index_cast %get3A_708 : i32 to index
      %get3A_710 = arith.constant 0 : index
      %get3A_711 = tpu.vector_load %arg15[%get3A_709, %get3A_710] {strides = array<i32>} : memref<32x16xf32, #tpu.memory_space<vmem>>, vector<16xf32>,
      %jit3A_712 = arith.constant 0.000000e+00 : f32
      %jit3A_713 = arith.constant 1.000000e+00 : f32
      %max3A_714 = vector.broadcast %jit3A_712 : f32 to vector<16xf32>
      %max3A_715 = arith.maximumf %max3A_714, %get3A_711 : vector<16xf32>
      %min3A_716 = vector.broadcast %jit3A_713 : f32 to vector<16xf32>
      %min3A_717 = arith.minimumf %min3A_716, %max3A_715 : vector<16xf32>
      %select_n3A_718 = arith.select %eq3A_506, %min3A_707, %min3A_717 : vector<16xi1>, vector<16xf32>
      %select_n3A_719 = arith.select %eq3A_506, %min3A_717, %min3A_707 : vector<16xi1>, vector<16xf32>
      %broadcast_in_dim3A_720 = arith.constant 7 : i32
      %broadcast_in_dim3A_721 = vector.broadcast %broadcast_in_dim3A_720 : i32 to vector<16xi32>
      %gather3A_722 = tpu.vector_load_idx %arg12[%broadcast_in_dim3A_721] : memref<128xf32, #tpu.memory_space<vmem>>[vector<16xi32>], vector<16xf32>,
      %mul3A_723 = arith.mulf %select_n3A_718, %gather3A_722 : vector<16xf32>
      %add3A_724 = arith.addf %add3A_697, %mul3A_723 : vector<16xf32>
      %broadcast_in_dim3A_725 = arith.constant 39 : i32
      %broadcast_in_dim3A_726 = vector.broadcast %broadcast_in_dim3A_725 : i32 to vector<16xi32>
      %gather3A_727 = tpu.vector_load_idx %arg12[%broadcast_in_dim3A_726] : memref<128xf32, #tpu.memory_space<vmem>>[vector<16xi32>], vector<16xf32>,
      %mul3A_728 = arith.mulf %select_n3A_719, %gather3A_727 : vector<16xf32>
      %add3A_729 = arith.addf %add3A_724, %mul3A_728 : vector<16xf32>
      %get3A_730 = arith.constant 7 : i32
      %get3A_731 = arith.index_cast %get3A_730 : i32 to index
      %get3A_732 = arith.constant 0 : index
      %get3A_733 = tpu.vector_load %arg14[%get3A_731, %get3A_732] {strides = array<i32>} : memref<32x16xf32, #tpu.memory_space<vmem>>, vector<16xf32>,
      %jit3A_734 = arith.constant 0.000000e+00 : f32
      %jit3A_735 = arith.constant 1.000000e+00 : f32
      %max3A_736 = vector.broadcast %jit3A_734 : f32 to vector<16xf32>
      %max3A_737 = arith.maximumf %max3A_736, %get3A_733 : vector<16xf32>
      %min3A_738 = vector.broadcast %jit3A_735 : f32 to vector<16xf32>
      %min3A_739 = arith.minimumf %min3A_738, %max3A_737 : vector<16xf32>
      %get3A_740 = arith.constant 7 : i32
      %get3A_741 = arith.index_cast %get3A_740 : i32 to index
      %get3A_742 = arith.constant 0 : index
      %get3A_743 = tpu.vector_load %arg15[%get3A_741, %get3A_742] {strides = array<i32>} : memref<32x16xf32, #tpu.memory_space<vmem>>, vector<16xf32>,
      %jit3A_744 = arith.constant 0.000000e+00 : f32
      %jit3A_745 = arith.constant 1.000000e+00 : f32
      %max3A_746 = vector.broadcast %jit3A_744 : f32 to vector<16xf32>
      %max3A_747 = arith.maximumf %max3A_746, %get3A_743 : vector<16xf32>
      %min3A_748 = vector.broadcast %jit3A_745 : f32 to vector<16xf32>
      %min3A_749 = arith.minimumf %min3A_748, %max3A_747 : vector<16xf32>
      %select_n3A_750 = arith.select %eq3A_506, %min3A_739, %min3A_749 : vector<16xi1>, vector<16xf32>
      %select_n3A_751 = arith.select %eq3A_506, %min3A_749, %min3A_739 : vector<16xi1>, vector<16xf32>
      %broadcast_in_dim3A_752 = arith.constant 8 : i32
      %broadcast_in_dim3A_753 = vector.broadcast %broadcast_in_dim3A_752 : i32 to vector<16xi32>
      %gather3A_754 = tpu.vector_load_idx %arg12[%broadcast_in_dim3A_753] : memref<128xf32, #tpu.memory_space<vmem>>[vector<16xi32>], vector<16xf32>,
      %mul3A_755 = arith.mulf %select_n3A_750, %gather3A_754 : vector<16xf32>
      %add3A_756 = arith.addf %add3A_729, %mul3A_755 : vector<16xf32>
      %broadcast_in_dim3A_757 = arith.constant 40 : i32
      %broadcast_in_dim3A_758 = vector.broadcast %broadcast_in_dim3A_757 : i32 to vector<16xi32>
      %gather3A_759 = tpu.vector_load_idx %arg12[%broadcast_in_dim3A_758] : memref<128xf32, #tpu.memory_space<vmem>>[vector<16xi32>], vector<16xf32>,
      %mul3A_760 = arith.mulf %select_n3A_751, %gather3A_759 : vector<16xf32>
      %add3A_761 = arith.addf %add3A_756, %mul3A_760 : vector<16xf32>
      %get3A_762 = arith.constant 8 : i32
      %get3A_763 = arith.index_cast %get3A_762 : i32 to index
      %get3A_764 = arith.constant 0 : index
      %get3A_765 = tpu.vector_load %arg14[%get3A_763, %get3A_764] {strides = array<i32>} : memref<32x16xf32, #tpu.memory_space<vmem>>, vector<16xf32>,
      %jit3A_766 = arith.constant 0.000000e+00 : f32
      %jit3A_767 = arith.constant 1.000000e+00 : f32
      %max3A_768 = vector.broadcast %jit3A_766 : f32 to vector<16xf32>
      %max3A_769 = arith.maximumf %max3A_768, %get3A_765 : vector<16xf32>
      %min3A_770 = vector.broadcast %jit3A_767 : f32 to vector<16xf32>
      %min3A_771 = arith.minimumf %min3A_770, %max3A_769 : vector<16xf32>
      %get3A_772 = arith.constant 8 : i32
      %get3A_773 = arith.index_cast %get3A_772 : i32 to index
      %get3A_774 = arith.constant 0 : index
      %get3A_775 = tpu.vector_load %arg15[%get3A_773, %get3A_774] {strides = array<i32>} : memref<32x16xf32, #tpu.memory_space<vmem>>, vector<16xf32>,
      %jit3A_776 = arith.constant 0.000000e+00 : f32
      %jit3A_777 = arith.constant 1.000000e+00 : f32
      %max3A_778 = vector.broadcast %jit3A_776 : f32 to vector<16xf32>
      %max3A_779 = arith.maximumf %max3A_778, %get3A_775 : vector<16xf32>
      %min3A_780 = vector.broadcast %jit3A_777 : f32 to vector<16xf32>
      %min3A_781 = arith.minimumf %min3A_780, %max3A_779 : vector<16xf32>
      %select_n3A_782 = arith.select %eq3A_506, %min3A_771, %min3A_781 : vector<16xi1>, vector<16xf32>
      %select_n3A_783 = arith.select %eq3A_506, %min3A_781, %min3A_771 : vector<16xi1>, vector<16xf32>
      %broadcast_in_dim3A_784 = arith.constant 9 : i32
      %broadcast_in_dim3A_785 = vector.broadcast %broadcast_in_dim3A_784 : i32 to vector<16xi32>
      %gather3A_786 = tpu.vector_load_idx %arg12[%broadcast_in_dim3A_785] : memref<128xf32, #tpu.memory_space<vmem>>[vector<16xi32>], vector<16xf32>,
      %mul3A_787 = arith.mulf %select_n3A_782, %gather3A_786 : vector<16xf32>
      %add3A_788 = arith.addf %add3A_761, %mul3A_787 : vector<16xf32>
      %broadcast_in_dim3A_789 = arith.constant 41 : i32
      %broadcast_in_dim3A_790 = vector.broadcast %broadcast_in_dim3A_789 : i32 to vector<16xi32>
      %gather3A_791 = tpu.vector_load_idx %arg12[%broadcast_in_dim3A_790] : memref<128xf32, #tpu.memory_space<vmem>>[vector<16xi32>], vector<16xf32>,
      %mul3A_792 = arith.mulf %select_n3A_783, %gather3A_791 : vector<16xf32>
      %add3A_793 = arith.addf %add3A_788, %mul3A_792 : vector<16xf32>
      %get3A_794 = arith.constant 9 : i32
      %get3A_795 = arith.index_cast %get3A_794 : i32 to index
      %get3A_796 = arith.constant 0 : index
      %get3A_797 = tpu.vector_load %arg14[%get3A_795, %get3A_796] {strides = array<i32>} : memref<32x16xf32, #tpu.memory_space<vmem>>, vector<16xf32>,
      %jit3A_798 = arith.constant 0.000000e+00 : f32
      %jit3A_799 = arith.constant 1.000000e+00 : f32
      %max3A_800 = vector.broadcast %jit3A_798 : f32 to vector<16xf32>
      %max3A_801 = arith.maximumf %max3A_800, %get3A_797 : vector<16xf32>
      %min3A_802 = vector.broadcast %jit3A_799 : f32 to vector<16xf32>
      %min3A_803 = arith.minimumf %min3A_802, %max3A_801 : vector<16xf32>
      %get3A_804 = arith.constant 9 : i32
      %get3A_805 = arith.index_cast %get3A_804 : i32 to index
      %get3A_806 = arith.constant 0 : index
      %get3A_807 = tpu.vector_load %arg15[%get3A_805, %get3A_806] {strides = array<i32>} : memref<32x16xf32, #tpu.memory_space<vmem>>, vector<16xf32>,
      %jit3A_808 = arith.constant 0.000000e+00 : f32
      %jit3A_809 = arith.constant 1.000000e+00 : f32
      %max3A_810 = vector.broadcast %jit3A_808 : f32 to vector<16xf32>
      %max3A_811 = arith.maximumf %max3A_810, %get3A_807 : vector<16xf32>
      %min3A_812 = vector.broadcast %jit3A_809 : f32 to vector<16xf32>
      %min3A_813 = arith.minimumf %min3A_812, %max3A_811 : vector<16xf32>
      %select_n3A_814 = arith.select %eq3A_506, %min3A_803, %min3A_813 : vector<16xi1>, vector<16xf32>
      %select_n3A_815 = arith.select %eq3A_506, %min3A_813, %min3A_803 : vector<16xi1>, vector<16xf32>
      %broadcast_in_dim3A_816 = arith.constant 10 : i32
      %broadcast_in_dim3A_817 = vector.broadcast %broadcast_in_dim3A_816 : i32 to vector<16xi32>
      %gather3A_818 = tpu.vector_load_idx %arg12[%broadcast_in_dim3A_817] : memref<128xf32, #tpu.memory_space<vmem>>[vector<16xi32>], vector<16xf32>,
      %mul3A_819 = arith.mulf %select_n3A_814, %gather3A_818 : vector<16xf32>
      %add3A_820 = arith.addf %add3A_793, %mul3A_819 : vector<16xf32>
      %broadcast_in_dim3A_821 = arith.constant 42 : i32
      %broadcast_in_dim3A_822 = vector.broadcast %broadcast_in_dim3A_821 : i32 to vector<16xi32>
      %gather3A_823 = tpu.vector_load_idx %arg12[%broadcast_in_dim3A_822] : memref<128xf32, #tpu.memory_space<vmem>>[vector<16xi32>], vector<16xf32>,
      %mul3A_824 = arith.mulf %select_n3A_815, %gather3A_823 : vector<16xf32>
      %add3A_825 = arith.addf %add3A_820, %mul3A_824 : vector<16xf32>
      %get3A_826 = arith.constant 10 : i32
      %get3A_827 = arith.index_cast %get3A_826 : i32 to index
      %get3A_828 = arith.constant 0 : index
      %get3A_829 = tpu.vector_load %arg14[%get3A_827, %get3A_828] {strides = array<i32>} : memref<32x16xf32, #tpu.memory_space<vmem>>, vector<16xf32>,
      %jit3A_830 = arith.constant 0.000000e+00 : f32
      %jit3A_831 = arith.constant 1.000000e+00 : f32
      %max3A_832 = vector.broadcast %jit3A_830 : f32 to vector<16xf32>
      %max3A_833 = arith.maximumf %max3A_832, %get3A_829 : vector<16xf32>
      %min3A_834 = vector.broadcast %jit3A_831 : f32 to vector<16xf32>
      %min3A_835 = arith.minimumf %min3A_834, %max3A_833 : vector<16xf32>
      %get3A_836 = arith.constant 10 : i32
      %get3A_837 = arith.index_cast %get3A_836 : i32 to index
      %get3A_838 = arith.constant 0 : index
      %get3A_839 = tpu.vector_load %arg15[%get3A_837, %get3A_838] {strides = array<i32>} : memref<32x16xf32, #tpu.memory_space<vmem>>, vector<16xf32>,
      %jit3A_840 = arith.constant 0.000000e+00 : f32
      %jit3A_841 = arith.constant 1.000000e+00 : f32
      %max3A_842 = vector.broadcast %jit3A_840 : f32 to vector<16xf32>
      %max3A_843 = arith.maximumf %max3A_842, %get3A_839 : vector<16xf32>
      %min3A_844 = vector.broadcast %jit3A_841 : f32 to vector<16xf32>
      %min3A_845 = arith.minimumf %min3A_844, %max3A_843 : vector<16xf32>
      %select_n3A_846 = arith.select %eq3A_506, %min3A_835, %min3A_845 : vector<16xi1>, vector<16xf32>
      %select_n3A_847 = arith.select %eq3A_506, %min3A_845, %min3A_835 : vector<16xi1>, vector<16xf32>
      %broadcast_in_dim3A_848 = arith.constant 11 : i32
      %broadcast_in_dim3A_849 = vector.broadcast %broadcast_in_dim3A_848 : i32 to vector<16xi32>
      %gather3A_850 = tpu.vector_load_idx %arg12[%broadcast_in_dim3A_849] : memref<128xf32, #tpu.memory_space<vmem>>[vector<16xi32>], vector<16xf32>,
      %mul3A_851 = arith.mulf %select_n3A_846, %gather3A_850 : vector<16xf32>
      %add3A_852 = arith.addf %add3A_825, %mul3A_851 : vector<16xf32>
      %broadcast_in_dim3A_853 = arith.constant 43 : i32
      %broadcast_in_dim3A_854 = vector.broadcast %broadcast_in_dim3A_853 : i32 to vector<16xi32>
      %gather3A_855 = tpu.vector_load_idx %arg12[%broadcast_in_dim3A_854] : memref<128xf32, #tpu.memory_space<vmem>>[vector<16xi32>], vector<16xf32>,
      %mul3A_856 = arith.mulf %select_n3A_847, %gather3A_855 : vector<16xf32>
      %add3A_857 = arith.addf %add3A_852, %mul3A_856 : vector<16xf32>
      %get3A_858 = arith.constant 11 : i32
      %get3A_859 = arith.index_cast %get3A_858 : i32 to index
      %get3A_860 = arith.constant 0 : index
      %get3A_861 = tpu.vector_load %arg14[%get3A_859, %get3A_860] {strides = array<i32>} : memref<32x16xf32, #tpu.memory_space<vmem>>, vector<16xf32>,
      %jit3A_862 = arith.constant 0.000000e+00 : f32
      %jit3A_863 = arith.constant 1.000000e+00 : f32
      %max3A_864 = vector.broadcast %jit3A_862 : f32 to vector<16xf32>
      %max3A_865 = arith.maximumf %max3A_864, %get3A_861 : vector<16xf32>
      %min3A_866 = vector.broadcast %jit3A_863 : f32 to vector<16xf32>
      %min3A_867 = arith.minimumf %min3A_866, %max3A_865 : vector<16xf32>
      %get3A_868 = arith.constant 11 : i32
      %get3A_869 = arith.index_cast %get3A_868 : i32 to index
      %get3A_870 = arith.constant 0 : index
      %get3A_871 = tpu.vector_load %arg15[%get3A_869, %get3A_870] {strides = array<i32>} : memref<32x16xf32, #tpu.memory_space<vmem>>, vector<16xf32>,
      %jit3A_872 = arith.constant 0.000000e+00 : f32
      %jit3A_873 = arith.constant 1.000000e+00 : f32
      %max3A_874 = vector.broadcast %jit3A_872 : f32 to vector<16xf32>
      %max3A_875 = arith.maximumf %max3A_874, %get3A_871 : vector<16xf32>
      %min3A_876 = vector.broadcast %jit3A_873 : f32 to vector<16xf32>
      %min3A_877 = arith.minimumf %min3A_876, %max3A_875 : vector<16xf32>
      %select_n3A_878 = arith.select %eq3A_506, %min3A_867, %min3A_877 : vector<16xi1>, vector<16xf32>
      %select_n3A_879 = arith.select %eq3A_506, %min3A_877, %min3A_867 : vector<16xi1>, vector<16xf32>
      %broadcast_in_dim3A_880 = arith.constant 12 : i32
      %broadcast_in_dim3A_881 = vector.broadcast %broadcast_in_dim3A_880 : i32 to vector<16xi32>
      %gather3A_882 = tpu.vector_load_idx %arg12[%broadcast_in_dim3A_881] : memref<128xf32, #tpu.memory_space<vmem>>[vector<16xi32>], vector<16xf32>,
      %mul3A_883 = arith.mulf %select_n3A_878, %gather3A_882 : vector<16xf32>
      %add3A_884 = arith.addf %add3A_857, %mul3A_883 : vector<16xf32>
      %broadcast_in_dim3A_885 = arith.constant 44 : i32
      %broadcast_in_dim3A_886 = vector.broadcast %broadcast_in_dim3A_885 : i32 to vector<16xi32>
      %gather3A_887 = tpu.vector_load_idx %arg12[%broadcast_in_dim3A_886] : memref<128xf32, #tpu.memory_space<vmem>>[vector<16xi32>], vector<16xf32>,
      %mul3A_888 = arith.mulf %select_n3A_879, %gather3A_887 : vector<16xf32>
      %add3A_889 = arith.addf %add3A_884, %mul3A_888 : vector<16xf32>
      %get3A_890 = arith.constant 12 : i32
      %get3A_891 = arith.index_cast %get3A_890 : i32 to index
      %get3A_892 = arith.constant 0 : index
      %get3A_893 = tpu.vector_load %arg14[%get3A_891, %get3A_892] {strides = array<i32>} : memref<32x16xf32, #tpu.memory_space<vmem>>, vector<16xf32>,
      %jit3A_894 = arith.constant 0.000000e+00 : f32
      %jit3A_895 = arith.constant 1.000000e+00 : f32
      %max3A_896 = vector.broadcast %jit3A_894 : f32 to vector<16xf32>
      %max3A_897 = arith.maximumf %max3A_896, %get3A_893 : vector<16xf32>
      %min3A_898 = vector.broadcast %jit3A_895 : f32 to vector<16xf32>
      %min3A_899 = arith.minimumf %min3A_898, %max3A_897 : vector<16xf32>
      %get3A_900 = arith.constant 12 : i32
      %get3A_901 = arith.index_cast %get3A_900 : i32 to index
      %get3A_902 = arith.constant 0 : index
      %get3A_903 = tpu.vector_load %arg15[%get3A_901, %get3A_902] {strides = array<i32>} : memref<32x16xf32, #tpu.memory_space<vmem>>, vector<16xf32>,
      %jit3A_904 = arith.constant 0.000000e+00 : f32
      %jit3A_905 = arith.constant 1.000000e+00 : f32
      %max3A_906 = vector.broadcast %jit3A_904 : f32 to vector<16xf32>
      %max3A_907 = arith.maximumf %max3A_906, %get3A_903 : vector<16xf32>
      %min3A_908 = vector.broadcast %jit3A_905 : f32 to vector<16xf32>
      %min3A_909 = arith.minimumf %min3A_908, %max3A_907 : vector<16xf32>
      %select_n3A_910 = arith.select %eq3A_506, %min3A_899, %min3A_909 : vector<16xi1>, vector<16xf32>
      %select_n3A_911 = arith.select %eq3A_506, %min3A_909, %min3A_899 : vector<16xi1>, vector<16xf32>
      %broadcast_in_dim3A_912 = arith.constant 13 : i32
      %broadcast_in_dim3A_913 = vector.broadcast %broadcast_in_dim3A_912 : i32 to vector<16xi32>
      %gather3A_914 = tpu.vector_load_idx %arg12[%broadcast_in_dim3A_913] : memref<128xf32, #tpu.memory_space<vmem>>[vector<16xi32>], vector<16xf32>,
      %mul3A_915 = arith.mulf %select_n3A_910, %gather3A_914 : vector<16xf32>
      %add3A_916 = arith.addf %add3A_889, %mul3A_915 : vector<16xf32>
      %broadcast_in_dim3A_917 = arith.constant 45 : i32
      %broadcast_in_dim3A_918 = vector.broadcast %broadcast_in_dim3A_917 : i32 to vector<16xi32>
      %gather3A_919 = tpu.vector_load_idx %arg12[%broadcast_in_dim3A_918] : memref<128xf32, #tpu.memory_space<vmem>>[vector<16xi32>], vector<16xf32>,
      %mul3A_920 = arith.mulf %select_n3A_911, %gather3A_919 : vector<16xf32>
      %add3A_921 = arith.addf %add3A_916, %mul3A_920 : vector<16xf32>
      %get3A_922 = arith.constant 13 : i32
      %get3A_923 = arith.index_cast %get3A_922 : i32 to index
      %get3A_924 = arith.constant 0 : index
      %get3A_925 = tpu.vector_load %arg14[%get3A_923, %get3A_924] {strides = array<i32>} : memref<32x16xf32, #tpu.memory_space<vmem>>, vector<16xf32>,
      %jit3A_926 = arith.constant 0.000000e+00 : f32
      %jit3A_927 = arith.constant 1.000000e+00 : f32
      %max3A_928 = vector.broadcast %jit3A_926 : f32 to vector<16xf32>
      %max3A_929 = arith.maximumf %max3A_928, %get3A_925 : vector<16xf32>
      %min3A_930 = vector.broadcast %jit3A_927 : f32 to vector<16xf32>
      %min3A_931 = arith.minimumf %min3A_930, %max3A_929 : vector<16xf32>
      %get3A_932 = arith.constant 13 : i32
      %get3A_933 = arith.index_cast %get3A_932 : i32 to index
      %get3A_934 = arith.constant 0 : index
      %get3A_935 = tpu.vector_load %arg15[%get3A_933, %get3A_934] {strides = array<i32>} : memref<32x16xf32, #tpu.memory_space<vmem>>, vector<16xf32>,
      %jit3A_936 = arith.constant 0.000000e+00 : f32
      %jit3A_937 = arith.constant 1.000000e+00 : f32
      %max3A_938 = vector.broadcast %jit3A_936 : f32 to vector<16xf32>
      %max3A_939 = arith.maximumf %max3A_938, %get3A_935 : vector<16xf32>
      %min3A_940 = vector.broadcast %jit3A_937 : f32 to vector<16xf32>
      %min3A_941 = arith.minimumf %min3A_940, %max3A_939 : vector<16xf32>
      %select_n3A_942 = arith.select %eq3A_506, %min3A_931, %min3A_941 : vector<16xi1>, vector<16xf32>
      %select_n3A_943 = arith.select %eq3A_506, %min3A_941, %min3A_931 : vector<16xi1>, vector<16xf32>
      %broadcast_in_dim3A_944 = arith.constant 14 : i32
      %broadcast_in_dim3A_945 = vector.broadcast %broadcast_in_dim3A_944 : i32 to vector<16xi32>
      %gather3A_946 = tpu.vector_load_idx %arg12[%broadcast_in_dim3A_945] : memref<128xf32, #tpu.memory_space<vmem>>[vector<16xi32>], vector<16xf32>,
      %mul3A_947 = arith.mulf %select_n3A_942, %gather3A_946 : vector<16xf32>
      %add3A_948 = arith.addf %add3A_921, %mul3A_947 : vector<16xf32>
      %broadcast_in_dim3A_949 = arith.constant 46 : i32
      %broadcast_in_dim3A_950 = vector.broadcast %broadcast_in_dim3A_949 : i32 to vector<16xi32>
      %gather3A_951 = tpu.vector_load_idx %arg12[%broadcast_in_dim3A_950] : memref<128xf32, #tpu.memory_space<vmem>>[vector<16xi32>], vector<16xf32>,
      %mul3A_952 = arith.mulf %select_n3A_943, %gather3A_951 : vector<16xf32>
      %add3A_953 = arith.addf %add3A_948, %mul3A_952 : vector<16xf32>
      %get3A_954 = arith.constant 14 : i32
      %get3A_955 = arith.index_cast %get3A_954 : i32 to index
      %get3A_956 = arith.constant 0 : index
      %get3A_957 = tpu.vector_load %arg14[%get3A_955, %get3A_956] {strides = array<i32>} : memref<32x16xf32, #tpu.memory_space<vmem>>, vector<16xf32>,
      %jit3A_958 = arith.constant 0.000000e+00 : f32
      %jit3A_959 = arith.constant 1.000000e+00 : f32
      %max3A_960 = vector.broadcast %jit3A_958 : f32 to vector<16xf32>
      %max3A_961 = arith.maximumf %max3A_960, %get3A_957 : vector<16xf32>
      %min3A_962 = vector.broadcast %jit3A_959 : f32 to vector<16xf32>
      %min3A_963 = arith.minimumf %min3A_962, %max3A_961 : vector<16xf32>
      %get3A_964 = arith.constant 14 : i32
      %get3A_965 = arith.index_cast %get3A_964 : i32 to index
      %get3A_966 = arith.constant 0 : index
      %get3A_967 = tpu.vector_load %arg15[%get3A_965, %get3A_966] {strides = array<i32>} : memref<32x16xf32, #tpu.memory_space<vmem>>, vector<16xf32>,
      %jit3A_968 = arith.constant 0.000000e+00 : f32
      %jit3A_969 = arith.constant 1.000000e+00 : f32
      %max3A_970 = vector.broadcast %jit3A_968 : f32 to vector<16xf32>
      %max3A_971 = arith.maximumf %max3A_970, %get3A_967 : vector<16xf32>
      %min3A_972 = vector.broadcast %jit3A_969 : f32 to vector<16xf32>
      %min3A_973 = arith.minimumf %min3A_972, %max3A_971 : vector<16xf32>
      %select_n3A_974 = arith.select %eq3A_506, %min3A_963, %min3A_973 : vector<16xi1>, vector<16xf32>
      %select_n3A_975 = arith.select %eq3A_506, %min3A_973, %min3A_963 : vector<16xi1>, vector<16xf32>
      %broadcast_in_dim3A_976 = arith.constant 15 : i32
      %broadcast_in_dim3A_977 = vector.broadcast %broadcast_in_dim3A_976 : i32 to vector<16xi32>
      %gather3A_978 = tpu.vector_load_idx %arg12[%broadcast_in_dim3A_977] : memref<128xf32, #tpu.memory_space<vmem>>[vector<16xi32>], vector<16xf32>,
      %mul3A_979 = arith.mulf %select_n3A_974, %gather3A_978 : vector<16xf32>
      %add3A_980 = arith.addf %add3A_953, %mul3A_979 : vector<16xf32>
      %broadcast_in_dim3A_981 = arith.constant 47 : i32
      %broadcast_in_dim3A_982 = vector.broadcast %broadcast_in_dim3A_981 : i32 to vector<16xi32>
      %gather3A_983 = tpu.vector_load_idx %arg12[%broadcast_in_dim3A_982] : memref<128xf32, #tpu.memory_space<vmem>>[vector<16xi32>], vector<16xf32>,
      %mul3A_984 = arith.mulf %select_n3A_975, %gather3A_983 : vector<16xf32>
      %add3A_985 = arith.addf %add3A_980, %mul3A_984 : vector<16xf32>
      %get3A_986 = arith.constant 15 : i32
      %get3A_987 = arith.index_cast %get3A_986 : i32 to index
      %get3A_988 = arith.constant 0 : index
      %get3A_989 = tpu.vector_load %arg14[%get3A_987, %get3A_988] {strides = array<i32>} : memref<32x16xf32, #tpu.memory_space<vmem>>, vector<16xf32>,
      %jit3A_990 = arith.constant 0.000000e+00 : f32
      %jit3A_991 = arith.constant 1.000000e+00 : f32
      %max3A_992 = vector.broadcast %jit3A_990 : f32 to vector<16xf32>
      %max3A_993 = arith.maximumf %max3A_992, %get3A_989 : vector<16xf32>
      %min3A_994 = vector.broadcast %jit3A_991 : f32 to vector<16xf32>
      %min3A_995 = arith.minimumf %min3A_994, %max3A_993 : vector<16xf32>
      %get3A_996 = arith.constant 15 : i32
      %get3A_997 = arith.index_cast %get3A_996 : i32 to index
      %get3A_998 = arith.constant 0 : index
      %get3A_999 = tpu.vector_load %arg15[%get3A_997, %get3A_998] {strides = array<i32>} : memref<32x16xf32, #tpu.memory_space<vmem>>, vector<16xf32>,
      %jit3A_1000 = arith.constant 0.000000e+00 : f32
      %jit3A_1001 = arith.constant 1.000000e+00 : f32
      %max3A_1002 = vector.broadcast %jit3A_1000 : f32 to vector<16xf32>
      %max3A_1003 = arith.maximumf %max3A_1002, %get3A_999 : vector<16xf32>
      %min3A_1004 = vector.broadcast %jit3A_1001 : f32 to vector<16xf32>
      %min3A_1005 = arith.minimumf %min3A_1004, %max3A_1003 : vector<16xf32>
      %select_n3A_1006 = arith.select %eq3A_506, %min3A_995, %min3A_1005 : vector<16xi1>, vector<16xf32>
      %select_n3A_1007 = arith.select %eq3A_506, %min3A_1005, %min3A_995 : vector<16xi1>, vector<16xf32>
      %broadcast_in_dim3A_1008 = arith.constant 16 : i32
      %broadcast_in_dim3A_1009 = vector.broadcast %broadcast_in_dim3A_1008 : i32 to vector<16xi32>
      %gather3A_1010 = tpu.vector_load_idx %arg12[%broadcast_in_dim3A_1009] : memref<128xf32, #tpu.memory_space<vmem>>[vector<16xi32>], vector<16xf32>,
      %mul3A_1011 = arith.mulf %select_n3A_1006, %gather3A_1010 : vector<16xf32>
      %add3A_1012 = arith.addf %add3A_985, %mul3A_1011 : vector<16xf32>
      %broadcast_in_dim3A_1013 = arith.constant 48 : i32
      %broadcast_in_dim3A_1014 = vector.broadcast %broadcast_in_dim3A_1013 : i32 to vector<16xi32>
      %gather3A_1015 = tpu.vector_load_idx %arg12[%broadcast_in_dim3A_1014] : memref<128xf32, #tpu.memory_space<vmem>>[vector<16xi32>], vector<16xf32>,
      %mul3A_1016 = arith.mulf %select_n3A_1007, %gather3A_1015 : vector<16xf32>
      %add3A_1017 = arith.addf %add3A_1012, %mul3A_1016 : vector<16xf32>
      %get3A_1018 = arith.constant 16 : i32
      %get3A_1019 = arith.index_cast %get3A_1018 : i32 to index
      %get3A_1020 = arith.constant 0 : index
      %get3A_1021 = tpu.vector_load %arg14[%get3A_1019, %get3A_1020] {strides = array<i32>} : memref<32x16xf32, #tpu.memory_space<vmem>>, vector<16xf32>,
      %jit3A_1022 = arith.constant 0.000000e+00 : f32
      %jit3A_1023 = arith.constant 1.000000e+00 : f32
      %max3A_1024 = vector.broadcast %jit3A_1022 : f32 to vector<16xf32>
      %max3A_1025 = arith.maximumf %max3A_1024, %get3A_1021 : vector<16xf32>
      %min3A_1026 = vector.broadcast %jit3A_1023 : f32 to vector<16xf32>
      %min3A_1027 = arith.minimumf %min3A_1026, %max3A_1025 : vector<16xf32>
      %get3A_1028 = arith.constant 16 : i32
      %get3A_1029 = arith.index_cast %get3A_1028 : i32 to index
      %get3A_1030 = arith.constant 0 : index
      %get3A_1031 = tpu.vector_load %arg15[%get3A_1029, %get3A_1030] {strides = array<i32>} : memref<32x16xf32, #tpu.memory_space<vmem>>, vector<16xf32>,
      %jit3A_1032 = arith.constant 0.000000e+00 : f32
      %jit3A_1033 = arith.constant 1.000000e+00 : f32
      %max3A_1034 = vector.broadcast %jit3A_1032 : f32 to vector<16xf32>
      %max3A_1035 = arith.maximumf %max3A_1034, %get3A_1031 : vector<16xf32>
      %min3A_1036 = vector.broadcast %jit3A_1033 : f32 to vector<16xf32>
      %min3A_1037 = arith.minimumf %min3A_1036, %max3A_1035 : vector<16xf32>
      %select_n3A_1038 = arith.select %eq3A_506, %min3A_1027, %min3A_1037 : vector<16xi1>, vector<16xf32>
      %select_n3A_1039 = arith.select %eq3A_506, %min3A_1037, %min3A_1027 : vector<16xi1>, vector<16xf32>
      %broadcast_in_dim3A_1040 = arith.constant 17 : i32
      %broadcast_in_dim3A_1041 = vector.broadcast %broadcast_in_dim3A_1040 : i32 to vector<16xi32>
      %gather3A_1042 = tpu.vector_load_idx %arg12[%broadcast_in_dim3A_1041] : memref<128xf32, #tpu.memory_space<vmem>>[vector<16xi32>], vector<16xf32>,
      %mul3A_1043 = arith.mulf %select_n3A_1038, %gather3A_1042 : vector<16xf32>
      %add3A_1044 = arith.addf %add3A_1017, %mul3A_1043 : vector<16xf32>
      %broadcast_in_dim3A_1045 = arith.constant 49 : i32
      %broadcast_in_dim3A_1046 = vector.broadcast %broadcast_in_dim3A_1045 : i32 to vector<16xi32>
      %gather3A_1047 = tpu.vector_load_idx %arg12[%broadcast_in_dim3A_1046] : memref<128xf32, #tpu.memory_space<vmem>>[vector<16xi32>], vector<16xf32>,
      %mul3A_1048 = arith.mulf %select_n3A_1039, %gather3A_1047 : vector<16xf32>
      %add3A_1049 = arith.addf %add3A_1044, %mul3A_1048 : vector<16xf32>
      %get3A_1050 = arith.constant 17 : i32
      %get3A_1051 = arith.index_cast %get3A_1050 : i32 to index
      %get3A_1052 = arith.constant 0 : index
      %get3A_1053 = tpu.vector_load %arg14[%get3A_1051, %get3A_1052] {strides = array<i32>} : memref<32x16xf32, #tpu.memory_space<vmem>>, vector<16xf32>,
      %jit3A_1054 = arith.constant 0.000000e+00 : f32
      %jit3A_1055 = arith.constant 1.000000e+00 : f32
      %max3A_1056 = vector.broadcast %jit3A_1054 : f32 to vector<16xf32>
      %max3A_1057 = arith.maximumf %max3A_1056, %get3A_1053 : vector<16xf32>
      %min3A_1058 = vector.broadcast %jit3A_1055 : f32 to vector<16xf32>
      %min3A_1059 = arith.minimumf %min3A_1058, %max3A_1057 : vector<16xf32>
      %get3A_1060 = arith.constant 17 : i32
      %get3A_1061 = arith.index_cast %get3A_1060 : i32 to index
      %get3A_1062 = arith.constant 0 : index
      %get3A_1063 = tpu.vector_load %arg15[%get3A_1061, %get3A_1062] {strides = array<i32>} : memref<32x16xf32, #tpu.memory_space<vmem>>, vector<16xf32>,
      %jit3A_1064 = arith.constant 0.000000e+00 : f32
      %jit3A_1065 = arith.constant 1.000000e+00 : f32
      %max3A_1066 = vector.broadcast %jit3A_1064 : f32 to vector<16xf32>
      %max3A_1067 = arith.maximumf %max3A_1066, %get3A_1063 : vector<16xf32>
      %min3A_1068 = vector.broadcast %jit3A_1065 : f32 to vector<16xf32>
      %min3A_1069 = arith.minimumf %min3A_1068, %max3A_1067 : vector<16xf32>
      %select_n3A_1070 = arith.select %eq3A_506, %min3A_1059, %min3A_1069 : vector<16xi1>, vector<16xf32>
      %select_n3A_1071 = arith.select %eq3A_506, %min3A_1069, %min3A_1059 : vector<16xi1>, vector<16xf32>
      %broadcast_in_dim3A_1072 = arith.constant 18 : i32
      %broadcast_in_dim3A_1073 = vector.broadcast %broadcast_in_dim3A_1072 : i32 to vector<16xi32>
      %gather3A_1074 = tpu.vector_load_idx %arg12[%broadcast_in_dim3A_1073] : memref<128xf32, #tpu.memory_space<vmem>>[vector<16xi32>], vector<16xf32>,
      %mul3A_1075 = arith.mulf %select_n3A_1070, %gather3A_1074 : vector<16xf32>
      %add3A_1076 = arith.addf %add3A_1049, %mul3A_1075 : vector<16xf32>
      %broadcast_in_dim3A_1077 = arith.constant 50 : i32
      %broadcast_in_dim3A_1078 = vector.broadcast %broadcast_in_dim3A_1077 : i32 to vector<16xi32>
      %gather3A_1079 = tpu.vector_load_idx %arg12[%broadcast_in_dim3A_1078] : memref<128xf32, #tpu.memory_space<vmem>>[vector<16xi32>], vector<16xf32>,
      %mul3A_1080 = arith.mulf %select_n3A_1071, %gather3A_1079 : vector<16xf32>
      %add3A_1081 = arith.addf %add3A_1076, %mul3A_1080 : vector<16xf32>
      %get3A_1082 = arith.constant 18 : i32
      %get3A_1083 = arith.index_cast %get3A_1082 : i32 to index
      %get3A_1084 = arith.constant 0 : index
      %get3A_1085 = tpu.vector_load %arg14[%get3A_1083, %get3A_1084] {strides = array<i32>} : memref<32x16xf32, #tpu.memory_space<vmem>>, vector<16xf32>,
      %jit3A_1086 = arith.constant 0.000000e+00 : f32
      %jit3A_1087 = arith.constant 1.000000e+00 : f32
      %max3A_1088 = vector.broadcast %jit3A_1086 : f32 to vector<16xf32>
      %max3A_1089 = arith.maximumf %max3A_1088, %get3A_1085 : vector<16xf32>
      %min3A_1090 = vector.broadcast %jit3A_1087 : f32 to vector<16xf32>
      %min3A_1091 = arith.minimumf %min3A_1090, %max3A_1089 : vector<16xf32>
      %get3A_1092 = arith.constant 18 : i32
      %get3A_1093 = arith.index_cast %get3A_1092 : i32 to index
      %get3A_1094 = arith.constant 0 : index
      %get3A_1095 = tpu.vector_load %arg15[%get3A_1093, %get3A_1094] {strides = array<i32>} : memref<32x16xf32, #tpu.memory_space<vmem>>, vector<16xf32>,
      %jit3A_1096 = arith.constant 0.000000e+00 : f32
      %jit3A_1097 = arith.constant 1.000000e+00 : f32
      %max3A_1098 = vector.broadcast %jit3A_1096 : f32 to vector<16xf32>
      %max3A_1099 = arith.maximumf %max3A_1098, %get3A_1095 : vector<16xf32>
      %min3A_1100 = vector.broadcast %jit3A_1097 : f32 to vector<16xf32>
      %min3A_1101 = arith.minimumf %min3A_1100, %max3A_1099 : vector<16xf32>
      %select_n3A_1102 = arith.select %eq3A_506, %min3A_1091, %min3A_1101 : vector<16xi1>, vector<16xf32>
      %select_n3A_1103 = arith.select %eq3A_506, %min3A_1101, %min3A_1091 : vector<16xi1>, vector<16xf32>
      %broadcast_in_dim3A_1104 = arith.constant 19 : i32
      %broadcast_in_dim3A_1105 = vector.broadcast %broadcast_in_dim3A_1104 : i32 to vector<16xi32>
      %gather3A_1106 = tpu.vector_load_idx %arg12[%broadcast_in_dim3A_1105] : memref<128xf32, #tpu.memory_space<vmem>>[vector<16xi32>], vector<16xf32>,
      %mul3A_1107 = arith.mulf %select_n3A_1102, %gather3A_1106 : vector<16xf32>
      %add3A_1108 = arith.addf %add3A_1081, %mul3A_1107 : vector<16xf32>
      %broadcast_in_dim3A_1109 = arith.constant 51 : i32
      %broadcast_in_dim3A_1110 = vector.broadcast %broadcast_in_dim3A_1109 : i32 to vector<16xi32>
      %gather3A_1111 = tpu.vector_load_idx %arg12[%broadcast_in_dim3A_1110] : memref<128xf32, #tpu.memory_space<vmem>>[vector<16xi32>], vector<16xf32>,
      %mul3A_1112 = arith.mulf %select_n3A_1103, %gather3A_1111 : vector<16xf32>
      %add3A_1113 = arith.addf %add3A_1108, %mul3A_1112 : vector<16xf32>
      %get3A_1114 = arith.constant 19 : i32
      %get3A_1115 = arith.index_cast %get3A_1114 : i32 to index
      %get3A_1116 = arith.constant 0 : index
      %get3A_1117 = tpu.vector_load %arg14[%get3A_1115, %get3A_1116] {strides = array<i32>} : memref<32x16xf32, #tpu.memory_space<vmem>>, vector<16xf32>,
      %jit3A_1118 = arith.constant 0.000000e+00 : f32
      %jit3A_1119 = arith.constant 1.000000e+00 : f32
      %max3A_1120 = vector.broadcast %jit3A_1118 : f32 to vector<16xf32>
      %max3A_1121 = arith.maximumf %max3A_1120, %get3A_1117 : vector<16xf32>
      %min3A_1122 = vector.broadcast %jit3A_1119 : f32 to vector<16xf32>
      %min3A_1123 = arith.minimumf %min3A_1122, %max3A_1121 : vector<16xf32>
      %get3A_1124 = arith.constant 19 : i32
      %get3A_1125 = arith.index_cast %get3A_1124 : i32 to index
      %get3A_1126 = arith.constant 0 : index
      %get3A_1127 = tpu.vector_load %arg15[%get3A_1125, %get3A_1126] {strides = array<i32>} : memref<32x16xf32, #tpu.memory_space<vmem>>, vector<16xf32>,
      %jit3A_1128 = arith.constant 0.000000e+00 : f32
      %jit3A_1129 = arith.constant 1.000000e+00 : f32
      %max3A_1130 = vector.broadcast %jit3A_1128 : f32 to vector<16xf32>
      %max3A_1131 = arith.maximumf %max3A_1130, %get3A_1127 : vector<16xf32>
      %min3A_1132 = vector.broadcast %jit3A_1129 : f32 to vector<16xf32>
      %min3A_1133 = arith.minimumf %min3A_1132, %max3A_1131 : vector<16xf32>
      %select_n3A_1134 = arith.select %eq3A_506, %min3A_1123, %min3A_1133 : vector<16xi1>, vector<16xf32>
      %select_n3A_1135 = arith.select %eq3A_506, %min3A_1133, %min3A_1123 : vector<16xi1>, vector<16xf32>
      %broadcast_in_dim3A_1136 = arith.constant 20 : i32
      %broadcast_in_dim3A_1137 = vector.broadcast %broadcast_in_dim3A_1136 : i32 to vector<16xi32>
      %gather3A_1138 = tpu.vector_load_idx %arg12[%broadcast_in_dim3A_1137] : memref<128xf32, #tpu.memory_space<vmem>>[vector<16xi32>], vector<16xf32>,
      %mul3A_1139 = arith.mulf %select_n3A_1134, %gather3A_1138 : vector<16xf32>
      %add3A_1140 = arith.addf %add3A_1113, %mul3A_1139 : vector<16xf32>
      %broadcast_in_dim3A_1141 = arith.constant 52 : i32
      %broadcast_in_dim3A_1142 = vector.broadcast %broadcast_in_dim3A_1141 : i32 to vector<16xi32>
      %gather3A_1143 = tpu.vector_load_idx %arg12[%broadcast_in_dim3A_1142] : memref<128xf32, #tpu.memory_space<vmem>>[vector<16xi32>], vector<16xf32>,
      %mul3A_1144 = arith.mulf %select_n3A_1135, %gather3A_1143 : vector<16xf32>
      %add3A_1145 = arith.addf %add3A_1140, %mul3A_1144 : vector<16xf32>
      %get3A_1146 = arith.constant 20 : i32
      %get3A_1147 = arith.index_cast %get3A_1146 : i32 to index
      %get3A_1148 = arith.constant 0 : index
      %get3A_1149 = tpu.vector_load %arg14[%get3A_1147, %get3A_1148] {strides = array<i32>} : memref<32x16xf32, #tpu.memory_space<vmem>>, vector<16xf32>,
      %jit3A_1150 = arith.constant 0.000000e+00 : f32
      %jit3A_1151 = arith.constant 1.000000e+00 : f32
      %max3A_1152 = vector.broadcast %jit3A_1150 : f32 to vector<16xf32>
      %max3A_1153 = arith.maximumf %max3A_1152, %get3A_1149 : vector<16xf32>
      %min3A_1154 = vector.broadcast %jit3A_1151 : f32 to vector<16xf32>
      %min3A_1155 = arith.minimumf %min3A_1154, %max3A_1153 : vector<16xf32>
      %get3A_1156 = arith.constant 20 : i32
      %get3A_1157 = arith.index_cast %get3A_1156 : i32 to index
      %get3A_1158 = arith.constant 0 : index
      %get3A_1159 = tpu.vector_load %arg15[%get3A_1157, %get3A_1158] {strides = array<i32>} : memref<32x16xf32, #tpu.memory_space<vmem>>, vector<16xf32>,
      %jit3A_1160 = arith.constant 0.000000e+00 : f32
      %jit3A_1161 = arith.constant 1.000000e+00 : f32
      %max3A_1162 = vector.broadcast %jit3A_1160 : f32 to vector<16xf32>
      %max3A_1163 = arith.maximumf %max3A_1162, %get3A_1159 : vector<16xf32>
      %min3A_1164 = vector.broadcast %jit3A_1161 : f32 to vector<16xf32>
      %min3A_1165 = arith.minimumf %min3A_1164, %max3A_1163 : vector<16xf32>
      %select_n3A_1166 = arith.select %eq3A_506, %min3A_1155, %min3A_1165 : vector<16xi1>, vector<16xf32>
      %select_n3A_1167 = arith.select %eq3A_506, %min3A_1165, %min3A_1155 : vector<16xi1>, vector<16xf32>
      %broadcast_in_dim3A_1168 = arith.constant 21 : i32
      %broadcast_in_dim3A_1169 = vector.broadcast %broadcast_in_dim3A_1168 : i32 to vector<16xi32>
      %gather3A_1170 = tpu.vector_load_idx %arg12[%broadcast_in_dim3A_1169] : memref<128xf32, #tpu.memory_space<vmem>>[vector<16xi32>], vector<16xf32>,
      %mul3A_1171 = arith.mulf %select_n3A_1166, %gather3A_1170 : vector<16xf32>
      %add3A_1172 = arith.addf %add3A_1145, %mul3A_1171 : vector<16xf32>
      %broadcast_in_dim3A_1173 = arith.constant 53 : i32
      %broadcast_in_dim3A_1174 = vector.broadcast %broadcast_in_dim3A_1173 : i32 to vector<16xi32>
      %gather3A_1175 = tpu.vector_load_idx %arg12[%broadcast_in_dim3A_1174] : memref<128xf32, #tpu.memory_space<vmem>>[vector<16xi32>], vector<16xf32>,
      %mul3A_1176 = arith.mulf %select_n3A_1167, %gather3A_1175 : vector<16xf32>
      %add3A_1177 = arith.addf %add3A_1172, %mul3A_1176 : vector<16xf32>
      %get3A_1178 = arith.constant 21 : i32
      %get3A_1179 = arith.index_cast %get3A_1178 : i32 to index
      %get3A_1180 = arith.constant 0 : index
      %get3A_1181 = tpu.vector_load %arg14[%get3A_1179, %get3A_1180] {strides = array<i32>} : memref<32x16xf32, #tpu.memory_space<vmem>>, vector<16xf32>,
      %jit3A_1182 = arith.constant 0.000000e+00 : f32
      %jit3A_1183 = arith.constant 1.000000e+00 : f32
      %max3A_1184 = vector.broadcast %jit3A_1182 : f32 to vector<16xf32>
      %max3A_1185 = arith.maximumf %max3A_1184, %get3A_1181 : vector<16xf32>
      %min3A_1186 = vector.broadcast %jit3A_1183 : f32 to vector<16xf32>
      %min3A_1187 = arith.minimumf %min3A_1186, %max3A_1185 : vector<16xf32>
      %get3A_1188 = arith.constant 21 : i32
      %get3A_1189 = arith.index_cast %get3A_1188 : i32 to index
      %get3A_1190 = arith.constant 0 : index
      %get3A_1191 = tpu.vector_load %arg15[%get3A_1189, %get3A_1190] {strides = array<i32>} : memref<32x16xf32, #tpu.memory_space<vmem>>, vector<16xf32>,
      %jit3A_1192 = arith.constant 0.000000e+00 : f32
      %jit3A_1193 = arith.constant 1.000000e+00 : f32
      %max3A_1194 = vector.broadcast %jit3A_1192 : f32 to vector<16xf32>
      %max3A_1195 = arith.maximumf %max3A_1194, %get3A_1191 : vector<16xf32>
      %min3A_1196 = vector.broadcast %jit3A_1193 : f32 to vector<16xf32>
      %min3A_1197 = arith.minimumf %min3A_1196, %max3A_1195 : vector<16xf32>
      %select_n3A_1198 = arith.select %eq3A_506, %min3A_1187, %min3A_1197 : vector<16xi1>, vector<16xf32>
      %select_n3A_1199 = arith.select %eq3A_506, %min3A_1197, %min3A_1187 : vector<16xi1>, vector<16xf32>
      %broadcast_in_dim3A_1200 = arith.constant 22 : i32
      %broadcast_in_dim3A_1201 = vector.broadcast %broadcast_in_dim3A_1200 : i32 to vector<16xi32>
      %gather3A_1202 = tpu.vector_load_idx %arg12[%broadcast_in_dim3A_1201] : memref<128xf32, #tpu.memory_space<vmem>>[vector<16xi32>], vector<16xf32>,
      %mul3A_1203 = arith.mulf %select_n3A_1198, %gather3A_1202 : vector<16xf32>
      %add3A_1204 = arith.addf %add3A_1177, %mul3A_1203 : vector<16xf32>
      %broadcast_in_dim3A_1205 = arith.constant 54 : i32
      %broadcast_in_dim3A_1206 = vector.broadcast %broadcast_in_dim3A_1205 : i32 to vector<16xi32>
      %gather3A_1207 = tpu.vector_load_idx %arg12[%broadcast_in_dim3A_1206] : memref<128xf32, #tpu.memory_space<vmem>>[vector<16xi32>], vector<16xf32>,
      %mul3A_1208 = arith.mulf %select_n3A_1199, %gather3A_1207 : vector<16xf32>
      %add3A_1209 = arith.addf %add3A_1204, %mul3A_1208 : vector<16xf32>
      %get3A_1210 = arith.constant 22 : i32
      %get3A_1211 = arith.index_cast %get3A_1210 : i32 to index
      %get3A_1212 = arith.constant 0 : index
      %get3A_1213 = tpu.vector_load %arg14[%get3A_1211, %get3A_1212] {strides = array<i32>} : memref<32x16xf32, #tpu.memory_space<vmem>>, vector<16xf32>,
      %jit3A_1214 = arith.constant 0.000000e+00 : f32
      %jit3A_1215 = arith.constant 1.000000e+00 : f32
      %max3A_1216 = vector.broadcast %jit3A_1214 : f32 to vector<16xf32>
      %max3A_1217 = arith.maximumf %max3A_1216, %get3A_1213 : vector<16xf32>
      %min3A_1218 = vector.broadcast %jit3A_1215 : f32 to vector<16xf32>
      %min3A_1219 = arith.minimumf %min3A_1218, %max3A_1217 : vector<16xf32>
      %get3A_1220 = arith.constant 22 : i32
      %get3A_1221 = arith.index_cast %get3A_1220 : i32 to index
      %get3A_1222 = arith.constant 0 : index
      %get3A_1223 = tpu.vector_load %arg15[%get3A_1221, %get3A_1222] {strides = array<i32>} : memref<32x16xf32, #tpu.memory_space<vmem>>, vector<16xf32>,
      %jit3A_1224 = arith.constant 0.000000e+00 : f32
      %jit3A_1225 = arith.constant 1.000000e+00 : f32
      %max3A_1226 = vector.broadcast %jit3A_1224 : f32 to vector<16xf32>
      %max3A_1227 = arith.maximumf %max3A_1226, %get3A_1223 : vector<16xf32>
      %min3A_1228 = vector.broadcast %jit3A_1225 : f32 to vector<16xf32>
      %min3A_1229 = arith.minimumf %min3A_1228, %max3A_1227 : vector<16xf32>
      %select_n3A_1230 = arith.select %eq3A_506, %min3A_1219, %min3A_1229 : vector<16xi1>, vector<16xf32>
      %select_n3A_1231 = arith.select %eq3A_506, %min3A_1229, %min3A_1219 : vector<16xi1>, vector<16xf32>
      %broadcast_in_dim3A_1232 = arith.constant 23 : i32
      %broadcast_in_dim3A_1233 = vector.broadcast %broadcast_in_dim3A_1232 : i32 to vector<16xi32>
      %gather3A_1234 = tpu.vector_load_idx %arg12[%broadcast_in_dim3A_1233] : memref<128xf32, #tpu.memory_space<vmem>>[vector<16xi32>], vector<16xf32>,
      %mul3A_1235 = arith.mulf %select_n3A_1230, %gather3A_1234 : vector<16xf32>
      %add3A_1236 = arith.addf %add3A_1209, %mul3A_1235 : vector<16xf32>
      %broadcast_in_dim3A_1237 = arith.constant 55 : i32
      %broadcast_in_dim3A_1238 = vector.broadcast %broadcast_in_dim3A_1237 : i32 to vector<16xi32>
      %gather3A_1239 = tpu.vector_load_idx %arg12[%broadcast_in_dim3A_1238] : memref<128xf32, #tpu.memory_space<vmem>>[vector<16xi32>], vector<16xf32>,
      %mul3A_1240 = arith.mulf %select_n3A_1231, %gather3A_1239 : vector<16xf32>
      %add3A_1241 = arith.addf %add3A_1236, %mul3A_1240 : vector<16xf32>
      %get3A_1242 = arith.constant 23 : i32
      %get3A_1243 = arith.index_cast %get3A_1242 : i32 to index
      %get3A_1244 = arith.constant 0 : index
      %get3A_1245 = tpu.vector_load %arg14[%get3A_1243, %get3A_1244] {strides = array<i32>} : memref<32x16xf32, #tpu.memory_space<vmem>>, vector<16xf32>,
      %jit3A_1246 = arith.constant 0.000000e+00 : f32
      %jit3A_1247 = arith.constant 1.000000e+00 : f32
      %max3A_1248 = vector.broadcast %jit3A_1246 : f32 to vector<16xf32>
      %max3A_1249 = arith.maximumf %max3A_1248, %get3A_1245 : vector<16xf32>
      %min3A_1250 = vector.broadcast %jit3A_1247 : f32 to vector<16xf32>
      %min3A_1251 = arith.minimumf %min3A_1250, %max3A_1249 : vector<16xf32>
      %get3A_1252 = arith.constant 23 : i32
      %get3A_1253 = arith.index_cast %get3A_1252 : i32 to index
      %get3A_1254 = arith.constant 0 : index
      %get3A_1255 = tpu.vector_load %arg15[%get3A_1253, %get3A_1254] {strides = array<i32>} : memref<32x16xf32, #tpu.memory_space<vmem>>, vector<16xf32>,
      %jit3A_1256 = arith.constant 0.000000e+00 : f32
      %jit3A_1257 = arith.constant 1.000000e+00 : f32
      %max3A_1258 = vector.broadcast %jit3A_1256 : f32 to vector<16xf32>
      %max3A_1259 = arith.maximumf %max3A_1258, %get3A_1255 : vector<16xf32>
      %min3A_1260 = vector.broadcast %jit3A_1257 : f32 to vector<16xf32>
      %min3A_1261 = arith.minimumf %min3A_1260, %max3A_1259 : vector<16xf32>
      %select_n3A_1262 = arith.select %eq3A_506, %min3A_1251, %min3A_1261 : vector<16xi1>, vector<16xf32>
      %select_n3A_1263 = arith.select %eq3A_506, %min3A_1261, %min3A_1251 : vector<16xi1>, vector<16xf32>
      %broadcast_in_dim3A_1264 = arith.constant 24 : i32
      %broadcast_in_dim3A_1265 = vector.broadcast %broadcast_in_dim3A_1264 : i32 to vector<16xi32>
      %gather3A_1266 = tpu.vector_load_idx %arg12[%broadcast_in_dim3A_1265] : memref<128xf32, #tpu.memory_space<vmem>>[vector<16xi32>], vector<16xf32>,
      %mul3A_1267 = arith.mulf %select_n3A_1262, %gather3A_1266 : vector<16xf32>
      %add3A_1268 = arith.addf %add3A_1241, %mul3A_1267 : vector<16xf32>
      %broadcast_in_dim3A_1269 = arith.constant 56 : i32
      %broadcast_in_dim3A_1270 = vector.broadcast %broadcast_in_dim3A_1269 : i32 to vector<16xi32>
      %gather3A_1271 = tpu.vector_load_idx %arg12[%broadcast_in_dim3A_1270] : memref<128xf32, #tpu.memory_space<vmem>>[vector<16xi32>], vector<16xf32>,
      %mul3A_1272 = arith.mulf %select_n3A_1263, %gather3A_1271 : vector<16xf32>
      %add3A_1273 = arith.addf %add3A_1268, %mul3A_1272 : vector<16xf32>
      %get3A_1274 = arith.constant 24 : i32
      %get3A_1275 = arith.index_cast %get3A_1274 : i32 to index
      %get3A_1276 = arith.constant 0 : index
      %get3A_1277 = tpu.vector_load %arg14[%get3A_1275, %get3A_1276] {strides = array<i32>} : memref<32x16xf32, #tpu.memory_space<vmem>>, vector<16xf32>,
      %jit3A_1278 = arith.constant 0.000000e+00 : f32
      %jit3A_1279 = arith.constant 1.000000e+00 : f32
      %max3A_1280 = vector.broadcast %jit3A_1278 : f32 to vector<16xf32>
      %max3A_1281 = arith.maximumf %max3A_1280, %get3A_1277 : vector<16xf32>
      %min3A_1282 = vector.broadcast %jit3A_1279 : f32 to vector<16xf32>
      %min3A_1283 = arith.minimumf %min3A_1282, %max3A_1281 : vector<16xf32>
      %get3A_1284 = arith.constant 24 : i32
      %get3A_1285 = arith.index_cast %get3A_1284 : i32 to index
      %get3A_1286 = arith.constant 0 : index
      %get3A_1287 = tpu.vector_load %arg15[%get3A_1285, %get3A_1286] {strides = array<i32>} : memref<32x16xf32, #tpu.memory_space<vmem>>, vector<16xf32>,
      %jit3A_1288 = arith.constant 0.000000e+00 : f32
      %jit3A_1289 = arith.constant 1.000000e+00 : f32
      %max3A_1290 = vector.broadcast %jit3A_1288 : f32 to vector<16xf32>
      %max3A_1291 = arith.maximumf %max3A_1290, %get3A_1287 : vector<16xf32>
      %min3A_1292 = vector.broadcast %jit3A_1289 : f32 to vector<16xf32>
      %min3A_1293 = arith.minimumf %min3A_1292, %max3A_1291 : vector<16xf32>
      %select_n3A_1294 = arith.select %eq3A_506, %min3A_1283, %min3A_1293 : vector<16xi1>, vector<16xf32>
      %select_n3A_1295 = arith.select %eq3A_506, %min3A_1293, %min3A_1283 : vector<16xi1>, vector<16xf32>
      %broadcast_in_dim3A_1296 = arith.constant 25 : i32
      %broadcast_in_dim3A_1297 = vector.broadcast %broadcast_in_dim3A_1296 : i32 to vector<16xi32>
      %gather3A_1298 = tpu.vector_load_idx %arg12[%broadcast_in_dim3A_1297] : memref<128xf32, #tpu.memory_space<vmem>>[vector<16xi32>], vector<16xf32>,
      %mul3A_1299 = arith.mulf %select_n3A_1294, %gather3A_1298 : vector<16xf32>
      %add3A_1300 = arith.addf %add3A_1273, %mul3A_1299 : vector<16xf32>
      %broadcast_in_dim3A_1301 = arith.constant 57 : i32
      %broadcast_in_dim3A_1302 = vector.broadcast %broadcast_in_dim3A_1301 : i32 to vector<16xi32>
      %gather3A_1303 = tpu.vector_load_idx %arg12[%broadcast_in_dim3A_1302] : memref<128xf32, #tpu.memory_space<vmem>>[vector<16xi32>], vector<16xf32>,
      %mul3A_1304 = arith.mulf %select_n3A_1295, %gather3A_1303 : vector<16xf32>
      %add3A_1305 = arith.addf %add3A_1300, %mul3A_1304 : vector<16xf32>
      %get3A_1306 = arith.constant 25 : i32
      %get3A_1307 = arith.index_cast %get3A_1306 : i32 to index
      %get3A_1308 = arith.constant 0 : index
      %get3A_1309 = tpu.vector_load %arg14[%get3A_1307, %get3A_1308] {strides = array<i32>} : memref<32x16xf32, #tpu.memory_space<vmem>>, vector<16xf32>,
      %jit3A_1310 = arith.constant 0.000000e+00 : f32
      %jit3A_1311 = arith.constant 1.000000e+00 : f32
      %max3A_1312 = vector.broadcast %jit3A_1310 : f32 to vector<16xf32>
      %max3A_1313 = arith.maximumf %max3A_1312, %get3A_1309 : vector<16xf32>
      %min3A_1314 = vector.broadcast %jit3A_1311 : f32 to vector<16xf32>
      %min3A_1315 = arith.minimumf %min3A_1314, %max3A_1313 : vector<16xf32>
      %get3A_1316 = arith.constant 25 : i32
      %get3A_1317 = arith.index_cast %get3A_1316 : i32 to index
      %get3A_1318 = arith.constant 0 : index
      %get3A_1319 = tpu.vector_load %arg15[%get3A_1317, %get3A_1318] {strides = array<i32>} : memref<32x16xf32, #tpu.memory_space<vmem>>, vector<16xf32>,
      %jit3A_1320 = arith.constant 0.000000e+00 : f32
      %jit3A_1321 = arith.constant 1.000000e+00 : f32
      %max3A_1322 = vector.broadcast %jit3A_1320 : f32 to vector<16xf32>
      %max3A_1323 = arith.maximumf %max3A_1322, %get3A_1319 : vector<16xf32>
      %min3A_1324 = vector.broadcast %jit3A_1321 : f32 to vector<16xf32>
      %min3A_1325 = arith.minimumf %min3A_1324, %max3A_1323 : vector<16xf32>
      %select_n3A_1326 = arith.select %eq3A_506, %min3A_1315, %min3A_1325 : vector<16xi1>, vector<16xf32>
      %select_n3A_1327 = arith.select %eq3A_506, %min3A_1325, %min3A_1315 : vector<16xi1>, vector<16xf32>
      %broadcast_in_dim3A_1328 = arith.constant 26 : i32
      %broadcast_in_dim3A_1329 = vector.broadcast %broadcast_in_dim3A_1328 : i32 to vector<16xi32>
      %gather3A_1330 = tpu.vector_load_idx %arg12[%broadcast_in_dim3A_1329] : memref<128xf32, #tpu.memory_space<vmem>>[vector<16xi32>], vector<16xf32>,
      %mul3A_1331 = arith.mulf %select_n3A_1326, %gather3A_1330 : vector<16xf32>
      %add3A_1332 = arith.addf %add3A_1305, %mul3A_1331 : vector<16xf32>
      %broadcast_in_dim3A_1333 = arith.constant 58 : i32
      %broadcast_in_dim3A_1334 = vector.broadcast %broadcast_in_dim3A_1333 : i32 to vector<16xi32>
      %gather3A_1335 = tpu.vector_load_idx %arg12[%broadcast_in_dim3A_1334] : memref<128xf32, #tpu.memory_space<vmem>>[vector<16xi32>], vector<16xf32>,
      %mul3A_1336 = arith.mulf %select_n3A_1327, %gather3A_1335 : vector<16xf32>
      %add3A_1337 = arith.addf %add3A_1332, %mul3A_1336 : vector<16xf32>
      %get3A_1338 = arith.constant 26 : i32
      %get3A_1339 = arith.index_cast %get3A_1338 : i32 to index
      %get3A_1340 = arith.constant 0 : index
      %get3A_1341 = tpu.vector_load %arg14[%get3A_1339, %get3A_1340] {strides = array<i32>} : memref<32x16xf32, #tpu.memory_space<vmem>>, vector<16xf32>,
      %jit3A_1342 = arith.constant 0.000000e+00 : f32
      %jit3A_1343 = arith.constant 1.000000e+00 : f32
      %max3A_1344 = vector.broadcast %jit3A_1342 : f32 to vector<16xf32>
      %max3A_1345 = arith.maximumf %max3A_1344, %get3A_1341 : vector<16xf32>
      %min3A_1346 = vector.broadcast %jit3A_1343 : f32 to vector<16xf32>
      %min3A_1347 = arith.minimumf %min3A_1346, %max3A_1345 : vector<16xf32>
      %get3A_1348 = arith.constant 26 : i32
      %get3A_1349 = arith.index_cast %get3A_1348 : i32 to index
      %get3A_1350 = arith.constant 0 : index
      %get3A_1351 = tpu.vector_load %arg15[%get3A_1349, %get3A_1350] {strides = array<i32>} : memref<32x16xf32, #tpu.memory_space<vmem>>, vector<16xf32>,
      %jit3A_1352 = arith.constant 0.000000e+00 : f32
      %jit3A_1353 = arith.constant 1.000000e+00 : f32
      %max3A_1354 = vector.broadcast %jit3A_1352 : f32 to vector<16xf32>
      %max3A_1355 = arith.maximumf %max3A_1354, %get3A_1351 : vector<16xf32>
      %min3A_1356 = vector.broadcast %jit3A_1353 : f32 to vector<16xf32>
      %min3A_1357 = arith.minimumf %min3A_1356, %max3A_1355 : vector<16xf32>
      %select_n3A_1358 = arith.select %eq3A_506, %min3A_1347, %min3A_1357 : vector<16xi1>, vector<16xf32>
      %select_n3A_1359 = arith.select %eq3A_506, %min3A_1357, %min3A_1347 : vector<16xi1>, vector<16xf32>
      %broadcast_in_dim3A_1360 = arith.constant 27 : i32
      %broadcast_in_dim3A_1361 = vector.broadcast %broadcast_in_dim3A_1360 : i32 to vector<16xi32>
      %gather3A_1362 = tpu.vector_load_idx %arg12[%broadcast_in_dim3A_1361] : memref<128xf32, #tpu.memory_space<vmem>>[vector<16xi32>], vector<16xf32>,
      %mul3A_1363 = arith.mulf %select_n3A_1358, %gather3A_1362 : vector<16xf32>
      %add3A_1364 = arith.addf %add3A_1337, %mul3A_1363 : vector<16xf32>
      %broadcast_in_dim3A_1365 = arith.constant 59 : i32
      %broadcast_in_dim3A_1366 = vector.broadcast %broadcast_in_dim3A_1365 : i32 to vector<16xi32>
      %gather3A_1367 = tpu.vector_load_idx %arg12[%broadcast_in_dim3A_1366] : memref<128xf32, #tpu.memory_space<vmem>>[vector<16xi32>], vector<16xf32>,
      %mul3A_1368 = arith.mulf %select_n3A_1359, %gather3A_1367 : vector<16xf32>
      %add3A_1369 = arith.addf %add3A_1364, %mul3A_1368 : vector<16xf32>
      %get3A_1370 = arith.constant 27 : i32
      %get3A_1371 = arith.index_cast %get3A_1370 : i32 to index
      %get3A_1372 = arith.constant 0 : index
      %get3A_1373 = tpu.vector_load %arg14[%get3A_1371, %get3A_1372] {strides = array<i32>} : memref<32x16xf32, #tpu.memory_space<vmem>>, vector<16xf32>,
      %jit3A_1374 = arith.constant 0.000000e+00 : f32
      %jit3A_1375 = arith.constant 1.000000e+00 : f32
      %max3A_1376 = vector.broadcast %jit3A_1374 : f32 to vector<16xf32>
      %max3A_1377 = arith.maximumf %max3A_1376, %get3A_1373 : vector<16xf32>
      %min3A_1378 = vector.broadcast %jit3A_1375 : f32 to vector<16xf32>
      %min3A_1379 = arith.minimumf %min3A_1378, %max3A_1377 : vector<16xf32>
      %get3A_1380 = arith.constant 27 : i32
      %get3A_1381 = arith.index_cast %get3A_1380 : i32 to index
      %get3A_1382 = arith.constant 0 : index
      %get3A_1383 = tpu.vector_load %arg15[%get3A_1381, %get3A_1382] {strides = array<i32>} : memref<32x16xf32, #tpu.memory_space<vmem>>, vector<16xf32>,
      %jit3A_1384 = arith.constant 0.000000e+00 : f32
      %jit3A_1385 = arith.constant 1.000000e+00 : f32
      %max3A_1386 = vector.broadcast %jit3A_1384 : f32 to vector<16xf32>
      %max3A_1387 = arith.maximumf %max3A_1386, %get3A_1383 : vector<16xf32>
      %min3A_1388 = vector.broadcast %jit3A_1385 : f32 to vector<16xf32>
      %min3A_1389 = arith.minimumf %min3A_1388, %max3A_1387 : vector<16xf32>
      %select_n3A_1390 = arith.select %eq3A_506, %min3A_1379, %min3A_1389 : vector<16xi1>, vector<16xf32>
      %select_n3A_1391 = arith.select %eq3A_506, %min3A_1389, %min3A_1379 : vector<16xi1>, vector<16xf32>
      %broadcast_in_dim3A_1392 = arith.constant 28 : i32
      %broadcast_in_dim3A_1393 = vector.broadcast %broadcast_in_dim3A_1392 : i32 to vector<16xi32>
      %gather3A_1394 = tpu.vector_load_idx %arg12[%broadcast_in_dim3A_1393] : memref<128xf32, #tpu.memory_space<vmem>>[vector<16xi32>], vector<16xf32>,
      %mul3A_1395 = arith.mulf %select_n3A_1390, %gather3A_1394 : vector<16xf32>
      %add3A_1396 = arith.addf %add3A_1369, %mul3A_1395 : vector<16xf32>
      %broadcast_in_dim3A_1397 = arith.constant 60 : i32
      %broadcast_in_dim3A_1398 = vector.broadcast %broadcast_in_dim3A_1397 : i32 to vector<16xi32>
      %gather3A_1399 = tpu.vector_load_idx %arg12[%broadcast_in_dim3A_1398] : memref<128xf32, #tpu.memory_space<vmem>>[vector<16xi32>], vector<16xf32>,
      %mul3A_1400 = arith.mulf %select_n3A_1391, %gather3A_1399 : vector<16xf32>
      %add3A_1401 = arith.addf %add3A_1396, %mul3A_1400 : vector<16xf32>
      %get3A_1402 = arith.constant 28 : i32
      %get3A_1403 = arith.index_cast %get3A_1402 : i32 to index
      %get3A_1404 = arith.constant 0 : index
      %get3A_1405 = tpu.vector_load %arg14[%get3A_1403, %get3A_1404] {strides = array<i32>} : memref<32x16xf32, #tpu.memory_space<vmem>>, vector<16xf32>,
      %jit3A_1406 = arith.constant 0.000000e+00 : f32
      %jit3A_1407 = arith.constant 1.000000e+00 : f32
      %max3A_1408 = vector.broadcast %jit3A_1406 : f32 to vector<16xf32>
      %max3A_1409 = arith.maximumf %max3A_1408, %get3A_1405 : vector<16xf32>
      %min3A_1410 = vector.broadcast %jit3A_1407 : f32 to vector<16xf32>
      %min3A_1411 = arith.minimumf %min3A_1410, %max3A_1409 : vector<16xf32>
      %get3A_1412 = arith.constant 28 : i32
      %get3A_1413 = arith.index_cast %get3A_1412 : i32 to index
      %get3A_1414 = arith.constant 0 : index
      %get3A_1415 = tpu.vector_load %arg15[%get3A_1413, %get3A_1414] {strides = array<i32>} : memref<32x16xf32, #tpu.memory_space<vmem>>, vector<16xf32>,
      %jit3A_1416 = arith.constant 0.000000e+00 : f32
      %jit3A_1417 = arith.constant 1.000000e+00 : f32
      %max3A_1418 = vector.broadcast %jit3A_1416 : f32 to vector<16xf32>
      %max3A_1419 = arith.maximumf %max3A_1418, %get3A_1415 : vector<16xf32>
      %min3A_1420 = vector.broadcast %jit3A_1417 : f32 to vector<16xf32>
      %min3A_1421 = arith.minimumf %min3A_1420, %max3A_1419 : vector<16xf32>
      %select_n3A_1422 = arith.select %eq3A_506, %min3A_1411, %min3A_1421 : vector<16xi1>, vector<16xf32>
      %select_n3A_1423 = arith.select %eq3A_506, %min3A_1421, %min3A_1411 : vector<16xi1>, vector<16xf32>
      %broadcast_in_dim3A_1424 = arith.constant 29 : i32
      %broadcast_in_dim3A_1425 = vector.broadcast %broadcast_in_dim3A_1424 : i32 to vector<16xi32>
      %gather3A_1426 = tpu.vector_load_idx %arg12[%broadcast_in_dim3A_1425] : memref<128xf32, #tpu.memory_space<vmem>>[vector<16xi32>], vector<16xf32>,
      %mul3A_1427 = arith.mulf %select_n3A_1422, %gather3A_1426 : vector<16xf32>
      %add3A_1428 = arith.addf %add3A_1401, %mul3A_1427 : vector<16xf32>
      %broadcast_in_dim3A_1429 = arith.constant 61 : i32
      %broadcast_in_dim3A_1430 = vector.broadcast %broadcast_in_dim3A_1429 : i32 to vector<16xi32>
      %gather3A_1431 = tpu.vector_load_idx %arg12[%broadcast_in_dim3A_1430] : memref<128xf32, #tpu.memory_space<vmem>>[vector<16xi32>], vector<16xf32>,
      %mul3A_1432 = arith.mulf %select_n3A_1423, %gather3A_1431 : vector<16xf32>
      %add3A_1433 = arith.addf %add3A_1428, %mul3A_1432 : vector<16xf32>
      %get3A_1434 = arith.constant 29 : i32
      %get3A_1435 = arith.index_cast %get3A_1434 : i32 to index
      %get3A_1436 = arith.constant 0 : index
      %get3A_1437 = tpu.vector_load %arg14[%get3A_1435, %get3A_1436] {strides = array<i32>} : memref<32x16xf32, #tpu.memory_space<vmem>>, vector<16xf32>,
      %jit3A_1438 = arith.constant 0.000000e+00 : f32
      %jit3A_1439 = arith.constant 1.000000e+00 : f32
      %max3A_1440 = vector.broadcast %jit3A_1438 : f32 to vector<16xf32>
      %max3A_1441 = arith.maximumf %max3A_1440, %get3A_1437 : vector<16xf32>
      %min3A_1442 = vector.broadcast %jit3A_1439 : f32 to vector<16xf32>
      %min3A_1443 = arith.minimumf %min3A_1442, %max3A_1441 : vector<16xf32>
      %get3A_1444 = arith.constant 29 : i32
      %get3A_1445 = arith.index_cast %get3A_1444 : i32 to index
      %get3A_1446 = arith.constant 0 : index
      %get3A_1447 = tpu.vector_load %arg15[%get3A_1445, %get3A_1446] {strides = array<i32>} : memref<32x16xf32, #tpu.memory_space<vmem>>, vector<16xf32>,
      %jit3A_1448 = arith.constant 0.000000e+00 : f32
      %jit3A_1449 = arith.constant 1.000000e+00 : f32
      %max3A_1450 = vector.broadcast %jit3A_1448 : f32 to vector<16xf32>
      %max3A_1451 = arith.maximumf %max3A_1450, %get3A_1447 : vector<16xf32>
      %min3A_1452 = vector.broadcast %jit3A_1449 : f32 to vector<16xf32>
      %min3A_1453 = arith.minimumf %min3A_1452, %max3A_1451 : vector<16xf32>
      %select_n3A_1454 = arith.select %eq3A_506, %min3A_1443, %min3A_1453 : vector<16xi1>, vector<16xf32>
      %select_n3A_1455 = arith.select %eq3A_506, %min3A_1453, %min3A_1443 : vector<16xi1>, vector<16xf32>
      %broadcast_in_dim3A_1456 = arith.constant 30 : i32
      %broadcast_in_dim3A_1457 = vector.broadcast %broadcast_in_dim3A_1456 : i32 to vector<16xi32>
      %gather3A_1458 = tpu.vector_load_idx %arg12[%broadcast_in_dim3A_1457] : memref<128xf32, #tpu.memory_space<vmem>>[vector<16xi32>], vector<16xf32>,
      %mul3A_1459 = arith.mulf %select_n3A_1454, %gather3A_1458 : vector<16xf32>
      %add3A_1460 = arith.addf %add3A_1433, %mul3A_1459 : vector<16xf32>
      %broadcast_in_dim3A_1461 = arith.constant 62 : i32
      %broadcast_in_dim3A_1462 = vector.broadcast %broadcast_in_dim3A_1461 : i32 to vector<16xi32>
      %gather3A_1463 = tpu.vector_load_idx %arg12[%broadcast_in_dim3A_1462] : memref<128xf32, #tpu.memory_space<vmem>>[vector<16xi32>], vector<16xf32>,
      %mul3A_1464 = arith.mulf %select_n3A_1455, %gather3A_1463 : vector<16xf32>
      %add3A_1465 = arith.addf %add3A_1460, %mul3A_1464 : vector<16xf32>
      %get3A_1466 = arith.constant 30 : i32
      %get3A_1467 = arith.index_cast %get3A_1466 : i32 to index
      %get3A_1468 = arith.constant 0 : index
      %get3A_1469 = tpu.vector_load %arg14[%get3A_1467, %get3A_1468] {strides = array<i32>} : memref<32x16xf32, #tpu.memory_space<vmem>>, vector<16xf32>,
      %jit3A_1470 = arith.constant 0.000000e+00 : f32
      %jit3A_1471 = arith.constant 1.000000e+00 : f32
      %max3A_1472 = vector.broadcast %jit3A_1470 : f32 to vector<16xf32>
      %max3A_1473 = arith.maximumf %max3A_1472, %get3A_1469 : vector<16xf32>
      %min3A_1474 = vector.broadcast %jit3A_1471 : f32 to vector<16xf32>
      %min3A_1475 = arith.minimumf %min3A_1474, %max3A_1473 : vector<16xf32>
      %get3A_1476 = arith.constant 30 : i32
      %get3A_1477 = arith.index_cast %get3A_1476 : i32 to index
      %get3A_1478 = arith.constant 0 : index
      %get3A_1479 = tpu.vector_load %arg15[%get3A_1477, %get3A_1478] {strides = array<i32>} : memref<32x16xf32, #tpu.memory_space<vmem>>, vector<16xf32>,
      %jit3A_1480 = arith.constant 0.000000e+00 : f32
      %jit3A_1481 = arith.constant 1.000000e+00 : f32
      %max3A_1482 = vector.broadcast %jit3A_1480 : f32 to vector<16xf32>
      %max3A_1483 = arith.maximumf %max3A_1482, %get3A_1479 : vector<16xf32>
      %min3A_1484 = vector.broadcast %jit3A_1481 : f32 to vector<16xf32>
      %min3A_1485 = arith.minimumf %min3A_1484, %max3A_1483 : vector<16xf32>
      %select_n3A_1486 = arith.select %eq3A_506, %min3A_1475, %min3A_1485 : vector<16xi1>, vector<16xf32>
      %select_n3A_1487 = arith.select %eq3A_506, %min3A_1485, %min3A_1475 : vector<16xi1>, vector<16xf32>
      %broadcast_in_dim3A_1488 = arith.constant 31 : i32
      %broadcast_in_dim3A_1489 = vector.broadcast %broadcast_in_dim3A_1488 : i32 to vector<16xi32>
      %gather3A_1490 = tpu.vector_load_idx %arg12[%broadcast_in_dim3A_1489] : memref<128xf32, #tpu.memory_space<vmem>>[vector<16xi32>], vector<16xf32>,
      %mul3A_1491 = arith.mulf %select_n3A_1486, %gather3A_1490 : vector<16xf32>
      %add3A_1492 = arith.addf %add3A_1465, %mul3A_1491 : vector<16xf32>
      %broadcast_in_dim3A_1493 = arith.constant 63 : i32
      %broadcast_in_dim3A_1494 = vector.broadcast %broadcast_in_dim3A_1493 : i32 to vector<16xi32>
      %gather3A_1495 = tpu.vector_load_idx %arg12[%broadcast_in_dim3A_1494] : memref<128xf32, #tpu.memory_space<vmem>>[vector<16xi32>], vector<16xf32>,
      %mul3A_1496 = arith.mulf %select_n3A_1487, %gather3A_1495 : vector<16xf32>
      %add3A_1497 = arith.addf %add3A_1492, %mul3A_1496 : vector<16xf32>
      %get3A_1498 = arith.constant 31 : i32
      %get3A_1499 = arith.index_cast %get3A_1498 : i32 to index
      %get3A_1500 = arith.constant 0 : index
      %get3A_1501 = tpu.vector_load %arg14[%get3A_1499, %get3A_1500] {strides = array<i32>} : memref<32x16xf32, #tpu.memory_space<vmem>>, vector<16xf32>,
      %jit3A_1502 = arith.constant 0.000000e+00 : f32
      %jit3A_1503 = arith.constant 1.000000e+00 : f32
      %max3A_1504 = vector.broadcast %jit3A_1502 : f32 to vector<16xf32>
      %max3A_1505 = arith.maximumf %max3A_1504, %get3A_1501 : vector<16xf32>
      %min3A_1506 = vector.broadcast %jit3A_1503 : f32 to vector<16xf32>
      %min3A_1507 = arith.minimumf %min3A_1506, %max3A_1505 : vector<16xf32>
      %get3A_1508 = arith.constant 31 : i32
      %get3A_1509 = arith.index_cast %get3A_1508 : i32 to index
      %get3A_1510 = arith.constant 0 : index
      %get3A_1511 = tpu.vector_load %arg15[%get3A_1509, %get3A_1510] {strides = array<i32>} : memref<32x16xf32, #tpu.memory_space<vmem>>, vector<16xf32>,
      %jit3A_1512 = arith.constant 0.000000e+00 : f32
      %jit3A_1513 = arith.constant 1.000000e+00 : f32
      %max3A_1514 = vector.broadcast %jit3A_1512 : f32 to vector<16xf32>
      %max3A_1515 = arith.maximumf %max3A_1514, %get3A_1511 : vector<16xf32>
      %min3A_1516 = vector.broadcast %jit3A_1513 : f32 to vector<16xf32>
      %min3A_1517 = arith.minimumf %min3A_1516, %max3A_1515 : vector<16xf32>
      %select_n3A_1518 = arith.select %eq3A_506, %min3A_1507, %min3A_1517 : vector<16xi1>, vector<16xf32>
      %select_n3A_1519 = arith.select %eq3A_506, %min3A_1517, %min3A_1507 : vector<16xi1>, vector<16xf32>
      %broadcast_in_dim3A_1520 = arith.constant 32 : i32
      %broadcast_in_dim3A_1521 = vector.broadcast %broadcast_in_dim3A_1520 : i32 to vector<16xi32>
      %gather3A_1522 = tpu.vector_load_idx %arg12[%broadcast_in_dim3A_1521] : memref<128xf32, #tpu.memory_space<vmem>>[vector<16xi32>], vector<16xf32>,
      %mul3A_1523 = arith.mulf %select_n3A_1518, %gather3A_1522 : vector<16xf32>
      %add3A_1524 = arith.addf %add3A_1497, %mul3A_1523 : vector<16xf32>
      %broadcast_in_dim3A_1525 = arith.constant 64 : i32
      %broadcast_in_dim3A_1526 = vector.broadcast %broadcast_in_dim3A_1525 : i32 to vector<16xi32>
      %gather3A_1527 = tpu.vector_load_idx %arg12[%broadcast_in_dim3A_1526] : memref<128xf32, #tpu.memory_space<vmem>>[vector<16xi32>], vector<16xf32>,
      %mul3A_1528 = arith.mulf %select_n3A_1519, %gather3A_1527 : vector<16xf32>
      %add3A_1529 = arith.addf %add3A_1524, %mul3A_1528 : vector<16xf32>
      %mul3A_1530 = arith.constant 16 : i32
      %mul3A_1531 = arith.muli %scan3A_7, %mul3A_1530 : i32
      %swap3A_1532 = arith.index_cast %mul3A_1531 : i32 to index
      %swap3A_1533 = tpu.vector_load %arg13[%swap3A_1532] {strides = array<i32>} : memref<512xf32, #tpu.memory_space<vmem>>, vector<16xf32>,
      tpu.vector_store %arg13[%swap3A_1532], %add3A_1529 {strides = array<i32>} : memref<512xf32, #tpu.memory_space<vmem>>, vector<16xf32>,
      %scan3A_1534 = arith.constant 0 : i32
      scf.yield %scan3A_1534 : i32
    }
    %scan3A_6 = arith.constant 32 : i32
    "tpu.region"() ({
      %run_scoped3A = tpu.sem_alloc : memref<!tpu.dma_semaphore, #tpu.memory_space<semaphore_mem>>
      %dma_start3A = arith.constant 0 : i32
      %dma_start3A_7 = tpu.memref_slice %arg7[%add3A, %dma_start3A] : memref<32x512xf32, #tpu.memory_space<hbm>> -> memref<1x512xf32, #tpu.memory_space<hbm>>
      %dma_start3A_8 = tpu.memref_squeeze %dma_start3A_7 : memref<1x512xf32, #tpu.memory_space<hbm>> -> memref<512xf32, #tpu.memory_space<hbm>>
      %dma_start3A_9 = arith.constant 0 : i32
      %dma_start3A_10 = tpu.memref_slice %arg7[%add3A, %dma_start3A_9] : memref<32x512xf32, #tpu.memory_space<hbm>> -> memref<1x512xf32, #tpu.memory_space<hbm>>
      %dma_start3A_11 = tpu.memref_squeeze %dma_start3A_10 : memref<1x512xf32, #tpu.memory_space<hbm>> -> memref<512xf32, #tpu.memory_space<hbm>>
      tpu.enqueue_dma source(%arg13 : memref<512xf32, #tpu.memory_space<vmem>>) target(%dma_start3A_11 : memref<512xf32, #tpu.memory_space<hbm>>) target_semaphore(%run_scoped3A : memref<!tpu.dma_semaphore, #tpu.memory_space<semaphore_mem>>)
      %dma_wait3A = arith.constant 0 : i32
      %dma_wait3A_12 = tpu.memref_slice %arg7[%add3A, %dma_wait3A] : memref<32x512xf32, #tpu.memory_space<hbm>> -> memref<1x512xf32, #tpu.memory_space<hbm>>
      %dma_wait3A_13 = tpu.memref_squeeze %dma_wait3A_12 : memref<1x512xf32, #tpu.memory_space<hbm>> -> memref<512xf32, #tpu.memory_space<hbm>>
      %dma_wait3A_14 = arith.constant 0 : i32
      %dma_wait3A_15 = tpu.memref_slice %arg7[%add3A, %dma_wait3A_14] : memref<32x512xf32, #tpu.memory_space<hbm>> -> memref<1x512xf32, #tpu.memory_space<hbm>>
      %dma_wait3A_16 = tpu.memref_squeeze %dma_wait3A_15 : memref<1x512xf32, #tpu.memory_space<hbm>> -> memref<512xf32, #tpu.memory_space<hbm>>
      tpu.wait_dma2 semaphore(%run_scoped3A : memref<!tpu.dma_semaphore, #tpu.memory_space<semaphore_mem>>) src(%arg13 : memref<512xf32, #tpu.memory_space<vmem>>) dst(%dma_wait3A_16 : memref<512xf32, #tpu.memory_space<hbm>>)
      tpu.yield
    }) : () -> ()
    return
  }
}

</mosaic_0001>

<sc_bundles>
// kernel: kernel.3.cloned.1.call-start
scs
__scs_entry_jumppad:
0x0: {  	(pc) =	sbr.rel $0x88, $3  }
0x1: {  	(tag) =	ssettag $0x0;
	lr =	simm.s32 $0x1  }
0x2: {  	[smem:$0x3F9A] =	sst lr;
	_ =	strace $0xD0000000  }
0x3: {  	_ = 	snop  }
0x4: {  	_ = 	snop  }
0x5: {  	_ = 	snop  }
0x6: {  	_ = 	snop  }
0x7: {  	_ = 	snop  }
__scs_overlays_trampoline_lowered:
0x8: {  	[smem:$0x3FA9] =	sst s0  }
0x9: {  	[smem:$0x3FAA] =	sst s1  }
0xa: {  	[smem:$0x3FAB] =	sst s2  }
0xb: {  	[smem:$0x3FAC] =	sst s3  }
0xc: {  	[smem:$0x3FAD] =	sst s4  }
0xd: {  	[smem:$0x3FAE] =	sst s5  }
0xe: {  	[smem:$0x3FAF] =	sst s6  }
0xf: {  	[smem:$0x3FB0] =	sst s7  }
0x10: {  	[smem:$0x3FB1] =	sst s8  }
0x11: {  	[smem:$0x3FB2] =	sst s9;
	s0 =	simm.s32 @!p0 $0x0  }
0x12: {  	s1 =	sld [smem:$0x3F98];
	s0 =	simm.s32 @p0 $0x1  }
0x13: {  	[smem:$0x3FB3] =	sst s0;
	s0 =	simm.s32 @!p1 $0x0  }
0x14: {  	s2 =	sld [smem:$0x3F97];
	s0 =	simm.s32 @p1 $0x1  }
0x15: {  	[smem:$0x3FB4] =	sst s0;
	s0 =	simm.s32 @!p2 $0x0  }
0x16: {  	s3 =	sld [smem:$0x3FDB];
	s0 =	simm.s32 @p2 $0x1  }
0x17: {  	s4 =	simm.s32 $0x1BF5;
	[smem:$0x3FB6] =	sst s0  }
0x18: {  	s0 =	sld [smem:$0x3F99];
	_ =	swait.ge [sflag:s4], $0x0  }
0x19: {  	s7 =	sld [smem:$0x3F9A]  }
0x1a: {  	s8 =	sadd.s32 $0xFFFFE003, lr  }
0x1b: {  	s9 =	sadd.s32 $0xFFFFFEF7, lr;
	s5 =	simm.s32 $0xFFFFFFFF;
	p2 =	slt.u32 s8, $0xFFFFF086  }
0x1c: {  	p1 =	slt.u32 s9, $0xF7A;
	s5 =	simm.s32 @!p2 $0x0  }
0x1d: {  	s5 =	simm.s32 @p1 $0x1;
	p0 =	seq.s32 s7, s2  }
0x1e: {  	s7 =	smul.u32 @!p0 $0xF7A, s2;
	p2 =	seq.s32 @!p0 s5, $0x0  }
0x1f: {  	s9 =	smul.u32 $0xF7A, s1;
	s8 =	simm.s32 @!p0 $0x1BF5;
	p2 =	por !p2, p0  }
0x20: {  	[sflag:s8] =	ssyncset.s32 @!p0 $0xFFFFF086;
	s6 =	sadd.s32 @!p0 s3, s7;
	s7 =	simm.s32 @!p0 $0x108  }
0x21: {  	s3 =	sadd.s32 s3, s9;
	s6 =	sadd.s32 @!p0 $0x88, s6;
	s7 =	simm.s32 @p2 $0x1082  }
0x22: {  	[simem:s7], [sflag:s8] =	dma.local @!p0 [hbm:s6], $0xF7A  }
0x23: {  	s9 =	sor.u32 $0xD0000000, s2;
	s6 =	simm.s32 $0x108;
	_ =	swait.ge @!p0 [sflag:s8], $0x0  }
0x24: {  	s3 =	sadd.s32 $0x88, s3;
	s6 =	simm.s32 @!p1 $0x1082;
	[sflag:s4] =	ssyncset.s32 $0xFFFFF086  }
0x25: {  	[simem:s6], [sflag:s4] =	dma.local [hbm:s3], $0xF7A  }
0x26: {  	[smem:$0x3F9A] =	sst s1;
	(tag) =	ssettag s2;
	_ =	strace s9  }
0x27: {  	s1 =	sld [smem:$0x3FAA]  }
0x28: {  	s2 =	sld [smem:$0x3FAB]  }
0x29: {  	s4 =	sld [smem:$0x3FAD]  }
0x2a: {  	p0 =	seq.s32 s5, $0x0;
	s5 =	sld [smem:$0x3FAE]  }
0x2b: {  	s6 =	sld [smem:$0x3FAF]  }
0x2c: {  	s7 =	sld [smem:$0x3FB0]  }
0x2d: {  	s3 =	simm.s32 $0x108;
	s8 =	sld [smem:$0x3FB1]  }
0x2e: {  	s3 =	simm.s32 @!p0 $0x1082;
	s9 =	sld [smem:$0x3FB2]  }
0x2f: {  	lr =	sadd.s32 s0, s3;
	s0 =	sld [smem:$0x3FA9]  }
0x30: {  	s3 =	sld [smem:$0x3FAC]  }
0x31: {  	[smem:$0x3FB5] =	sst s10  }
0x32: {  	s10 =	sld [smem:$0x3FB3];
	_ =	sdelay $0x3  }
0x33: {  	p0 =	seq.s32 s10, $0x1;
	s10 =	sld [smem:$0x3FB5];
	_ =	sdelay $0x3  }
0x34: {  	[smem:$0x3FB5] =	sst s10  }
0x35: {  	s10 =	sld [smem:$0x3FB4];
	_ =	sdelay $0x3  }
0x36: {  	p1 =	seq.s32 s10, $0x1;
	s10 =	sld [smem:$0x3FB5];
	_ =	sdelay $0x3  }
0x37: {  	[smem:$0x3FB5] =	sst s10  }
0x38: {  	s10 =	sld [smem:$0x3FB6]  }
0x39: {  	_ = 	snop;
	(pc) =	sbr.ind lr, $3  }
0x3a: {  	_ = 	snop  }
0x3b: {  	_ = 	snop  }
0x3c: {  	p2 =	seq.s32 s10, $0x1;
	s10 =	sld [smem:$0x3FB5]  }
0x3d: {  	_ =	shalt  }
0x3e: {  	_ =	shalt  }
0x3f: {  	_ =	shalt  }
0x40: {  	_ =	shalt  }
0x41: {  	_ =	shalt  }
0x42: {  	_ =	shalt  }
0x43: {  	_ =	shalt  }
0x44: {  	_ =	shalt  }
0x45: {  	_ =	shalt  }
0x46: {  	_ =	shalt  }
0x47: {  	_ =	shalt  }
0x48: {  	_ =	shalt  }
0x49: {  	_ =	shalt  }
0x4a: {  	_ =	shalt  }
0x4b: {  	_ =	shalt  }
0x4c: {  	_ =	shalt  }
0x4d: {  	_ =	shalt  }
0x4e: {  	_ =	shalt  }
0x4f: {  	_ =	shalt  }
0x50: {  	_ =	shalt  }
0x51: {  	_ =	shalt  }
0x52: {  	_ =	shalt  }
0x53: {  	_ =	shalt  }
0x54: {  	_ =	shalt  }
0x55: {  	_ =	shalt  }
0x56: {  	_ =	shalt  }
0x57: {  	_ =	shalt  }
0x58: {  	_ =	shalt  }
0x59: {  	_ =	shalt  }
0x5a: {  	_ =	shalt  }
0x5b: {  	_ =	shalt  }
0x5c: {  	_ =	shalt  }
0x5d: {  	_ =	shalt  }
0x5e: {  	_ =	shalt  }
0x5f: {  	_ =	shalt  }
0x60: {  	_ =	shalt  }
0x61: {  	_ =	shalt  }
0x62: {  	_ =	shalt  }
0x63: {  	_ =	shalt  }
0x64: {  	_ =	shalt  }
0x65: {  	_ =	shalt  }
0x66: {  	_ =	shalt  }
0x67: {  	_ =	shalt  }
0x68: {  	_ =	shalt  }
0x69: {  	_ =	shalt  }
0x6a: {  	_ =	shalt  }
0x6b: {  	_ =	shalt  }
0x6c: {  	_ =	shalt  }
0x6d: {  	_ =	shalt  }
0x6e: {  	_ =	shalt  }
0x6f: {  	_ =	shalt  }
0x70: {  	_ =	shalt  }
0x71: {  	_ =	shalt  }
0x72: {  	_ =	shalt  }
0x73: {  	_ =	shalt  }
0x74: {  	_ =	shalt  }
0x75: {  	_ =	shalt  }
0x76: {  	_ =	shalt  }
0x77: {  	_ =	shalt  }
0x78: {  	_ =	shalt  }
0x79: {  	_ =	shalt  }
0x7a: {  	_ =	shalt  }
0x7b: {  	_ =	shalt  }
0x7c: {  	_ =	shalt  }
0x7d: {  	_ =	shalt  }
0x7e: {  	_ =	shalt  }
0x7f: {  	_ =	shalt  }
0x80: {  	_ =	shalt  }
0x81: {  	_ =	shalt  }
0x82: {  	_ =	shalt  }
0x83: {  	_ =	shalt  }
0x84: {  	_ =	shalt  }
0x85: {  	_ =	shalt  }
0x86: {  	_ =	shalt  }
0x87: {  	_ =	shalt  }
.Lfunc_end0:
.L_simem_size_0:
called_computation_lowered:
.L_overlay_start_0:
0x88: {  	s2 =	sld [smem:$0x3FD9]  }
0x89: {  	s3 =	sld [smem:$0x3FFE];
	_ =	sdelay $0x1  }
0x8a: {  	s1 =	srdreg.scid  }
0x8b: {  	s0 =	sand.u32 $0x1, s1  }
0x8c: {  	s17 =	sshll.u32 s0, $0xA;
	s2 =	sadd.s32 s3, s2  }
0x8d: {  	s2 =	sadd.s32 s2, s17  }
0x8e: {  	[smem:$0x3FC1] =	sst s2  }
0x8f: {  	_ = 	snop  }
0x90: {  	s2 =	sld [smem:$0x3FC7]  }
0x91: {  	s18 =	sld [smem:$0x3FD0];
	(tm) =	ssettm $0x1  }
0x92: {  	s4 =	sld [smem:$0x3FFB];
	_ =	sdelay $0x3  }
0x93: {  	_ =	strace s4  }
0x94: {  	s4 =	sld [smem:$0x3FFC];
	_ =	sdelay $0x3  }
0x95: {  	_ =	strace s4  }
0x96: {  	s4 =	sld [smem:$0x3FFD];
	_ =	sdelay $0x3  }
0x97: {  	_ =	strace s4  }
0x98: {  	_ =	strace $0x8FFFFFFF  }
0x99: {  	s19 =	sld [smem:$0x3FDB];
	_ =	sdelay $0x1  }
0x9a: {  	s5 =	simm.s32 $_scs_section_size  }
0x9b: {  	s6 =	simm.s32 $_size__tile_overlayer_lowered;
	s7 =	simm.s32 $_tile_overlayer_lowered  }
0x9c: {  	s22 =	simm.s32 $0x1BFF;
	s21 =	sshll.u32 s7, $0x1;
	s4 =	sadd.s32 s5, s19  }
0x9d: {  	s8 =	simm.s32 $0x0;
	s20 =	sshll.u32 s6, $0x1;
	s6 =	sadd.s32 s21, s4  }
0x9e: {  	[timem:s8], [sflag:s22] =	dma.local [hbm:s6], s20  }
0x9f: {  	_ =	swait.ge [sflag:s22], s20  }
0xa0: {  	s5 =	ssub.s32 $0x0, s20;
	[sflag:s22] =	ssyncset.done $0x0  }
0xa1: {  	[sflag:s22] =	ssyncadd.s32 s5;
	_ =	sdelay $0x1  }
0xa2: {  	s23 =	simm.s32 $0x1B8B  }
0xa3: {  	_ =	swait.ge [sflag:s23], $0x1  }
0xa4: {  	[sflag:s23] =	ssyncset.done $0x0  }
0xa5: {  	s25 =	simm.s32 $0x1B8E;
	s24 =	sld [smem:$0x3FFE];
	[sflag:s23] =	ssyncadd.s32 $0xFFFFFFFF  }
0xa6: {  	s26 =	simm.s32 $execute0_lowered;
	[smem:$0x3FD2] =	sst s25  }
0xa7: {  	s6 =	sshll.u32 s26, $0x1;
	_ =	strace $0x80000046;
	[dreg:$0x1] =	wrdreg $0xFFFFFFFF  }
0xa8: {  	s28 =	simm.s32 $_size_execute0_lowered;
	s4 =	sadd.s32 s4, s6;
	[dreg:$0x0] =	wrdreg $0x0  }
0xa9: {  	s6 =	sshll.u32 s28, $0x1;
	[dreg:$0x2] =	wrdreg s4  }
0xaa: {  	[dreg:$0x3] =	wrdreg s6  }
0xab: {  	[dreg:$0x4] =	wrdreg $0xC0  }
0xac: {  	_ =	task [dreg:s8], $0x5FFFF  }
0xad: {  	[dreg:$0x1] =	wrdreg $0xFFFFFFFF  }
0xae: {  	[dreg:$0x0] =	wrdreg $0x60  }
0xaf: {  	[dreg:$0x2] =	wrdreg s24  }
0xb0: {  	[dreg:$0x3] =	wrdreg s2  }
0xb1: {  	[dreg:$0x4] =	wrdreg s18  }
0xb2: {  	[dreg:$0x5] =	wrdreg $0x9  }
0xb3: {  	_ =	task.clear_ibuf [dreg:s8], $0x6FFFF;
	_ =	strace $0x90000046  }
0xb4: {  	s29 =	simm.s32 $0x9;
	_ =	strace $0x80000048  }
0xb5: {  	_ =	swait.ge [sflag:s29], $0x1  }
0xb6: {  	[sflag:s29] =	ssyncadd.s32 $0xFFFFFFFF  }
0xb7: {  	_ =	strace $0x90000048  }
0xb8: {  	_ =	sfence  }
0xb9: {  	s30 =	sld [smem:$0x0];
	_ =	sdelay $0x2  }
0xba: {  	s31 =	sshll.u32 s1, $0xD;
	s1 =	sshrl.u32 s1, $0x2  }
0xbb: {  	s3 =	sand.u32 $0x4000, s31;
	s1 =	sadd.s32 s1, s30  }
0xbc: {  	s0 =	sor.u32 s3, s0;
	s1 =	sshll.u32 s1, $0x11  }
0xbd: {  	s0 =	sor.u32 s1, s0  }
0xbe: {  	s0 =	sadd.s32 $0x8F2B, s0  }
0xbf: {  	[sflag:s0] =	ssyncadd.remote.s32 $0x1  }
0xc0: {  	_ =	sfence.sel $0xFFFF  }
0xc1: {  	[dreg:$0x0] =	wrdreg $0xFFFFFFFF;
	(pc) =	sbr.abs _section_cstart, $3  }
0xc2: {  	[dreg:$0x1] =	wrdreg $0xFFFFFFFF  }
0xc3: {  	_ =	task.clear_ibuf [dreg:s8], $0x2FFFF;
	_ =	strace $0x9FFFFFFF  }
0xc4: {  	(tm) =	ssettm $0x7FFFFFFF  }
0xc5: {  	_ =	shalt  }
tec
execute0_lowered:
.L_overlay_start_1:
0x0: {  	(tag) =	ssettag $0x1  }
0x1: {  	s4 =	rddreg [dreg:$0x0]  }
0x2: {  	s7 =	rddreg [dreg:$0x1]  }
0x3: {  	s8 =	rddreg [dreg:$0x2]  }
0x4: {  	s0 =	rddreg [dreg:$0x3];
	s3 =	srdreg.scid  }
0x5: {  	s1 =	stileid.u32;
	s2 =	simm.s32 $0x0;
	s11 =	simm.s32 $0x12500  }
0x6: {  	s12 =	simm.s32 $0x16500;
	s13 =	simm.s32 $0x1A500;
	s14 =	simm.s32 $0x1A700  }
0x7: {  	s15 =	simm.s32 $0x1A780;
	s3 =	sand.u32 $0x1, s3;
	s5 =	sshll.u32 s1, $0x1  }
0x8: {  	v15 =	vimm.s32 $0x41;
	v16 =	vimm.s32 $0x42;
	s16 =	simm.s32 $0x0;
	[smem:$0x7FF] =	sst s2;
	s5 =	sor.u32 s3, s5  }
0x9: {  	v17 =	vimm.s32 $0x43;
	v18 =	vimm.s32 $0x44;
	v19 =	vimm.s32 $0x45;
	_ =	strace $0x80000047;
	s9 =	ssub.s32 $0x2, s3;
	s3 =	sadd.s32 $0x20C00, s4  }
0xa: {  	v20 =	vimm.s32 $0x46;
	v21 =	vimm.s32 $0x47;
	v22 =	vimm.s32 $0x48;
	s6 =	sshll.u32 s5, $0xB;
	s10 =	sshrl.u32 s9, $0x1;
	s31 =	sshll.u32 s5, $0x6  }
0xb: {  	v23 =	vimm.s32 $0x49;
	v24 =	vimm.s32 $0x4A;
	v25 =	vimm.s32 $0x4B;
	s6 =	sadd.s32 s6, s4;
	s4 =	sadd.s32 $0x23200, s4;
	s9 =	ssub.s32 s9, s10  }
0xc: {  	v26 =	vimm.s32 $0x4C;
	v27 =	vimm.s32 $0x4D;
	v28 =	vimm.s32 $0x4E;
	s7 =	sadd.s32 s7, s31;
	s8 =	sadd.s32 s8, s31;
	s10 =	simm.s32 $0x1  }
0xd: {  	v29 =	vimm.s32 $0x4F;
	v30 =	vimm.s32 $0x50;
	v31 =	vimm.s32 $0x60;
	s5 =	sadd.s32 $0x10C00, s6;
	s6 =	sadd.s32 $0xC00, s6;
	s9 =	smax.u32 s9, $0x1  }
.LBB2_1:
0xe: {  	[tilespmem:s2], [sflag:$0x1] =	stream.linear.gather [hbm4b:s3+s2], $0x12500, $0x38;
	[tilespmem:$0x1AD80] =	vst v63  }
0xf: {  	_ =	swait.ge [sflag:s10], $0x12500  }
0x10: {  	[sflag:s10] =	ssyncset.done $0x0  }
0x11: {  	[sflag:s10] =	ssyncadd.s32 $0xFFFEDB00  }
0x12: {  	[tilespmem:s11], [sflag:$0x1] =	stream.linear.gather [hbm4b:s5+s2], $0x4000, $0x38;
	[tilespmem:$0x1AD80] =	vst v63  }
0x13: {  	_ =	swait.ge [sflag:s10], $0x4000  }
0x14: {  	[sflag:s10] =	ssyncset.done $0x0  }
0x15: {  	[sflag:s10] =	ssyncadd.s32 $0xFFFFC000  }
0x16: {  	[tilespmem:s12], [sflag:$0x1] =	stream.linear.gather [hbm4b:s6+s2], $0x4000, $0x38;
	[tilespmem:$0x1AD80] =	vst v63  }
0x17: {  	_ =	swait.ge [sflag:s10], $0x4000  }
0x18: {  	[sflag:s10] =	ssyncset.done $0x0  }
0x19: {  	[sflag:s10] =	ssyncadd.s32 $0xFFFFC000  }
0x1a: {  	[tilespmem:s13], [sflag:$0x1] =	stream.linear.gather [hbm4b:s7+s2], $0x200, $0x38;
	[tilespmem:$0x1AD80] =	vst v63  }
0x1b: {  	_ =	swait.ge [sflag:s10], $0x200  }
0x1c: {  	[sflag:s10] =	ssyncset.done $0x0  }
0x1d: {  	[sflag:s10] =	ssyncadd.s32 $0xFFFFFE00  }
0x1e: {  	[tilespmem:s14], [sflag:$0x1] =	stream.linear.gather [hbm4b:s4+s2], $0x80, $0x38;
	[tilespmem:$0x1AD80] =	vst v63  }
0x1f: {  	_ =	swait.ge [sflag:s10], $0x80  }
0x20: {  	[sflag:s10] =	ssyncset.done $0x0  }
0x21: {  	s17 =	simm.s32 $0x0;
	[sflag:s10] =	ssyncadd.s32 $0xFFFFFF80  }
.LBB2_2:
0x22: {  	_ =	sdelay $0x3  }
0x23: {  	v1 =	vld.idx.msk [tilespmem:v15+s14+$0x0], $0xffff  }
0x24: {  	v46 =	vld.idx.msk [tilespmem:v16+s14+$0x0], $0xffff  }
0x25: {  	v0 =	vld.idx.msk [tilespmem:v17+s14+$0x0], $0xffff  }
0x26: {  	v43 =	vld.idx.msk [tilespmem:v18+s14+$0x0], $0xffff  }
0x27: {  	v42 =	vld.idx.msk [tilespmem:v19+s14+$0x0], $0xffff  }
0x28: {  	v41 =	vld.idx.msk [tilespmem:v20+s14+$0x0], $0xffff  }
0x29: {  	s18 =	sshll.u32 s17, $0x4;
	v40 =	vld.idx.msk [tilespmem:v21+s14+$0x0], $0xffff  }
0x2a: {  	v39 =	vld.idx.msk [tilespmem:v22+s14+$0x0], $0xffff;
	s19 =	sadd.s32 $0x12500, s18  }
0x2b: {  	v5 =	vld [tilespmem:s19+$0x0]  }
0x2c: {  	v38 =	vld.idx.msk [tilespmem:v23+s14+$0x0], $0xffff  }
0x2d: {  	v37 =	vld.idx.msk [tilespmem:v24+s14+$0x0], $0xffff  }
0x2e: {  	v36 =	vld.idx.msk [tilespmem:v25+s14+$0x0], $0xffff  }
0x2f: {  	v35 =	vld.idx.msk [tilespmem:v26+s14+$0x0], $0xffff  }
0x30: {  	v34 =	vld.idx.msk [tilespmem:v27+s14+$0x0], $0xffff;
	v2 =	vadd.s32 $0x8958, v5  }
0x31: {  	v33 =	vld.idx.msk [tilespmem:v28+s14+$0x0], $0xffff;
	v3 =	vadd.s32 $0x928, v5  }
0x32: {  	v32 =	vld.idx.msk [tilespmem:v29+s14+$0x0], $0xffff;
	v4 =	vadd.s32 $0x1250, v5  }
0x33: {  	v10 =	vld.idx.msk [tilespmem:v30+s14+$0x0], $0xffff;
	v6 =	vadd.s32 $0x1B78, v5  }
0x34: {  	v7 =	vadd.s32 $0x24A0, v5;
	v44 =	vld.idx.msk [tilespmem:v5+s2+$0x0], $0xffff  }
0x35: {  	v9 =	vadd.s32 $0x2DC8, v5;
	v47 =	vld.idx.msk [tilespmem:v2+s2+$0x0], $0xffff  }
0x36: {  	v48 =	vadd.s32 $0x36F0, v5;
	v49 =	vld.idx.msk [tilespmem:v3+s2+$0x0], $0xffff  }
0x37: {  	v2 =	vld.idx.msk [tilespmem:v4+s2+$0x0], $0xffff  }
0x38: {  	s20 =	simm.s32 $0x1;
	v13 =	vadd.s32 $0x4018, v5;
	v3 =	vld.idx.msk [tilespmem:v6+s2+$0x0], $0xffff  }
0x39: {  	s20 =	smin.u32 s20, $0x1F;
	v11 =	vadd.s32 $0x4940, v5;
	v4 =	vld.idx.msk [tilespmem:v7+s2+$0x0], $0xffff  }
0x3a: {  	s20 =	sshll.u32 s20, $0x9;
	v14 =	vadd.s32 $0x5268, v5;
	v12 =	vadd.s32 $0x5B90, v5;
	v8 =	vadd.s32 $0x64B8, v5;
	v7 =	vld.idx.msk [tilespmem:v9+s2+$0x0], $0xffff  }
0x3b: {  	s21 =	sadd.s32 s20, s19;
	v9 =	vadd.s32 $0x6DE0, v5;
	v6 =	vadd.s32 $0x7708, v5;
	v45 =	vadd.f32 v44, v1;
	v1 =	vld.idx.msk [tilespmem:v48+s2+$0x0], $0xffff  }
0x3c: {  	s20 =	simm.s32 $0x2;
	v5 =	vadd.s32 $0x8030, v5;
	v44 =	vadd.f32 v47, v10;
	v10 =	vld [tilespmem:s21+$0x0];
	s21 =	simm.s32 $0x3;
	v46 =	vadd.f32 v49, v46  }
.LBB2_3:
0x3d: {  	p0 =	sne.s32 s21, $0x20;
	v0 =	vadd.f32 v2, v0;
	v2 =	vld.idx.msk [tilespmem:v13+s2+$0x0], $0xffff  }
0x3e: {  	v43 =	vadd.f32 v3, v43;
	v3 =	vld.idx.msk [tilespmem:v11+s2+$0x0], $0xffff  }
0x3f: {  	v42 =	vadd.f32 v4, v42;
	v4 =	vld.idx.msk [tilespmem:v14+s2+$0x0], $0xffff  }
0x40: {  	v41 =	vadd.f32 v7, v41;
	v7 =	vld.idx.msk [tilespmem:v12+s2+$0x0], $0xffff  }
0x41: {  	v47 =	vadd.s32 $0x928, v10;
	v48 =	vadd.s32 $0x1250, v10;
	v49 =	vadd.s32 $0x8958, v10;
	v50 =	vld.idx.msk [tilespmem:v8+s2+$0x0], $0xffff  }
0x42: {  	v51 =	vadd.s32 $0x1B78, v10;
	v52 =	vadd.s32 $0x24A0, v10;
	v53 =	vadd.s32 $0x2DC8, v10;
	v54 =	vld.idx.msk [tilespmem:v9+s2+$0x0], $0xffff  }
0x43: {  	v55 =	vadd.s32 $0x36F0, v10;
	v13 =	vadd.s32 $0x4018, v10;
	v11 =	vadd.s32 $0x4940, v10;
	v56 =	vld.idx.msk [tilespmem:v6+s2+$0x0], $0xffff  }
0x44: {  	v14 =	vadd.s32 $0x5268, v10;
	v12 =	vadd.s32 $0x5B90, v10;
	v8 =	vadd.s32 $0x64B8, v10;
	v57 =	vld.idx.msk [tilespmem:v5+s2+$0x0], $0xffff  }
0x45: {  	v9 =	vadd.s32 $0x6DE0, v10;
	v6 =	vadd.s32 $0x7708, v10;
	v5 =	vadd.s32 $0x8030, v10;
	v58 =	vld.idx.msk [tilespmem:v10+s2+$0x0], $0xffff  }
0x46: {  	v40 =	vadd.f32 v1, v40;
	v39 =	vadd.f32 v2, v39;
	v10 =	vld.idx.msk [tilespmem:v49+s2+$0x0], $0xffff  }
0x47: {  	v38 =	vadd.f32 v3, v38;
	v37 =	vadd.f32 v4, v37;
	v47 =	vld.idx.msk [tilespmem:v47+s2+$0x0], $0xffff  }
0x48: {  	v36 =	vadd.f32 v7, v36;
	v35 =	vadd.f32 v50, v35;
	v2 =	vld.idx.msk [tilespmem:v48+s2+$0x0], $0xffff  }
.Ltmp0:
0x49: {  	v34 =	vadd.f32 v54, v34;
	v33 =	vadd.f32 v56, v33;
	v3 =	vld.idx.msk [tilespmem:v51+s2+$0x0], $0xffff;
	(pc) =	sbr.rel @p0 .LBB2_3-.Ltmp0, $4  }
0x4a: {  	s22 =	smin.u32 s20, $0x1F;
	s20 =	smov.u32 s21;
	v32 =	vadd.f32 v57, v32;
	v4 =	vld.idx.msk [tilespmem:v52+s2+$0x0], $0xffff  }
0x4b: {  	s22 =	sshll.u32 s22, $0x9;
	v45 =	vadd.f32 v58, v45;
	v7 =	vld.idx.msk [tilespmem:v53+s2+$0x0], $0xffff  }
0x4c: {  	s22 =	sadd.s32 s22, s19;
	v44 =	vadd.f32 v10, v44;
	v1 =	vld.idx.msk [tilespmem:v55+s2+$0x0], $0xffff  }
0x4d: {  	s21 =	sadd.s32 $0x1, s21;
	v46 =	vadd.f32 v47, v46;
	v10 =	vld [tilespmem:s22+$0x0]  }
0x4e: {  	_ =	sdelay $0x3  }
0x4f: {  	v13 =	vld.idx.msk [tilespmem:v13+s2+$0x0], $0xffff  }
0x50: {  	v11 =	vld.idx.msk [tilespmem:v11+s2+$0x0], $0xffff  }
0x51: {  	v14 =	vld.idx.msk [tilespmem:v14+s2+$0x0], $0xffff  }
0x52: {  	v12 =	vld.idx.msk [tilespmem:v12+s2+$0x0], $0xffff  }
0x53: {  	v8 =	vld.idx.msk [tilespmem:v8+s2+$0x0], $0xffff;
	v47 =	vadd.s32 $0x8958, v10  }
0x54: {  	v9 =	vld.idx.msk [tilespmem:v9+s2+$0x0], $0xffff;
	v48 =	vadd.s32 $0x928, v10  }
0x55: {  	v6 =	vld.idx.msk [tilespmem:v6+s2+$0x0], $0xffff;
	v49 =	vadd.s32 $0x1250, v10  }
0x56: {  	v5 =	vld.idx.msk [tilespmem:v5+s2+$0x0], $0xffff;
	v50 =	vadd.s32 $0x1B78, v10  }
0x57: {  	v51 =	vadd.s32 $0x24A0, v10;
	v52 =	vld.idx.msk [tilespmem:v10+s2+$0x0], $0xffff  }
0x58: {  	v53 =	vadd.s32 $0x2DC8, v10;
	v47 =	vld.idx.msk [tilespmem:v47+s2+$0x0], $0xffff  }
0x59: {  	v54 =	vadd.s32 $0x36F0, v10;
	v48 =	vld.idx.msk [tilespmem:v48+s2+$0x0], $0xffff  }
0x5a: {  	v55 =	vadd.s32 $0x4018, v10;
	v49 =	vld.idx.msk [tilespmem:v49+s2+$0x0], $0xffff  }
0x5b: {  	v56 =	vadd.s32 $0x4940, v10;
	v50 =	vld.idx.msk [tilespmem:v50+s2+$0x0], $0xffff  }
0x5c: {  	v57 =	vadd.s32 $0x5268, v10;
	v51 =	vld.idx.msk [tilespmem:v51+s2+$0x0], $0xffff  }
0x5d: {  	v58 =	vadd.s32 $0x5B90, v10;
	v53 =	vld.idx.msk [tilespmem:v53+s2+$0x0], $0xffff  }
0x5e: {  	v59 =	vadd.s32 $0x64B8, v10;
	v54 =	vld.idx.msk [tilespmem:v54+s2+$0x0], $0xffff  }
0x5f: {  	v60 =	vadd.s32 $0x6DE0, v10;
	v55 =	vld.idx.msk [tilespmem:v55+s2+$0x0], $0xffff  }
0x60: {  	v61 =	vadd.s32 $0x7708, v10;
	v56 =	vld.idx.msk [tilespmem:v56+s2+$0x0], $0xffff  }
0x61: {  	v10 =	vadd.s32 $0x8030, v10;
	v57 =	vld.idx.msk [tilespmem:v57+s2+$0x0], $0xffff  }
0x62: {  	v58 =	vld.idx.msk [tilespmem:v58+s2+$0x0], $0xffff  }
0x63: {  	v59 =	vld.idx.msk [tilespmem:v59+s2+$0x0], $0xffff  }
0x64: {  	v0 =	vadd.f32 v2, v0;
	v60 =	vld.idx.msk [tilespmem:v60+s2+$0x0], $0xffff;
	v2 =	vadd.f32 v52, v45  }
0x65: {  	v4 =	vadd.f32 v4, v42;
	v63 =	vld.idx.msk [tilespmem:v61+s2+$0x0], $0xffff;
	v52 =	vadd.f32 v48, v46  }
0x66: {  	v3 =	vadd.f32 v3, v43;
	v10 =	vld.idx.msk [tilespmem:v10+s2+$0x0], $0xffff;
	[tilespmem:$0x1A980] =	vst v2;
	v0 =	vadd.f32 v49, v0  }
0x67: {  	v1 =	vadd.f32 v1, v40;
	v4 =	vadd.f32 v51, v4;
	[tilespmem:$0x1A990] =	vst v52  }
0x68: {  	v2 =	vadd.f32 v7, v41;
	v3 =	vadd.f32 v50, v3;
	[tilespmem:$0x1A9A0] =	vst v0  }
0x69: {  	v1 =	vadd.f32 v54, v1;
	[tilespmem:$0x1A9C0] =	vst v4;
	v4 =	vadd.f32 v14, v37  }
0x6a: {  	v2 =	vadd.f32 v53, v2;
	v0 =	vadd.f32 v13, v39;
	[tilespmem:$0x1A9B0] =	vst v3  }
0x6b: {  	[tilespmem:$0x1A9E0] =	vst v1;
	v1 =	vadd.f32 v8, v35;
	v4 =	vadd.f32 v57, v4  }
0x6c: {  	v3 =	vadd.f32 v11, v38;
	[tilespmem:$0x1A9D0] =	vst v2;
	v0 =	vadd.f32 v55, v0  }
0x6d: {  	v1 =	vadd.f32 v59, v1;
	[tilespmem:$0x1AA10] =	vst v4;
	v4 =	vadd.f32 v5, v32  }
0x6e: {  	v2 =	vadd.f32 v12, v36;
	v3 =	vadd.f32 v56, v3;
	[tilespmem:$0x1A9F0] =	vst v0  }
0x6f: {  	v0 =	vadd.f32 v9, v34;
	[tilespmem:$0x1AA30] =	vst v1;
	v1 =	vadd.f32 v10, v4  }
0x70: {  	v2 =	vadd.f32 v58, v2;
	[tilespmem:$0x1AA00] =	vst v3;
	v3 =	vadd.f32 v6, v33  }
0x71: {  	v0 =	vadd.f32 v60, v0;
	[tilespmem:$0x1AA60] =	vst v1;
	v1 =	vimm.s32 $0x53  }
0x72: {  	[tilespmem:$0x1AA20] =	vst v2;
	v2 =	vadd.f32 v63, v3  }
0x73: {  	[tilespmem:$0x1AA40] =	vst v0;
	v0 =	vadd.f32 v47, v44  }
0x74: {  	[tilespmem:$0x1AA50] =	vst v2  }
0x75: {  	[tilespmem:$0x1AA70] =	vst v0  }
0x76: {  	v44 =	vld.idx.msk [tilespmem:v1+s14+$0x0], $0xffff;
	v1 =	vimm.s32 $0x54;
	_ =	sdelay $0x4  }
0x77: {  	v43 =	vld.idx.msk [tilespmem:v1+s14+$0x0], $0xffff;
	v1 =	vimm.s32 $0x55;
	_ =	sdelay $0x4  }
0x78: {  	v42 =	vld.idx.msk [tilespmem:v1+s14+$0x0], $0xffff;
	v1 =	vimm.s32 $0x56;
	_ =	sdelay $0x4  }
0x79: {  	v41 =	vld.idx.msk [tilespmem:v1+s14+$0x0], $0xffff;
	v1 =	vimm.s32 $0x57;
	_ =	sdelay $0x4  }
0x7a: {  	v40 =	vld.idx.msk [tilespmem:v1+s14+$0x0], $0xffff;
	v1 =	vimm.s32 $0x58;
	_ =	sdelay $0x4  }
0x7b: {  	v39 =	vld.idx.msk [tilespmem:v1+s14+$0x0], $0xffff;
	v1 =	vimm.s32 $0x59;
	_ =	sdelay $0x4  }
0x7c: {  	v38 =	vld.idx.msk [tilespmem:v1+s14+$0x0], $0xffff;
	v1 =	vimm.s32 $0x5A;
	_ =	sdelay $0x4  }
0x7d: {  	v37 =	vld.idx.msk [tilespmem:v1+s14+$0x0], $0xffff;
	v1 =	vimm.s32 $0x5B  }
0x7e: {  	v3 =	vimm.s32 $0x5E  }
0x7f: {  	v0 =	vimm.s32 $0x51  }
0x80: {  	v2 =	vimm.s32 $0x5D;
	v6 =	vld [tilespmem:s19+$0x0]  }
0x81: {  	v4 =	vimm.s32 $0x5F  }
0x82: {  	v36 =	vld.idx.msk [tilespmem:v1+s14+$0x0], $0xffff;
	v1 =	vimm.s32 $0x5C  }
0x83: {  	v33 =	vld.idx.msk [tilespmem:v3+s14+$0x0], $0xffff  }
0x84: {  	v13 =	vld.idx.msk [tilespmem:v0+s14+$0x0], $0xffff;
	v0 =	vimm.s32 $0x52  }
0x85: {  	v34 =	vld.idx.msk [tilespmem:v2+s14+$0x0], $0xffff;
	v2 =	vadd.s32 $0x9280, v6  }
0x86: {  	v32 =	vld.idx.msk [tilespmem:v4+s14+$0x0], $0xffff;
	v3 =	vadd.s32 $0x9BA8, v6  }
0x87: {  	v35 =	vld.idx.msk [tilespmem:v1+s14+$0x0], $0xffff;
	v1 =	vadd.s32 $0x11BD8, v6  }
0x88: {  	v14 =	vld.idx.msk [tilespmem:v31+s14+$0x0], $0xffff;
	v4 =	vadd.s32 $0xA4D0, v6  }
0x89: {  	v5 =	vadd.s32 $0xADF8, v6;
	v0 =	vld.idx.msk [tilespmem:v0+s14+$0x0], $0xffff  }
0x8a: {  	v7 =	vadd.s32 $0xB720, v6;
	v63 =	vld.idx.msk [tilespmem:v2+s2+$0x0], $0xffff  }
0x8b: {  	v62 =	vadd.s32 $0xC048, v6;
	v2 =	vld.idx.msk [tilespmem:v3+s2+$0x0], $0xffff  }
0x8c: {  	v61 =	vld.idx.msk [tilespmem:v1+s2+$0x0], $0xffff  }
0x8d: {  	s20 =	simm.s32 $0x1;
	v11 =	vadd.s32 $0xC970, v6;
	v3 =	vld.idx.msk [tilespmem:v4+s2+$0x0], $0xffff  }
0x8e: {  	s20 =	smin.u32 s20, $0x1F;
	v9 =	vadd.s32 $0xD298, v6;
	v4 =	vld.idx.msk [tilespmem:v5+s2+$0x0], $0xffff  }
0x8f: {  	s20 =	sshll.u32 s20, $0x9;
	v12 =	vadd.s32 $0xDBC0, v6;
	v10 =	vadd.s32 $0xE4E8, v6;
	v8 =	vadd.s32 $0xEE10, v6;
	v5 =	vld.idx.msk [tilespmem:v7+s2+$0x0], $0xffff  }
0x90: {  	s21 =	sadd.s32 s20, s19;
	v49 =	vadd.s32 $0x10060, v6;
	v48 =	vadd.s32 $0x112B0, v6;
	v7 =	vadd.s32 $0xF738, v6;
	v47 =	vld.idx.msk [tilespmem:v62+s2+$0x0], $0xffff  }
0x91: {  	s20 =	simm.s32 $0x2;
	v46 =	vadd.f32 v63, v13;
	v1 =	vadd.s32 $0x10988, v6;
	v6 =	vld [tilespmem:s21+$0x0];
	s21 =	simm.s32 $0x3;
	v45 =	vadd.f32 v61, v14  }
.LBB2_5:
0x92: {  	p0 =	sne.s32 s21, $0x20;
	v0 =	vadd.f32 v2, v0;
	v2 =	vld.idx.msk [tilespmem:v11+s2+$0x0], $0xffff  }
0x93: {  	v44 =	vadd.f32 v3, v44;
	v3 =	vld.idx.msk [tilespmem:v9+s2+$0x0], $0xffff  }
0x94: {  	v43 =	vadd.f32 v4, v43;
	v4 =	vld.idx.msk [tilespmem:v12+s2+$0x0], $0xffff  }
0x95: {  	v42 =	vadd.f32 v5, v42;
	v5 =	vld.idx.msk [tilespmem:v10+s2+$0x0], $0xffff  }
0x96: {  	v13 =	vadd.s32 $0x9280, v6;
	v14 =	vadd.s32 $0x9BA8, v6;
	v50 =	vadd.s32 $0x11BD8, v6;
	v51 =	vld.idx.msk [tilespmem:v8+s2+$0x0], $0xffff  }
0x97: {  	v52 =	vadd.s32 $0xA4D0, v6;
	v53 =	vadd.s32 $0xADF8, v6;
	v54 =	vadd.s32 $0xB720, v6;
	v55 =	vld.idx.msk [tilespmem:v7+s2+$0x0], $0xffff  }
0x98: {  	v56 =	vadd.s32 $0xC048, v6;
	v11 =	vadd.s32 $0xC970, v6;
	v9 =	vadd.s32 $0xD298, v6;
	v57 =	vld.idx.msk [tilespmem:v49+s2+$0x0], $0xffff  }
0x99: {  	v12 =	vadd.s32 $0xDBC0, v6;
	v10 =	vadd.s32 $0xE4E8, v6;
	v8 =	vadd.s32 $0xEE10, v6;
	v58 =	vld.idx.msk [tilespmem:v1+s2+$0x0], $0xffff  }
0x9a: {  	v7 =	vadd.s32 $0xF738, v6;
	v49 =	vadd.s32 $0x10060, v6;
	v1 =	vadd.s32 $0x10988, v6;
	v59 =	vld.idx.msk [tilespmem:v48+s2+$0x0], $0xffff  }
0x9b: {  	v41 =	vadd.f32 v47, v41;
	v40 =	vadd.f32 v2, v40;
	v48 =	vadd.s32 $0x112B0, v6;
	v6 =	vld.idx.msk [tilespmem:v50+s2+$0x0], $0xffff  }
0x9c: {  	v39 =	vadd.f32 v3, v39;
	v38 =	vadd.f32 v4, v38;
	v13 =	vld.idx.msk [tilespmem:v13+s2+$0x0], $0xffff  }
0x9d: {  	v37 =	vadd.f32 v5, v37;
	v36 =	vadd.f32 v51, v36;
	v2 =	vld.idx.msk [tilespmem:v14+s2+$0x0], $0xffff  }
.Ltmp1:
0x9e: {  	v35 =	vadd.f32 v55, v35;
	v34 =	vadd.f32 v57, v34;
	v3 =	vld.idx.msk [tilespmem:v52+s2+$0x0], $0xffff;
	(pc) =	sbr.rel @p0 .LBB2_5-.Ltmp1, $4  }
0x9f: {  	s22 =	smin.u32 s20, $0x1F;
	s20 =	smov.u32 s21;
	v33 =	vadd.f32 v58, v33;
	v4 =	vld.idx.msk [tilespmem:v53+s2+$0x0], $0xffff  }
0xa0: {  	s22 =	sshll.u32 s22, $0x9;
	v32 =	vadd.f32 v59, v32;
	v5 =	vld.idx.msk [tilespmem:v54+s2+$0x0], $0xffff  }
0xa1: {  	s22 =	sadd.s32 s22, s19;
	v45 =	vadd.f32 v6, v45;
	v47 =	vld.idx.msk [tilespmem:v56+s2+$0x0], $0xffff  }
0xa2: {  	s21 =	sadd.s32 $0x1, s21;
	v46 =	vadd.f32 v13, v46;
	v6 =	vld [tilespmem:s22+$0x0]  }
0xa3: {  	_ =	sdelay $0x3  }
0xa4: {  	v11 =	vld.idx.msk [tilespmem:v11+s2+$0x0], $0xffff  }
0xa5: {  	v9 =	vld.idx.msk [tilespmem:v9+s2+$0x0], $0xffff  }
0xa6: {  	v12 =	vld.idx.msk [tilespmem:v12+s2+$0x0], $0xffff  }
0xa7: {  	v10 =	vld.idx.msk [tilespmem:v10+s2+$0x0], $0xffff  }
0xa8: {  	v8 =	vld.idx.msk [tilespmem:v8+s2+$0x0], $0xffff;
	v13 =	vadd.s32 $0x11BD8, v6  }
0xa9: {  	v7 =	vld.idx.msk [tilespmem:v7+s2+$0x0], $0xffff;
	v14 =	vadd.s32 $0x9280, v6  }
0xaa: {  	v49 =	vld.idx.msk [tilespmem:v49+s2+$0x0], $0xffff;
	v50 =	vadd.s32 $0x9BA8, v6  }
0xab: {  	v1 =	vld.idx.msk [tilespmem:v1+s2+$0x0], $0xffff;
	v51 =	vadd.s32 $0xA4D0, v6  }
0xac: {  	v48 =	vld.idx.msk [tilespmem:v48+s2+$0x0], $0xffff;
	v52 =	vadd.s32 $0xADF8, v6  }
0xad: {  	v53 =	vadd.s32 $0xB720, v6;
	v13 =	vld.idx.msk [tilespmem:v13+s2+$0x0], $0xffff  }
0xae: {  	v54 =	vadd.s32 $0xC048, v6;
	v14 =	vld.idx.msk [tilespmem:v14+s2+$0x0], $0xffff  }
0xaf: {  	v55 =	vadd.s32 $0xC970, v6;
	v50 =	vld.idx.msk [tilespmem:v50+s2+$0x0], $0xffff  }
0xb0: {  	v56 =	vadd.s32 $0xD298, v6;
	v51 =	vld.idx.msk [tilespmem:v51+s2+$0x0], $0xffff  }
0xb1: {  	v57 =	vadd.s32 $0xDBC0, v6;
	v52 =	vld.idx.msk [tilespmem:v52+s2+$0x0], $0xffff  }
0xb2: {  	v58 =	vadd.s32 $0xE4E8, v6;
	v53 =	vld.idx.msk [tilespmem:v53+s2+$0x0], $0xffff  }
0xb3: {  	v59 =	vadd.s32 $0xEE10, v6;
	v54 =	vld.idx.msk [tilespmem:v54+s2+$0x0], $0xffff  }
0xb4: {  	v60 =	vadd.s32 $0xF738, v6;
	v55 =	vld.idx.msk [tilespmem:v55+s2+$0x0], $0xffff  }
0xb5: {  	v62 =	vadd.s32 $0x10988, v6;
	v56 =	vld.idx.msk [tilespmem:v56+s2+$0x0], $0xffff  }
0xb6: {  	v61 =	vadd.s32 $0x10060, v6;
	v57 =	vld.idx.msk [tilespmem:v57+s2+$0x0], $0xffff  }
0xb7: {  	v6 =	vadd.s32 $0x112B0, v6;
	v58 =	vld.idx.msk [tilespmem:v58+s2+$0x0], $0xffff  }
0xb8: {  	v59 =	vld.idx.msk [tilespmem:v59+s2+$0x0], $0xffff  }
0xb9: {  	v0 =	vadd.f32 v2, v0;
	v60 =	vld.idx.msk [tilespmem:v60+s2+$0x0], $0xffff  }
0xba: {  	v3 =	vadd.f32 v3, v44;
	v63 =	vld.idx.msk [tilespmem:v62+s2+$0x0], $0xffff;
	v14 =	vadd.f32 v14, v46  }
0xbb: {  	v4 =	vadd.f32 v4, v43;
	v2 =	vld.idx.msk [tilespmem:v61+s2+$0x0], $0xffff;
	v0 =	vadd.f32 v50, v0  }
0xbc: {  	v5 =	vadd.f32 v5, v42;
	v6 =	vld.idx.msk [tilespmem:v6+s2+$0x0], $0xffff;
	v3 =	vadd.f32 v51, v3;
	[tilespmem:$0x1AA80] =	vst v14  }
0xbd: {  	v1 =	vadd.f32 v1, v33;
	v4 =	vadd.f32 v52, v4;
	[tilespmem:$0x1AA90] =	vst v0  }
0xbe: {  	v5 =	vadd.f32 v53, v5;
	v14 =	vadd.f32 v47, v41;
	[tilespmem:$0x1AAA0] =	vst v3  }
0xbf: {  	v1 =	vadd.f32 v63, v1;
	v0 =	vadd.f32 v11, v40;
	[tilespmem:$0x1AAB0] =	vst v4  }
0xc0: {  	v3 =	vadd.f32 v9, v39;
	[tilespmem:$0x1AAC0] =	vst v5;
	v9 =	vadd.f32 v54, v14  }
0xc1: {  	v4 =	vadd.f32 v12, v38;
	[tilespmem:$0x1AB50] =	vst v1;
	v0 =	vadd.f32 v55, v0  }
0xc2: {  	v5 =	vadd.f32 v10, v37;
	v3 =	vadd.f32 v56, v3;
	[tilespmem:$0x1AAD0] =	vst v9  }
0xc3: {  	v8 =	vadd.f32 v8, v36;
	v4 =	vadd.f32 v57, v4;
	[tilespmem:$0x1AAE0] =	vst v0  }
0xc4: {  	v5 =	vadd.f32 v58, v5;
	v0 =	vadd.f32 v7, v35;
	[tilespmem:$0x1AAF0] =	vst v3  }
0xc5: {  	v3 =	vadd.f32 v49, v34;
	v7 =	vadd.f32 v59, v8;
	[tilespmem:$0x1AB00] =	vst v4  }
0xc6: {  	[tilespmem:$0x1AB10] =	vst v5;
	v4 =	vadd.f32 v48, v32;
	v0 =	vadd.f32 v60, v0  }
0xc7: {  	v2 =	vadd.f32 v2, v3;
	[tilespmem:$0x1AB20] =	vst v7  }
0xc8: {  	[tilespmem:$0x1AB30] =	vst v0;
	v0 =	vadd.f32 v6, v4  }
0xc9: {  	[tilespmem:$0x1AB40] =	vst v2;
	v2 =	vadd.f32 v13, v45  }
0xca: {  	[tilespmem:$0x1AB60] =	vst v0  }
0xcb: {  	[tilespmem:$0x1AB70] =	vst v2  }
0xcc: {  	v1 =	vld.idx.msk [tilespmem:v15+s14+$0x0], $0xffff  }
0xcd: {  	v59 =	vld.idx.msk [tilespmem:v16+s14+$0x0], $0xffff  }
0xce: {  	v0 =	vld.idx.msk [tilespmem:v17+s14+$0x0], $0xffff  }
0xcf: {  	v43 =	vld.idx.msk [tilespmem:v18+s14+$0x0], $0xffff  }
0xd0: {  	v42 =	vld.idx.msk [tilespmem:v19+s14+$0x0], $0xffff  }
0xd1: {  	v41 =	vld.idx.msk [tilespmem:v20+s14+$0x0], $0xffff  }
0xd2: {  	v40 =	vld.idx.msk [tilespmem:v21+s14+$0x0], $0xffff  }
0xd3: {  	s19 =	sadd.s32 $0x16500, s18;
	v39 =	vld.idx.msk [tilespmem:v22+s14+$0x0], $0xffff  }
0xd4: {  	v5 =	vld [tilespmem:s19+$0x0]  }
0xd5: {  	v38 =	vld.idx.msk [tilespmem:v23+s14+$0x0], $0xffff  }
0xd6: {  	v37 =	vld.idx.msk [tilespmem:v24+s14+$0x0], $0xffff  }
0xd7: {  	v36 =	vld.idx.msk [tilespmem:v25+s14+$0x0], $0xffff  }
0xd8: {  	v35 =	vld.idx.msk [tilespmem:v26+s14+$0x0], $0xffff  }
0xd9: {  	v34 =	vld.idx.msk [tilespmem:v27+s14+$0x0], $0xffff;
	v2 =	vadd.s32 $0x8958, v5  }
0xda: {  	v33 =	vld.idx.msk [tilespmem:v28+s14+$0x0], $0xffff;
	v3 =	vadd.s32 $0x928, v5  }
0xdb: {  	v32 =	vld.idx.msk [tilespmem:v29+s14+$0x0], $0xffff;
	v4 =	vadd.s32 $0x1250, v5  }
0xdc: {  	v10 =	vld.idx.msk [tilespmem:v30+s14+$0x0], $0xffff;
	v6 =	vadd.s32 $0x1B78, v5  }
0xdd: {  	v7 =	vadd.s32 $0x24A0, v5;
	v60 =	vld.idx.msk [tilespmem:v5+s2+$0x0], $0xffff  }
0xde: {  	v9 =	vadd.s32 $0x2DC8, v5;
	v61 =	vld.idx.msk [tilespmem:v2+s2+$0x0], $0xffff  }
0xdf: {  	v62 =	vadd.s32 $0x36F0, v5;
	v63 =	vld.idx.msk [tilespmem:v3+s2+$0x0], $0xffff  }
0xe0: {  	v2 =	vld.idx.msk [tilespmem:v4+s2+$0x0], $0xffff  }
0xe1: {  	s20 =	simm.s32 $0x1;
	v13 =	vadd.s32 $0x4018, v5;
	v3 =	vld.idx.msk [tilespmem:v6+s2+$0x0], $0xffff  }
0xe2: {  	s20 =	smin.u32 s20, $0x1F;
	v11 =	vadd.s32 $0x4940, v5;
	v4 =	vld.idx.msk [tilespmem:v7+s2+$0x0], $0xffff  }
0xe3: {  	s20 =	sshll.u32 s20, $0x9;
	v14 =	vadd.s32 $0x5268, v5;
	v12 =	vadd.s32 $0x5B90, v5;
	v8 =	vadd.s32 $0x64B8, v5;
	v7 =	vld.idx.msk [tilespmem:v9+s2+$0x0], $0xffff  }
0xe4: {  	s21 =	sadd.s32 s20, s19;
	v9 =	vadd.s32 $0x6DE0, v5;
	v6 =	vadd.s32 $0x7708, v5;
	v45 =	vadd.f32 v60, v1;
	v1 =	vld.idx.msk [tilespmem:v62+s2+$0x0], $0xffff  }
0xe5: {  	s20 =	simm.s32 $0x2;
	v5 =	vadd.s32 $0x8030, v5;
	v44 =	vadd.f32 v61, v10;
	v10 =	vld [tilespmem:s21+$0x0];
	s21 =	simm.s32 $0x3;
	v46 =	vadd.f32 v63, v59  }
.LBB2_7:
0xe6: {  	p0 =	sne.s32 s21, $0x20;
	v0 =	vadd.f32 v2, v0;
	v2 =	vld.idx.msk [tilespmem:v13+s2+$0x0], $0xffff  }
0xe7: {  	v43 =	vadd.f32 v3, v43;
	v3 =	vld.idx.msk [tilespmem:v11+s2+$0x0], $0xffff  }
0xe8: {  	v42 =	vadd.f32 v4, v42;
	v4 =	vld.idx.msk [tilespmem:v14+s2+$0x0], $0xffff  }
0xe9: {  	v41 =	vadd.f32 v7, v41;
	v7 =	vld.idx.msk [tilespmem:v12+s2+$0x0], $0xffff  }
0xea: {  	v47 =	vadd.s32 $0x928, v10;
	v48 =	vadd.s32 $0x1250, v10;
	v49 =	vadd.s32 $0x8958, v10;
	v50 =	vld.idx.msk [tilespmem:v8+s2+$0x0], $0xffff  }
0xeb: {  	v51 =	vadd.s32 $0x1B78, v10;
	v52 =	vadd.s32 $0x24A0, v10;
	v53 =	vadd.s32 $0x2DC8, v10;
	v54 =	vld.idx.msk [tilespmem:v9+s2+$0x0], $0xffff  }
0xec: {  	v55 =	vadd.s32 $0x36F0, v10;
	v13 =	vadd.s32 $0x4018, v10;
	v11 =	vadd.s32 $0x4940, v10;
	v56 =	vld.idx.msk [tilespmem:v6+s2+$0x0], $0xffff  }
0xed: {  	v14 =	vadd.s32 $0x5268, v10;
	v12 =	vadd.s32 $0x5B90, v10;
	v8 =	vadd.s32 $0x64B8, v10;
	v57 =	vld.idx.msk [tilespmem:v5+s2+$0x0], $0xffff  }
0xee: {  	v9 =	vadd.s32 $0x6DE0, v10;
	v6 =	vadd.s32 $0x7708, v10;
	v5 =	vadd.s32 $0x8030, v10;
	v58 =	vld.idx.msk [tilespmem:v10+s2+$0x0], $0xffff  }
0xef: {  	v40 =	vadd.f32 v1, v40;
	v39 =	vadd.f32 v2, v39;
	v10 =	vld.idx.msk [tilespmem:v49+s2+$0x0], $0xffff  }
0xf0: {  	v38 =	vadd.f32 v3, v38;
	v37 =	vadd.f32 v4, v37;
	v47 =	vld.idx.msk [tilespmem:v47+s2+$0x0], $0xffff  }
0xf1: {  	v36 =	vadd.f32 v7, v36;
	v35 =	vadd.f32 v50, v35;
	v2 =	vld.idx.msk [tilespmem:v48+s2+$0x0], $0xffff  }
.Ltmp2:
0xf2: {  	v34 =	vadd.f32 v54, v34;
	v33 =	vadd.f32 v56, v33;
	v3 =	vld.idx.msk [tilespmem:v51+s2+$0x0], $0xffff;
	(pc) =	sbr.rel @p0 .LBB2_7-.Ltmp2, $4  }
0xf3: {  	s22 =	smin.u32 s20, $0x1F;
	s20 =	smov.u32 s21;
	v32 =	vadd.f32 v57, v32;
	v4 =	vld.idx.msk [tilespmem:v52+s2+$0x0], $0xffff  }
0xf4: {  	s22 =	sshll.u32 s22, $0x9;
	v45 =	vadd.f32 v58, v45;
	v7 =	vld.idx.msk [tilespmem:v53+s2+$0x0], $0xffff  }
0xf5: {  	s22 =	sadd.s32 s22, s19;
	v44 =	vadd.f32 v10, v44;
	v1 =	vld.idx.msk [tilespmem:v55+s2+$0x0], $0xffff  }
0xf6: {  	s21 =	sadd.s32 $0x1, s21;
	v46 =	vadd.f32 v47, v46;
	v10 =	vld [tilespmem:s22+$0x0]  }
0xf7: {  	_ =	sdelay $0x3  }
0xf8: {  	v13 =	vld.idx.msk [tilespmem:v13+s2+$0x0], $0xffff  }
0xf9: {  	v11 =	vld.idx.msk [tilespmem:v11+s2+$0x0], $0xffff  }
0xfa: {  	v14 =	vld.idx.msk [tilespmem:v14+s2+$0x0], $0xffff  }
0xfb: {  	v12 =	vld.idx.msk [tilespmem:v12+s2+$0x0], $0xffff  }
0xfc: {  	v8 =	vld.idx.msk [tilespmem:v8+s2+$0x0], $0xffff;
	v47 =	vadd.s32 $0x8958, v10  }
0xfd: {  	v9 =	vld.idx.msk [tilespmem:v9+s2+$0x0], $0xffff;
	v48 =	vadd.s32 $0x928, v10  }
0xfe: {  	v6 =	vld.idx.msk [tilespmem:v6+s2+$0x0], $0xffff;
	v49 =	vadd.s32 $0x1250, v10  }
0xff: {  	v5 =	vld.idx.msk [tilespmem:v5+s2+$0x0], $0xffff;
	v50 =	vadd.s32 $0x1B78, v10  }
0x100: {  	v51 =	vadd.s32 $0x24A0, v10;
	v52 =	vld.idx.msk [tilespmem:v10+s2+$0x0], $0xffff  }
0x101: {  	v53 =	vadd.s32 $0x2DC8, v10;
	v54 =	vld.idx.msk [tilespmem:v47+s2+$0x0], $0xffff  }
0x102: {  	v24 =	vadd.s32 $0x36F0, v10;
	v48 =	vld.idx.msk [tilespmem:v48+s2+$0x0], $0xffff  }
0x103: {  	v55 =	vadd.s32 $0x4018, v10;
	v49 =	vld.idx.msk [tilespmem:v49+s2+$0x0], $0xffff  }
0x104: {  	v56 =	vadd.s32 $0x4940, v10;
	v50 =	vld.idx.msk [tilespmem:v50+s2+$0x0], $0xffff  }
0x105: {  	v57 =	vadd.s32 $0x5268, v10;
	v51 =	vld.idx.msk [tilespmem:v51+s2+$0x0], $0xffff  }
0x106: {  	v58 =	vadd.s32 $0x5B90, v10;
	v53 =	vld.idx.msk [tilespmem:v53+s2+$0x0], $0xffff  }
0x107: {  	v59 =	vadd.s32 $0x64B8, v10;
	v47 =	vld.idx.msk [tilespmem:v24+s2+$0x0], $0xffff  }
0x108: {  	v60 =	vadd.s32 $0x6DE0, v10;
	v62 =	vld.idx.msk [tilespmem:v55+s2+$0x0], $0xffff  }
0x109: {  	v25 =	vadd.s32 $0x7708, v10;
	v56 =	vld.idx.msk [tilespmem:v56+s2+$0x0], $0xffff  }
0x10a: {  	v10 =	vadd.s32 $0x8030, v10;
	v15 =	vld.idx.msk [tilespmem:v57+s2+$0x0], $0xffff  }
0x10b: {  	v58 =	vld.idx.msk [tilespmem:v58+s2+$0x0], $0xffff  }
0x10c: {  	v0 =	vadd.f32 v2, v0;
	v16 =	vld.idx.msk [tilespmem:v59+s2+$0x0], $0xffff  }
0x10d: {  	v3 =	vadd.f32 v3, v43;
	v60 =	vld.idx.msk [tilespmem:v60+s2+$0x0], $0xffff;
	v63 =	vadd.f32 v52, v45  }
0x10e: {  	v4 =	vadd.f32 v4, v42;
	v2 =	vld.idx.msk [tilespmem:v25+s2+$0x0], $0xffff;
	v61 =	vadd.f32 v48, v46  }
0x10f: {  	v1 =	vadd.f32 v1, v40;
	v10 =	vld.idx.msk [tilespmem:v10+s2+$0x0], $0xffff;
	[tilespmem:$0x1AB80] =	vst v63;
	v59 =	vadd.f32 v49, v0  }
0x110: {  	v0 =	vadd.f32 v7, v41;
	v57 =	vadd.f32 v50, v3;
	[tilespmem:$0x1AB90] =	vst v61  }
0x111: {  	v55 =	vadd.f32 v51, v4;
	v3 =	vadd.f32 v13, v39;
	[tilespmem:$0x1ABA0] =	vst v59  }
0x112: {  	v51 =	vadd.f32 v47, v1;
	v1 =	vadd.f32 v14, v37;
	[tilespmem:$0x1ABB0] =	vst v57  }
0x113: {  	v53 =	vadd.f32 v53, v0;
	v0 =	vadd.f32 v11, v38;
	[tilespmem:$0x1ABC0] =	vst v55  }
0x114: {  	v49 =	vadd.f32 v62, v3;
	v3 =	vadd.f32 v12, v36;
	[tilespmem:$0x1ABE0] =	vst v51  }
0x115: {  	v45 =	vadd.f32 v15, v1;
	v1 =	vadd.f32 v9, v34;
	[tilespmem:$0x1ABD0] =	vst v53  }
0x116: {  	v47 =	vadd.f32 v56, v0;
	v0 =	vadd.f32 v8, v35;
	[tilespmem:$0x1ABF0] =	vst v49  }
0x117: {  	v43 =	vadd.f32 v58, v3;
	[tilespmem:$0x1AC10] =	vst v45;
	v39 =	vadd.f32 v60, v1  }
0x118: {  	[tilespmem:$0x1AC00] =	vst v47;
	v41 =	vadd.f32 v16, v0;
	v0 =	vadd.f32 v5, v32  }
0x119: {  	v3 =	vadd.f32 v6, v33;
	v33 =	vadd.f32 v54, v44;
	[tilespmem:$0x1AC20] =	vst v43  }
0x11a: {  	[tilespmem:$0x1AC40] =	vst v39;
	v35 =	vadd.f32 v10, v0;
	v0 =	vimm.s32 $0x51  }
0x11b: {  	v37 =	vadd.f32 v2, v3;
	[tilespmem:$0x1AC70] =	vst v33  }
0x11c: {  	[tilespmem:$0x1AC30] =	vst v41  }
0x11d: {  	[tilespmem:$0x1AC50] =	vst v37  }
0x11e: {  	[tilespmem:$0x1AC60] =	vst v35  }
0x11f: {  	v15 =	vld.idx.msk [tilespmem:v0+s14+$0x0], $0xffff;
	v0 =	vimm.s32 $0x52;
	_ =	sdelay $0x4  }
0x120: {  	v58 =	vld.idx.msk [tilespmem:v0+s14+$0x0], $0xffff;
	v0 =	vimm.s32 $0x53;
	_ =	sdelay $0x3  }
0x121: {  	v1 =	vimm.s32 $0x58  }
0x122: {  	v32 =	vld.idx.msk [tilespmem:v0+s14+$0x0], $0xffff;
	v0 =	vimm.s32 $0x54;
	_ =	sdelay $0x3  }
0x123: {  	v48 =	vld.idx.msk [tilespmem:v1+s14+$0x0], $0xffff;
	v1 =	vimm.s32 $0x59  }
0x124: {  	v56 =	vld.idx.msk [tilespmem:v0+s14+$0x0], $0xffff;
	v0 =	vimm.s32 $0x55;
	_ =	sdelay $0x3  }
0x125: {  	v46 =	vld.idx.msk [tilespmem:v1+s14+$0x0], $0xffff;
	v1 =	vimm.s32 $0x5A  }
0x126: {  	v54 =	vld.idx.msk [tilespmem:v0+s14+$0x0], $0xffff;
	v0 =	vimm.s32 $0x56;
	_ =	sdelay $0x3  }
0x127: {  	v44 =	vld.idx.msk [tilespmem:v1+s14+$0x0], $0xffff;
	v1 =	vimm.s32 $0x5B  }
0x128: {  	v52 =	vld.idx.msk [tilespmem:v0+s14+$0x0], $0xffff;
	v0 =	vimm.s32 $0x57;
	_ =	sdelay $0x3  }
0x129: {  	v42 =	vld.idx.msk [tilespmem:v1+s14+$0x0], $0xffff  }
0x12a: {  	v50 =	vld.idx.msk [tilespmem:v0+s14+$0x0], $0xffff  }
0x12b: {  	v1 =	vimm.s32 $0x5C;
	v0 =	vld [tilespmem:s19+$0x0]  }
0x12c: {  	v2 =	vimm.s32 $0x5D  }
0x12d: {  	v3 =	vimm.s32 $0x5E  }
0x12e: {  	v4 =	vimm.s32 $0x5F;
	_ =	sdelay $0x1  }
0x12f: {  	v40 =	vld.idx.msk [tilespmem:v1+s14+$0x0], $0xffff;
	v1 =	vadd.s32 $0x11BD8, v0  }
0x130: {  	v38 =	vld.idx.msk [tilespmem:v2+s14+$0x0], $0xffff;
	v2 =	vadd.s32 $0x9280, v0  }
0x131: {  	v36 =	vld.idx.msk [tilespmem:v3+s14+$0x0], $0xffff;
	v3 =	vadd.s32 $0x9BA8, v0  }
0x132: {  	v34 =	vld.idx.msk [tilespmem:v4+s14+$0x0], $0xffff;
	v4 =	vadd.s32 $0xA4D0, v0  }
0x133: {  	v8 =	vld.idx.msk [tilespmem:v31+s14+$0x0], $0xffff;
	v5 =	vadd.s32 $0xADF8, v0  }
0x134: {  	v6 =	vadd.s32 $0xB720, v0;
	v26 =	vld.idx.msk [tilespmem:v1+s2+$0x0], $0xffff  }
0x135: {  	v1 =	vadd.s32 $0xC048, v0;
	v27 =	vld.idx.msk [tilespmem:v2+s2+$0x0], $0xffff  }
0x136: {  	v3 =	vld.idx.msk [tilespmem:v3+s2+$0x0], $0xffff  }
0x137: {  	s20 =	simm.s32 $0x1;
	v13 =	vadd.s32 $0xC970, v0;
	v4 =	vld.idx.msk [tilespmem:v4+s2+$0x0], $0xffff  }
0x138: {  	s20 =	smin.u32 s20, $0x1F;
	v11 =	vadd.s32 $0xD298, v0;
	v5 =	vld.idx.msk [tilespmem:v5+s2+$0x0], $0xffff  }
0x139: {  	s20 =	sshll.u32 s20, $0x9;
	v14 =	vadd.s32 $0xDBC0, v0;
	v12 =	vadd.s32 $0xE4E8, v0;
	v10 =	vadd.s32 $0xEE10, v0;
	v7 =	vld.idx.msk [tilespmem:v6+s2+$0x0], $0xffff  }
0x13a: {  	s21 =	sadd.s32 s20, s19;
	v9 =	vadd.s32 $0xF738, v0;
	v62 =	vadd.s32 $0x10988, v0;
	v6 =	vadd.s32 $0x10060, v0;
	v1 =	vld.idx.msk [tilespmem:v1+s2+$0x0], $0xffff  }
0x13b: {  	s20 =	simm.s32 $0x2;
	v2 =	vadd.s32 $0x112B0, v0;
	v0 =	vadd.f32 v26, v8;
	v8 =	vld [tilespmem:s21+$0x0];
	s21 =	simm.s32 $0x3;
	v60 =	vadd.f32 v27, v15  }
.LBB2_9:
0x13c: {  	p0 =	sne.s32 s21, $0x20;
	v58 =	vadd.f32 v3, v58;
	v3 =	vld.idx.msk [tilespmem:v13+s2+$0x0], $0xffff  }
0x13d: {  	v32 =	vadd.f32 v4, v32;
	v4 =	vld.idx.msk [tilespmem:v11+s2+$0x0], $0xffff  }
0x13e: {  	v56 =	vadd.f32 v5, v56;
	v5 =	vld.idx.msk [tilespmem:v14+s2+$0x0], $0xffff  }
0x13f: {  	v54 =	vadd.f32 v7, v54;
	v7 =	vld.idx.msk [tilespmem:v12+s2+$0x0], $0xffff  }
0x140: {  	v15 =	vadd.s32 $0x9280, v8;
	v16 =	vadd.s32 $0x9BA8, v8;
	v17 =	vadd.s32 $0x11BD8, v8;
	v18 =	vld.idx.msk [tilespmem:v10+s2+$0x0], $0xffff  }
0x141: {  	v19 =	vadd.s32 $0xA4D0, v8;
	v20 =	vadd.s32 $0xADF8, v8;
	v21 =	vadd.s32 $0xB720, v8;
	v22 =	vld.idx.msk [tilespmem:v9+s2+$0x0], $0xffff  }
0x142: {  	v23 =	vadd.s32 $0xC048, v8;
	v13 =	vadd.s32 $0xC970, v8;
	v11 =	vadd.s32 $0xD298, v8;
	v24 =	vld.idx.msk [tilespmem:v6+s2+$0x0], $0xffff  }
0x143: {  	v14 =	vadd.s32 $0xDBC0, v8;
	v12 =	vadd.s32 $0xE4E8, v8;
	v10 =	vadd.s32 $0xEE10, v8;
	v25 =	vld.idx.msk [tilespmem:v62+s2+$0x0], $0xffff  }
0x144: {  	v9 =	vadd.s32 $0xF738, v8;
	v6 =	vadd.s32 $0x10060, v8;
	v62 =	vadd.s32 $0x10988, v8;
	v26 =	vld.idx.msk [tilespmem:v2+s2+$0x0], $0xffff  }
0x145: {  	v52 =	vadd.f32 v1, v52;
	v50 =	vadd.f32 v3, v50;
	v2 =	vadd.s32 $0x112B0, v8;
	v8 =	vld.idx.msk [tilespmem:v17+s2+$0x0], $0xffff  }
0x146: {  	v48 =	vadd.f32 v4, v48;
	v46 =	vadd.f32 v5, v46;
	v15 =	vld.idx.msk [tilespmem:v15+s2+$0x0], $0xffff  }
0x147: {  	v44 =	vadd.f32 v7, v44;
	v42 =	vadd.f32 v18, v42;
	v3 =	vld.idx.msk [tilespmem:v16+s2+$0x0], $0xffff  }
.Ltmp3:
0x148: {  	v40 =	vadd.f32 v22, v40;
	v38 =	vadd.f32 v24, v38;
	v4 =	vld.idx.msk [tilespmem:v19+s2+$0x0], $0xffff;
	(pc) =	sbr.rel @p0 .LBB2_9-.Ltmp3, $4  }
0x149: {  	s22 =	smin.u32 s20, $0x1F;
	s20 =	smov.u32 s21;
	v36 =	vadd.f32 v25, v36;
	v5 =	vld.idx.msk [tilespmem:v20+s2+$0x0], $0xffff  }
0x14a: {  	s22 =	sshll.u32 s22, $0x9;
	v34 =	vadd.f32 v26, v34;
	v7 =	vld.idx.msk [tilespmem:v21+s2+$0x0], $0xffff  }
0x14b: {  	s22 =	sadd.s32 s22, s19;
	v0 =	vadd.f32 v8, v0;
	v1 =	vld.idx.msk [tilespmem:v23+s2+$0x0], $0xffff  }
0x14c: {  	s21 =	sadd.s32 $0x1, s21;
	v60 =	vadd.f32 v15, v60;
	v8 =	vld [tilespmem:s22+$0x0]  }
0x14d: {  	_ =	sdelay $0x3  }
0x14e: {  	v13 =	vld.idx.msk [tilespmem:v13+s2+$0x0], $0xffff  }
0x14f: {  	v11 =	vld.idx.msk [tilespmem:v11+s2+$0x0], $0xffff  }
0x150: {  	v14 =	vld.idx.msk [tilespmem:v14+s2+$0x0], $0xffff  }
0x151: {  	v12 =	vld.idx.msk [tilespmem:v12+s2+$0x0], $0xffff  }
0x152: {  	v10 =	vld.idx.msk [tilespmem:v10+s2+$0x0], $0xffff;
	v15 =	vadd.s32 $0x11BD8, v8  }
0x153: {  	v9 =	vld.idx.msk [tilespmem:v9+s2+$0x0], $0xffff;
	v16 =	vadd.s32 $0x9280, v8  }
0x154: {  	v6 =	vld.idx.msk [tilespmem:v6+s2+$0x0], $0xffff;
	v17 =	vadd.s32 $0x9BA8, v8  }
0x155: {  	v19 =	vld.idx.msk [tilespmem:v62+s2+$0x0], $0xffff;
	v18 =	vadd.s32 $0xA4D0, v8  }
0x156: {  	v2 =	vld.idx.msk [tilespmem:v2+s2+$0x0], $0xffff;
	v20 =	vadd.s32 $0xADF8, v8  }
0x157: {  	v21 =	vadd.s32 $0xB720, v8;
	v15 =	vld.idx.msk [tilespmem:v15+s2+$0x0], $0xffff  }
0x158: {  	v22 =	vadd.s32 $0xC048, v8;
	v16 =	vld.idx.msk [tilespmem:v16+s2+$0x0], $0xffff  }
0x159: {  	v23 =	vadd.s32 $0xC970, v8;
	v17 =	vld.idx.msk [tilespmem:v17+s2+$0x0], $0xffff  }
0x15a: {  	v24 =	vadd.s32 $0xD298, v8;
	v18 =	vld.idx.msk [tilespmem:v18+s2+$0x0], $0xffff  }
0x15b: {  	v25 =	vadd.s32 $0xDBC0, v8;
	v20 =	vld.idx.msk [tilespmem:v20+s2+$0x0], $0xffff  }
0x15c: {  	v26 =	vadd.s32 $0xE4E8, v8;
	v21 =	vld.idx.msk [tilespmem:v21+s2+$0x0], $0xffff  }
0x15d: {  	v62 =	vadd.s32 $0xEE10, v8;
	v22 =	vld.idx.msk [tilespmem:v22+s2+$0x0], $0xffff  }
0x15e: {  	v27 =	vadd.s32 $0xF738, v8;
	v23 =	vld.idx.msk [tilespmem:v23+s2+$0x0], $0xffff  }
0x15f: {  	v28 =	vadd.s32 $0x10060, v8;
	v24 =	vld.idx.msk [tilespmem:v24+s2+$0x0], $0xffff  }
0x160: {  	v29 =	vadd.s32 $0x10988, v8;
	v25 =	vld.idx.msk [tilespmem:v25+s2+$0x0], $0xffff  }
0x161: {  	v8 =	vadd.s32 $0x112B0, v8;
	v26 =	vld.idx.msk [tilespmem:v26+s2+$0x0], $0xffff  }
0x162: {  	v30 =	vld.idx.msk [tilespmem:v62+s2+$0x0], $0xffff  }
0x163: {  	v3 =	vadd.f32 v3, v58;
	v4 =	vadd.f32 v4, v32;
	v27 =	vld.idx.msk [tilespmem:v27+s2+$0x0], $0xffff  }
0x164: {  	v5 =	vadd.f32 v5, v56;
	v28 =	vld.idx.msk [tilespmem:v28+s2+$0x0], $0xffff;
	v32 =	vadd.f32 v16, v60  }
0x165: {  	v7 =	vadd.f32 v7, v54;
	v16 =	vld.idx.msk [tilespmem:v29+s2+$0x0], $0xffff;
	v62 =	vadd.f32 v17, v3  }
0x166: {  	v1 =	vadd.f32 v1, v52;
	v3 =	vld.idx.msk [tilespmem:v8+s2+$0x0], $0xffff;
	v60 =	vadd.f32 v18, v4;
	[tilespmem:$0x1AC80] =	vst v32  }
0x167: {  	v50 =	vadd.f32 v13, v50;
	v58 =	vadd.f32 v20, v5;
	[tilespmem:$0x1AC90] =	vst v62  }
0x168: {  	v56 =	vadd.f32 v21, v7;
	v8 =	vadd.f32 v11, v48;
	[tilespmem:$0x1ACA0] =	vst v60  }
0x169: {  	v54 =	vadd.f32 v22, v1;
	v11 =	vadd.f32 v14, v46;
	[tilespmem:$0x1ACB0] =	vst v58  }
0x16a: {  	v52 =	vadd.f32 v23, v50;
	v46 =	vadd.f32 v12, v44;
	[tilespmem:$0x1ACC0] =	vst v56  }
0x16b: {  	v50 =	vadd.f32 v24, v8;
	[tilespmem:$0x1ACD0] =	vst v54;
	v8 =	vadd.f32 v10, v42  }
0x16c: {  	v48 =	vadd.f32 v25, v11;
	[tilespmem:$0x1ACE0] =	vst v52;
	v10 =	vadd.f32 v9, v40  }
0x16d: {  	v46 =	vadd.f32 v26, v46;
	v11 =	vadd.f32 v6, v38;
	[tilespmem:$0x1ACF0] =	vst v50  }
0x16e: {  	v6 =	vadd.f32 v2, v34;
	v34 =	vadd.f32 v15, v0;
	[tilespmem:$0x1AD00] =	vst v48  }
0x16f: {  	v44 =	vadd.f32 v30, v8;
	[tilespmem:$0x1AD10] =	vst v46  }
0x170: {  	v38 =	vadd.f32 v19, v36;
	v42 =	vadd.f32 v27, v10;
	[tilespmem:$0x1AD70] =	vst v34  }
0x171: {  	v40 =	vadd.f32 v28, v11;
	[tilespmem:$0x1AD20] =	vst v44  }
0x172: {  	v9 =	vimm.s32 $0x1;
	v38 =	vadd.f32 v16, v38;
	[tilespmem:$0x1AD30] =	vst v42  }
0x173: {  	v36 =	vadd.f32 v3, v6;
	[tilespmem:$0x1AD40] =	vst v40  }
0x174: {  	[tilespmem:$0x1AD50] =	vst v38  }
0x175: {  	v7 =	vld [tilespmem:$0x1A980];
	[tilespmem:$0x1AD60] =	vst v36  }
0x176: {  	v10 =	vimm.s32 $0x61;
	v8 =	vld [tilespmem:s18+$0x1A500]  }
0x177: {  	v2 =	vld.idx.msk [tilespmem:v9+s14+$0x0], $0xffff;
	v9 =	vimm.s32 $0x21  }
0x178: {  	v11 =	vmax.f32 v63, $0.0e+00  }
0x179: {  	v63 =	vmin.f32 v11, $1.000000000e+00;
	v11 =	vimm.s32 $0x2  }
0x17a: {  	v5 =	vld [tilespmem:$0x1A990]  }
0x17b: {  	v0 =	vmax.f32 v7, $0.0e+00;
	v3 =	vld.idx.msk [tilespmem:v10+s14+$0x0], $0xffff  }
0x17c: {  	v0 =	vmin.f32 v0, $1.000000000e+00;
	vm0 =	veq.s32 v8, $0x0;
	v4 =	vld.idx.msk [tilespmem:v9+s14+$0x0], $0xffff  }
0x17d: {  	v10 =	vsel vm0, v0, v63  }
0x17e: {  	v6 =	vld.idx.msk [tilespmem:v11+s14+$0x0], $0xffff;
	v11 =	vimm.s32 $0x22;
	v2 =	vmul.f32 v10, v2  }
0x17f: {  	v8 =	vmax.f32 v5, $0.0e+00;
	v9 =	vmax.f32 v61, $0.0e+00;
	v0 =	vsel vm0, v63, v0;
	v10 =	vld [tilespmem:$0x1A9A0]  }
0x180: {  	v63 =	vadd.f32 v2, v3;
	v3 =	vmin.f32 v9, $1.000000000e+00;
	v9 =	vimm.s32 $0x3  }
0x181: {  	v2 =	vmin.f32 v8, $1.000000000e+00;
	v0 =	vmul.f32 v0, v4  }
0x182: {  	v61 =	vsel vm0, v2, v3  }
0x183: {  	v4 =	vld.idx.msk [tilespmem:v11+s14+$0x0], $0xffff;
	v0 =	vadd.f32 v63, v0;
	v63 =	vmul.f32 v61, v6;
	v61 =	vimm.s32 $0x23  }
0x184: {  	v11 =	vmax.f32 v59, $0.0e+00;
	v59 =	vld [tilespmem:$0x1A9B0];
	v10 =	vmax.f32 v10, $0.0e+00  }
0x185: {  	v1 =	vmin.f32 v10, $1.000000000e+00;
	v10 =	vimm.s32 $0x4;
	v6 =	vld.idx.msk [tilespmem:v9+s14+$0x0], $0xffff;
	_ =	sdelay $0x1  }
0x186: {  	v2 =	vsel vm0, v3, v2  }
0x187: {  	v3 =	vmin.f32 v11, $1.000000000e+00;
	v2 =	vmul.f32 v2, v4;
	v4 =	vld.idx.msk [tilespmem:v61+s14+$0x0], $0xffff  }
0x188: {  	v0 =	vadd.f32 v63, v0;
	v63 =	vsel vm0, v1, v3;
	v11 =	vmax.f32 v59, $0.0e+00;
	v59 =	vld [tilespmem:$0x1A9C0]  }
0x189: {  	v61 =	vimm.s32 $0x24;
	v9 =	vmul.f32 v63, v6;
	v6 =	vld.idx.msk [tilespmem:v10+s14+$0x0], $0xffff  }
0x18a: {  	v57 =	vmax.f32 v57, $0.0e+00;
	v0 =	vadd.f32 v0, v2  }
0x18b: {  	v1 =	vsel vm0, v3, v1;
	v3 =	vmin.f32 v57, $1.000000000e+00;
	v10 =	vimm.s32 $0x5  }
0x18c: {  	v2 =	vmin.f32 v11, $1.000000000e+00;
	v0 =	vadd.f32 v9, v0;
	v1 =	vmul.f32 v1, v4  }
0x18d: {  	v63 =	vsel vm0, v2, v3;
	v11 =	vmax.f32 v59, $0.0e+00  }
0x18e: {  	v59 =	vimm.s32 $0x25;
	v4 =	vld.idx.msk [tilespmem:v61+s14+$0x0], $0xffff;
	v0 =	vadd.f32 v0, v1;
	v9 =	vmul.f32 v63, v6;
	_ =	sdelay $0x1  }
0x18f: {  	v6 =	vld.idx.msk [tilespmem:v10+s14+$0x0], $0xffff;
	v0 =	vadd.f32 v9, v0;
	v9 =	vimm.s32 $0x6  }
0x190: {  	v55 =	vmax.f32 v55, $0.0e+00;
	v57 =	vld [tilespmem:$0x1A9D0]  }
0x191: {  	v2 =	vsel vm0, v3, v2;
	v3 =	vmin.f32 v55, $1.000000000e+00  }
0x192: {  	v55 =	vimm.s32 $0x26;
	v1 =	vmin.f32 v11, $1.000000000e+00;
	v2 =	vmul.f32 v2, v4;
	v4 =	vld.idx.msk [tilespmem:v59+s14+$0x0], $0xffff  }
0x193: {  	v11 =	vmax.f32 v53, $0.0e+00;
	v53 =	vld [tilespmem:$0x1A9E0];
	v61 =	vsel vm0, v1, v3  }
0x194: {  	v63 =	vmul.f32 v61, v6;
	v61 =	vimm.s32 $0x7;
	v6 =	vld.idx.msk [tilespmem:v9+s14+$0x0], $0xffff  }
0x195: {  	v10 =	vmax.f32 v57, $0.0e+00  }
0x196: {  	v1 =	vsel vm0, v3, v1;
	v3 =	vmin.f32 v11, $1.000000000e+00;
	v0 =	vadd.f32 v0, v2  }
0x197: {  	v2 =	vmin.f32 v10, $1.000000000e+00;
	v10 =	vimm.s32 $0x27;
	v1 =	vmul.f32 v1, v4;
	v4 =	vld.idx.msk [tilespmem:v55+s14+$0x0], $0xffff  }
0x198: {  	v57 =	vsel vm0, v2, v3;
	v0 =	vadd.f32 v63, v0  }
0x199: {  	v63 =	vmax.f32 v53, $0.0e+00;
	v53 =	vimm.s32 $0x8;
	v59 =	vmul.f32 v57, v6;
	v6 =	vld.idx.msk [tilespmem:v61+s14+$0x0], $0xffff  }
0x19a: {  	v8 =	vmax.f32 v51, $0.0e+00;
	v9 =	vld [tilespmem:$0x1A9F0]  }
0x19b: {  	v2 =	vsel vm0, v3, v2;
	v3 =	vmin.f32 v8, $1.000000000e+00;
	v0 =	vadd.f32 v0, v1  }
0x19c: {  	v1 =	vmin.f32 v63, $1.000000000e+00;
	v61 =	vimm.s32 $0x28;
	v2 =	vmul.f32 v2, v4;
	v4 =	vld.idx.msk [tilespmem:v10+s14+$0x0], $0xffff  }
0x19d: {  	v11 =	vsel vm0, v1, v3;
	v0 =	vadd.f32 v59, v0  }
0x19e: {  	v10 =	vimm.s32 $0x9;
	v51 =	vmul.f32 v11, v6;
	v6 =	vld.idx.msk [tilespmem:v53+s14+$0x0], $0xffff  }
0x19f: {  	v55 =	vmax.f32 v9, $0.0e+00;
	v57 =	vmax.f32 v49, $0.0e+00;
	v0 =	vadd.f32 v0, v2  }
0x1a0: {  	v1 =	vsel vm0, v3, v1;
	v3 =	vmin.f32 v57, $1.000000000e+00;
	v59 =	vld [tilespmem:$0x1AA00];
	v2 =	vmin.f32 v55, $1.000000000e+00  }
0x1a1: {  	v1 =	vmul.f32 v1, v4;
	v4 =	vld.idx.msk [tilespmem:v61+s14+$0x0], $0xffff;
	v0 =	vadd.f32 v51, v0;
	v51 =	vimm.s32 $0x29  }
0x1a2: {  	v63 =	vsel vm0, v2, v3  }
0x1a3: {  	v57 =	vimm.s32 $0xA;
	v9 =	vmul.f32 v63, v6;
	v6 =	vld.idx.msk [tilespmem:v10+s14+$0x0], $0xffff  }
0x1a4: {  	v47 =	vmax.f32 v47, $0.0e+00;
	v8 =	vimm.s32 $0x2A;
	v49 =	vld [tilespmem:$0x1AA10]  }
0x1a5: {  	v2 =	vsel vm0, v3, v2;
	v3 =	vmin.f32 v47, $1.000000000e+00;
	v11 =	vmax.f32 v59, $0.0e+00  }
0x1a6: {  	v0 =	vadd.f32 v0, v1;
	v1 =	vmin.f32 v11, $1.000000000e+00;
	v2 =	vmul.f32 v2, v4;
	v4 =	vld.idx.msk [tilespmem:v51+s14+$0x0], $0xffff  }
0x1a7: {  	v53 =	vsel vm0, v1, v3  }
0x1a8: {  	v11 =	vimm.s32 $0xB;
	v55 =	vmul.f32 v53, v6;
	v6 =	vld.idx.msk [tilespmem:v57+s14+$0x0], $0xffff  }
0x1a9: {  	v61 =	vmax.f32 v45, $0.0e+00;
	v59 =	vmax.f32 v49, $0.0e+00;
	v0 =	vadd.f32 v9, v0  }
0x1aa: {  	v1 =	vsel vm0, v3, v1;
	v63 =	vld [tilespmem:$0x1AA20];
	v3 =	vmin.f32 v61, $1.000000000e+00;
	v51 =	vimm.s32 $0x2B  }
0x1ab: {  	v0 =	vadd.f32 v0, v2;
	v2 =	vmin.f32 v59, $1.000000000e+00;
	v1 =	vmul.f32 v1, v4;
	v4 =	vld.idx.msk [tilespmem:v8+s14+$0x0], $0xffff  }
0x1ac: {  	v9 =	vsel vm0, v2, v3  }
0x1ad: {  	v57 =	vimm.s32 $0xC;
	v10 =	vmul.f32 v9, v6;
	v6 =	vld.idx.msk [tilespmem:v11+s14+$0x0], $0xffff  }
0x1ae: {  	v47 =	vmax.f32 v43, $0.0e+00;
	v49 =	vld [tilespmem:$0x1AA30];
	v2 =	vsel vm0, v3, v2;
	v0 =	vadd.f32 v55, v0  }
0x1af: {  	v45 =	vmax.f32 v63, $0.0e+00;
	v3 =	vmin.f32 v47, $1.000000000e+00;
	v8 =	vimm.s32 $0x2C  }
0x1b0: {  	v0 =	vadd.f32 v0, v1;
	v1 =	vmin.f32 v45, $1.000000000e+00;
	v2 =	vmul.f32 v2, v4;
	v4 =	vld.idx.msk [tilespmem:v51+s14+$0x0], $0xffff  }
0x1b1: {  	v53 =	vsel vm0, v1, v3  }
0x1b2: {  	v11 =	vimm.s32 $0xD;
	v55 =	vmul.f32 v53, v6;
	v6 =	vld.idx.msk [tilespmem:v57+s14+$0x0], $0xffff  }
0x1b3: {  	v61 =	vmax.f32 v41, $0.0e+00;
	v59 =	vmax.f32 v49, $0.0e+00;
	v63 =	vld [tilespmem:$0x1AA40];
	v0 =	vadd.f32 v10, v0  }
0x1b4: {  	v47 =	vimm.s32 $0x2D;
	v1 =	vsel vm0, v3, v1;
	v3 =	vmin.f32 v61, $1.000000000e+00  }
0x1b5: {  	v0 =	vadd.f32 v0, v2;
	v2 =	vmin.f32 v59, $1.000000000e+00;
	v1 =	vmul.f32 v1, v4;
	v4 =	vld.idx.msk [tilespmem:v8+s14+$0x0], $0xffff  }
0x1b6: {  	v9 =	vsel vm0, v2, v3  }
0x1b7: {  	v53 =	vimm.s32 $0xE;
	v10 =	vmul.f32 v9, v6;
	v6 =	vld.idx.msk [tilespmem:v11+s14+$0x0], $0xffff  }
0x1b8: {  	v43 =	vmax.f32 v39, $0.0e+00;
	v45 =	vld [tilespmem:$0x1AA50];
	v41 =	vmax.f32 v63, $0.0e+00;
	v0 =	vadd.f32 v55, v0  }
0x1b9: {  	v61 =	vimm.s32 $0x2E;
	v2 =	vsel vm0, v3, v2;
	v3 =	vmin.f32 v43, $1.000000000e+00  }
0x1ba: {  	v0 =	vadd.f32 v0, v1;
	v1 =	vmin.f32 v41, $1.000000000e+00;
	v2 =	vmul.f32 v2, v4;
	v4 =	vld.idx.msk [tilespmem:v47+s14+$0x0], $0xffff  }
0x1bb: {  	v49 =	vsel vm0, v1, v3  }
0x1bc: {  	v0 =	vadd.f32 v10, v0;
	v10 =	vimm.s32 $0xF;
	v51 =	vmul.f32 v49, v6;
	v6 =	vld.idx.msk [tilespmem:v53+s14+$0x0], $0xffff  }
0x1bd: {  	v59 =	vld [tilespmem:$0x1AA60];
	v57 =	vmax.f32 v37, $0.0e+00;
	v55 =	vmax.f32 v45, $0.0e+00  }
0x1be: {  	v41 =	vimm.s32 $0x2F;
	v1 =	vsel vm0, v3, v1;
	v3 =	vmin.f32 v57, $1.000000000e+00  }
0x1bf: {  	v0 =	vadd.f32 v0, v2;
	v2 =	vmin.f32 v55, $1.000000000e+00;
	v1 =	vmul.f32 v1, v4;
	v4 =	vld.idx.msk [tilespmem:v61+s14+$0x0], $0xffff  }
0x1c0: {  	v63 =	vsel vm0, v2, v3  }
0x1c1: {  	v47 =	vimm.s32 $0x10;
	v9 =	vmul.f32 v63, v6;
	v6 =	vld.idx.msk [tilespmem:v10+s14+$0x0], $0xffff  }
0x1c2: {  	v39 =	vld [tilespmem:$0x1AA70];
	v37 =	vmax.f32 v35, $0.0e+00;
	v11 =	vmax.f32 v59, $0.0e+00;
	v0 =	vadd.f32 v51, v0  }
0x1c3: {  	v55 =	vimm.s32 $0x30;
	v2 =	vsel vm0, v3, v2;
	v3 =	vmin.f32 v37, $1.000000000e+00  }
0x1c4: {  	v0 =	vadd.f32 v0, v1;
	v1 =	vmin.f32 v11, $1.000000000e+00;
	v2 =	vmul.f32 v2, v4;
	v4 =	vld.idx.msk [tilespmem:v41+s14+$0x0], $0xffff  }
0x1c5: {  	v43 =	vsel vm0, v1, v3  }
0x1c6: {  	v61 =	vimm.s32 $0x11;
	v45 =	vmul.f32 v43, v6;
	v6 =	vld.idx.msk [tilespmem:v47+s14+$0x0], $0xffff  }
0x1c7: {  	v49 =	vmax.f32 v39, $0.0e+00;
	v53 =	vld [tilespmem:$0x1AA80];
	v51 =	vmax.f32 v33, $0.0e+00;
	v0 =	vadd.f32 v9, v0  }
0x1c8: {  	v1 =	vsel vm0, v3, v1;
	v3 =	vmin.f32 v51, $1.000000000e+00;
	v10 =	vimm.s32 $0x31  }
0x1c9: {  	v0 =	vadd.f32 v0, v2;
	v2 =	vmin.f32 v49, $1.000000000e+00;
	v1 =	vmul.f32 v1, v4;
	v4 =	vld.idx.msk [tilespmem:v55+s14+$0x0], $0xffff  }
0x1ca: {  	v57 =	vsel vm0, v2, v3  }
0x1cb: {  	v33 =	vimm.s32 $0x12;
	v59 =	vmul.f32 v57, v6;
	v6 =	vld.idx.msk [tilespmem:v61+s14+$0x0], $0xffff  }
0x1cc: {  	v8 =	vmax.f32 v32, $0.0e+00;
	v63 =	vmax.f32 v53, $0.0e+00;
	v9 =	vld [tilespmem:$0x1AA90];
	v0 =	vadd.f32 v45, v0  }
0x1cd: {  	v41 =	vimm.s32 $0x32;
	v2 =	vsel vm0, v3, v2;
	v3 =	vmin.f32 v8, $1.000000000e+00  }
0x1ce: {  	v0 =	vadd.f32 v0, v1;
	v1 =	vmin.f32 v63, $1.000000000e+00;
	v2 =	vmul.f32 v2, v4;
	v4 =	vld.idx.msk [tilespmem:v10+s14+$0x0], $0xffff  }
0x1cf: {  	v11 =	vsel vm0, v1, v3  }
0x1d0: {  	v47 =	vimm.s32 $0x13;
	v32 =	vmul.f32 v11, v6;
	v6 =	vld.idx.msk [tilespmem:v33+s14+$0x0], $0xffff  }
0x1d1: {  	v37 =	vmax.f32 v62, $0.0e+00;
	v39 =	vld [tilespmem:$0x1AAA0];
	v35 =	vmax.f32 v9, $0.0e+00;
	v0 =	vadd.f32 v59, v0  }
0x1d2: {  	v55 =	vimm.s32 $0x33;
	v1 =	vsel vm0, v3, v1;
	v3 =	vmin.f32 v37, $1.000000000e+00  }
0x1d3: {  	v0 =	vadd.f32 v0, v2;
	v2 =	vmin.f32 v35, $1.000000000e+00;
	v1 =	vmul.f32 v1, v4;
	v4 =	vld.idx.msk [tilespmem:v41+s14+$0x0], $0xffff  }
0x1d4: {  	v43 =	vsel vm0, v2, v3  }
0x1d5: {  	v51 =	vmax.f32 v60, $0.0e+00;
	v60 =	vimm.s32 $0x14;
	v45 =	vmul.f32 v43, v6;
	v6 =	vld.idx.msk [tilespmem:v47+s14+$0x0], $0xffff  }
0x1d6: {  	v49 =	vmax.f32 v39, $0.0e+00;
	v0 =	vadd.f32 v32, v0  }
0x1d7: {  	v53 =	vld [tilespmem:$0x1AAB0];
	v9 =	vimm.s32 $0x34;
	v2 =	vsel vm0, v3, v2;
	v3 =	vmin.f32 v51, $1.000000000e+00  }
0x1d8: {  	v0 =	vadd.f32 v0, v1;
	v1 =	vmin.f32 v49, $1.000000000e+00;
	v2 =	vmul.f32 v2, v4;
	v4 =	vld.idx.msk [tilespmem:v55+s14+$0x0], $0xffff  }
0x1d9: {  	v57 =	vsel vm0, v1, v3  }
0x1da: {  	v32 =	vimm.s32 $0x15;
	v59 =	vmul.f32 v57, v6;
	v6 =	vld.idx.msk [tilespmem:v60+s14+$0x0], $0xffff  }
0x1db: {  	v62 =	vmax.f32 v58, $0.0e+00;
	v39 =	vimm.s32 $0x35;
	v0 =	vadd.f32 v45, v0  }
0x1dc: {  	v63 =	vld [tilespmem:$0x1AAC0];
	v61 =	vmax.f32 v53, $0.0e+00;
	v1 =	vsel vm0, v3, v1;
	v3 =	vmin.f32 v62, $1.000000000e+00  }
0x1dd: {  	v0 =	vadd.f32 v0, v2;
	v2 =	vmin.f32 v61, $1.000000000e+00;
	v1 =	vmul.f32 v1, v4;
	v4 =	vld.idx.msk [tilespmem:v9+s14+$0x0], $0xffff  }
0x1de: {  	v10 =	vsel vm0, v2, v3  }
0x1df: {  	v45 =	vimm.s32 $0x16;
	v11 =	vmul.f32 v10, v6;
	v6 =	vld.idx.msk [tilespmem:v32+s14+$0x0], $0xffff  }
0x1e0: {  	v37 =	vld [tilespmem:$0x1AAD0];
	v53 =	vimm.s32 $0x36;
	v35 =	vmax.f32 v56, $0.0e+00;
	v0 =	vadd.f32 v59, v0  }
0x1e1: {  	v33 =	vmax.f32 v63, $0.0e+00;
	v2 =	vsel vm0, v3, v2;
	v3 =	vmin.f32 v35, $1.000000000e+00  }
0x1e2: {  	v0 =	vadd.f32 v0, v1;
	v1 =	vmin.f32 v33, $1.000000000e+00;
	v2 =	vmul.f32 v2, v4;
	v4 =	vld.idx.msk [tilespmem:v39+s14+$0x0], $0xffff  }
0x1e3: {  	v41 =	vsel vm0, v1, v3  }
0x1e4: {  	v56 =	vimm.s32 $0x17;
	v43 =	vmul.f32 v41, v6;
	v6 =	vld.idx.msk [tilespmem:v45+s14+$0x0], $0xffff  }
0x1e5: {  	v51 =	vld [tilespmem:$0x1AAE0];
	v49 =	vmax.f32 v54, $0.0e+00;
	v47 =	vmax.f32 v37, $0.0e+00;
	v0 =	vadd.f32 v11, v0  }
0x1e6: {  	v60 =	vimm.s32 $0x37;
	v1 =	vsel vm0, v3, v1;
	v3 =	vmin.f32 v49, $1.000000000e+00  }
0x1e7: {  	v0 =	vadd.f32 v0, v2;
	v2 =	vmin.f32 v47, $1.000000000e+00;
	v1 =	vmul.f32 v1, v4;
	v4 =	vld.idx.msk [tilespmem:v53+s14+$0x0], $0xffff  }
0x1e8: {  	v54 =	vsel vm0, v2, v3  }
0x1e9: {  	v63 =	vimm.s32 $0x18;
	v55 =	vmul.f32 v54, v6;
	v6 =	vld.idx.msk [tilespmem:v56+s14+$0x0], $0xffff  }
0x1ea: {  	v58 =	vmax.f32 v52, $0.0e+00;
	v57 =	vmax.f32 v51, $0.0e+00;
	v59 =	vld [tilespmem:$0x1AAF0];
	v0 =	vadd.f32 v43, v0  }
0x1eb: {  	v11 =	vimm.s32 $0x38;
	v2 =	vsel vm0, v3, v2;
	v3 =	vmin.f32 v58, $1.000000000e+00  }
0x1ec: {  	v0 =	vadd.f32 v0, v1;
	v1 =	vmin.f32 v57, $1.000000000e+00;
	v2 =	vmul.f32 v2, v4;
	v4 =	vld.idx.msk [tilespmem:v60+s14+$0x0], $0xffff  }
0x1ed: {  	v61 =	vsel vm0, v1, v3  }
0x1ee: {  	v35 =	vimm.s32 $0x19;
	v62 =	vmul.f32 v61, v6;
	v6 =	vld.idx.msk [tilespmem:v63+s14+$0x0], $0xffff  }
0x1ef: {  	v9 =	vmax.f32 v50, $0.0e+00;
	v8 =	vmax.f32 v59, $0.0e+00;
	v0 =	vadd.f32 v55, v0  }
0x1f0: {  	v10 =	vld [tilespmem:$0x1AB00];
	v43 =	vimm.s32 $0x39;
	v1 =	vsel vm0, v3, v1;
	v3 =	vmin.f32 v9, $1.000000000e+00  }
0x1f1: {  	v0 =	vadd.f32 v0, v2;
	v2 =	vmin.f32 v8, $1.000000000e+00;
	v1 =	vmul.f32 v1, v4;
	v4 =	vld.idx.msk [tilespmem:v11+s14+$0x0], $0xffff  }
0x1f2: {  	v32 =	vsel vm0, v2, v3  }
0x1f3: {  	v39 =	vmax.f32 v48, $0.0e+00;
	v48 =	vimm.s32 $0x1A;
	v33 =	vmul.f32 v32, v6;
	v6 =	vld.idx.msk [tilespmem:v35+s14+$0x0], $0xffff  }
0x1f4: {  	v52 =	vimm.s32 $0x3A;
	v0 =	vadd.f32 v62, v0  }
0x1f5: {  	v37 =	vmax.f32 v10, $0.0e+00;
	v41 =	vld [tilespmem:$0x1AB10];
	v2 =	vsel vm0, v3, v2;
	v3 =	vmin.f32 v39, $1.000000000e+00  }
0x1f6: {  	v0 =	vadd.f32 v0, v1;
	v1 =	vmin.f32 v37, $1.000000000e+00;
	v2 =	vmul.f32 v2, v4;
	v4 =	vld.idx.msk [tilespmem:v43+s14+$0x0], $0xffff  }
0x1f7: {  	v45 =	vsel vm0, v1, v3  }
0x1f8: {  	v55 =	vimm.s32 $0x1B;
	v47 =	vmul.f32 v45, v6;
	v6 =	vld.idx.msk [tilespmem:v48+s14+$0x0], $0xffff  }
0x1f9: {  	v50 =	vmax.f32 v46, $0.0e+00;
	v59 =	vimm.s32 $0x3B;
	v0 =	vadd.f32 v33, v0  }
0x1fa: {  	v51 =	vld [tilespmem:$0x1AB20];
	v49 =	vmax.f32 v41, $0.0e+00;
	v1 =	vsel vm0, v3, v1;
	v3 =	vmin.f32 v50, $1.000000000e+00  }
0x1fb: {  	v0 =	vadd.f32 v0, v2;
	v2 =	vmin.f32 v49, $1.000000000e+00;
	v1 =	vmul.f32 v1, v4;
	v4 =	vld.idx.msk [tilespmem:v52+s14+$0x0], $0xffff  }
0x1fc: {  	v53 =	vsel vm0, v2, v3  }
0x1fd: {  	v62 =	vimm.s32 $0x1C;
	v54 =	vmul.f32 v53, v6;
	v6 =	vld.idx.msk [tilespmem:v55+s14+$0x0], $0xffff  }
0x1fe: {  	v58 =	vld [tilespmem:$0x1AB30];
	v10 =	vimm.s32 $0x3C;
	v57 =	vmax.f32 v44, $0.0e+00;
	v0 =	vadd.f32 v47, v0  }
0x1ff: {  	v56 =	vmax.f32 v51, $0.0e+00;
	v2 =	vsel vm0, v3, v2;
	v3 =	vmin.f32 v57, $1.000000000e+00  }
0x200: {  	v0 =	vadd.f32 v0, v1;
	v1 =	vmin.f32 v56, $1.000000000e+00;
	v2 =	vmul.f32 v2, v4;
	v4 =	vld.idx.msk [tilespmem:v59+s14+$0x0], $0xffff  }
0x201: {  	v60 =	vsel vm0, v1, v3  }
0x202: {  	v8 =	vmax.f32 v42, $0.0e+00;
	v33 =	vimm.s32 $0x1D;
	v61 =	vmul.f32 v60, v6;
	v6 =	vld.idx.msk [tilespmem:v62+s14+$0x0], $0xffff  }
0x203: {  	v9 =	vld [tilespmem:$0x1AB40];
	v63 =	vmax.f32 v58, $0.0e+00;
	v37 =	vmax.f32 v40, $0.0e+00;
	v0 =	vadd.f32 v54, v0  }
0x204: {  	v40 =	vimm.s32 $0x3D;
	v1 =	vsel vm0, v3, v1;
	v3 =	vmin.f32 v8, $1.000000000e+00  }
0x205: {  	v0 =	vadd.f32 v0, v2;
	v2 =	vmin.f32 v63, $1.000000000e+00;
	v1 =	vmul.f32 v1, v4;
	v4 =	vld.idx.msk [tilespmem:v10+s14+$0x0], $0xffff  }
0x206: {  	v11 =	vsel vm0, v2, v3  }
0x207: {  	v43 =	vimm.s32 $0x1E;
	v32 =	vmul.f32 v11, v6;
	v6 =	vld.idx.msk [tilespmem:v33+s14+$0x0], $0xffff  }
0x208: {  	v39 =	vld [tilespmem:$0x1AB50];
	v35 =	vmax.f32 v9, $0.0e+00;
	v0 =	vadd.f32 v61, v0  }
0x209: {  	v47 =	vimm.s32 $0x3E;
	v2 =	vsel vm0, v3, v2;
	v3 =	vmin.f32 v37, $1.000000000e+00  }
0x20a: {  	v0 =	vadd.f32 v0, v1;
	v1 =	vmin.f32 v35, $1.000000000e+00;
	v2 =	vmul.f32 v2, v4;
	v4 =	vld.idx.msk [tilespmem:v40+s14+$0x0], $0xffff  }
0x20b: {  	v41 =	vsel vm0, v1, v3  }
0x20c: {  	v50 =	vimm.s32 $0x1F;
	v42 =	vmul.f32 v41, v6;
	v6 =	vld.idx.msk [tilespmem:v43+s14+$0x0], $0xffff  }
0x20d: {  	v46 =	vld [tilespmem:$0x1AB60];
	v44 =	vmax.f32 v39, $0.0e+00;
	v45 =	vmax.f32 v38, $0.0e+00;
	v0 =	vadd.f32 v32, v0  }
0x20e: {  	v54 =	vimm.s32 $0x3F;
	v1 =	vsel vm0, v3, v1;
	v3 =	vmin.f32 v45, $1.000000000e+00  }
0x20f: {  	v0 =	vadd.f32 v0, v2;
	v2 =	vmin.f32 v44, $1.000000000e+00;
	v1 =	vmul.f32 v1, v4;
	v4 =	vld.idx.msk [tilespmem:v47+s14+$0x0], $0xffff  }
0x210: {  	v48 =	vsel vm0, v2, v3  }
0x211: {  	v57 =	vimm.s32 $0x20;
	v0 =	vadd.f32 v42, v0;
	v49 =	vmul.f32 v48, v6;
	v6 =	vld.idx.msk [tilespmem:v50+s14+$0x0], $0xffff  }
0x212: {  	v51 =	vmax.f32 v46, $0.0e+00;
	v52 =	vmax.f32 v36, $0.0e+00  }
0x213: {  	v53 =	vld [tilespmem:$0x1AB70];
	v60 =	vimm.s32 $0x40;
	v2 =	vsel vm0, v3, v2;
	v0 =	vadd.f32 v0, v1  }
0x214: {  	v3 =	vmin.f32 v52, $1.000000000e+00;
	v1 =	vmin.f32 v51, $1.000000000e+00;
	v2 =	vmul.f32 v2, v4;
	v4 =	vld.idx.msk [tilespmem:v54+s14+$0x0], $0xffff  }
0x215: {  	v55 =	vsel vm0, v1, v3;
	v0 =	vadd.f32 v49, v0  }
0x216: {  	v56 =	vmul.f32 v55, v6;
	v6 =	vld.idx.msk [tilespmem:v57+s14+$0x0], $0xffff  }
0x217: {  	v59 =	vmax.f32 v34, $0.0e+00;
	v0 =	vadd.f32 v0, v2  }
0x218: {  	v58 =	vmax.f32 v53, $0.0e+00;
	v5 =	vld.idx.msk [tilespmem:v60+s14+$0x0], $0xffff;
	v1 =	vsel vm0, v3, v1;
	v3 =	vmin.f32 v59, $1.000000000e+00  }
0x219: {  	v2 =	vmin.f32 v58, $1.000000000e+00;
	v0 =	vadd.f32 v56, v0;
	v1 =	vmul.f32 v1, v4  }
0x21a: {  	v17 =	vimm.s32 $0x43;
	v61 =	vsel vm0, v2, v3  }
0x21b: {  	s17 =	sadd.s32 $0x1, s17;
	v18 =	vimm.s32 $0x44;
	v0 =	vadd.f32 v0, v1;
	v62 =	vmul.f32 v61, v6  }
0x21c: {  	p0 =	sne.s32 s17, $0x20;
	v20 =	vimm.s32 $0x46;
	v21 =	vimm.s32 $0x47;
	v2 =	vsel vm0, v3, v2  }
.Ltmp4:
0x21d: {  	v22 =	vimm.s32 $0x48;
	v63 =	vmul.f32 v2, v5;
	v0 =	vadd.f32 v62, v0;
	(pc) =	sbr.rel @p0 .LBB2_2-.Ltmp4, $4  }
0x21e: {  	v23 =	vimm.s32 $0x49;
	v29 =	vimm.s32 $0x4F;
	v15 =	vimm.s32 $0x41  }
0x21f: {  	v19 =	vimm.s32 $0x45;
	v24 =	vimm.s32 $0x4A;
	v0 =	vadd.f32 v0, v63  }
0x220: {  	v25 =	vimm.s32 $0x4B;
	v26 =	vimm.s32 $0x4C;
	v27 =	vimm.s32 $0x4D  }
0x221: {  	v28 =	vimm.s32 $0x4E;
	v30 =	vimm.s32 $0x50;
	v16 =	vimm.s32 $0x42;
	[tilespmem:s18+$0x1A780] =	vst v0  }
0x222: {  	s16 =	sadd.s32 $0x1, s16  }
0x223: {  	p0 =	sne.s32 s16, s9  }
.Ltmp5:
0x224: {  	_ = 	snop;
	(pc) =	sbr.rel @p0 .LBB2_1-.Ltmp5, $4  }
0x225: {  	[hbm4b:s8+s2] =	stream.linear.scatter [tilespmem:s15], [sflag:$0x1], $0x200, $0x38;
	[tilespmem:$0x1AD80] =	vst v63  }
0x226: {  	_ =	swait.ge [sflag:s10], $0x200  }
0x227: {  	[sflag:s10] =	ssyncset.done $0x0  }
0x228: {  	[sflag:s10] =	ssyncadd.s32 $0xFFFFFE00  }
0x229: {  	_ =	sfence.sel $0x180000  }
0x22a: {  	[bflag:$0x0] =	sbarrier.arrive $0xFFFF  }
0x22b: {  	p0 =	sne.s32 s1, $0x0;
	_ =	strace $0x90000047  }
0x22c: {  	s0 =	sadd.s32 @!p0 $0x100000, s0;
	[bflag:$0x2] =	sbarrier.arrive $0xFFFF  }
0x22d: {  	[sflag:s0] =	ssyncadd.tile.s32 @!p0 $0x1;
	_ =	shalt  }
.Lfunc_end2:
_tile_overlayer_lowered:
.L_overlay_start_2:
0x22e: {  	(tag) =	ssettag $0x2  }
0x22f: {  	s0 =	rddreg [dreg:$0x0];
	s2 =	stileid.u32  }
0x230: {  	s1 =	rddreg [dreg:$0x1];
	p0 =	sne.s32 s2, $0x0  }
0x231: {  	s3 =	rddreg [dreg:$0x2];
	[bflag:$0x3] =	sbarrier.arrive $0xFFFF;
	s2 =	simm.s32 @!p0 $0x1C01  }
0x232: {  	[timem:s3], [sflag:s2] =	dma.local @!p0 [hbm:s0], s1  }
0x233: {  	s0 =	simm.s32 @!p0 $0x1  }
0x234: {  	_ =	swait.ge @!p0 [sflag:s0], s1  }
0x235: {  	s1 =	ssub.s32 @!p0 $0x0, s1;
	[sflag:s0] =	ssyncset.done @!p0 $0x0  }
0x236: {  	[sflag:s0] =	ssyncadd.s32 @!p0 s1  }
0x237: {  	[bflag:$0x3] =	sbarrier.arrive $0xFFFF  }
0x238: {  	_ =	shalt  }

</sc_bundles>
